<compile_context>
chip_gen: v7x
topology: tpu7x:2x2x1
jax: 0.10.2.dev20260603
libtpu: 0.0.44.dev20260713+nightly
codegen_flags: <defaults>
</compile_context>

<pallas_src>
import functools

import jax
import jax.numpy as jnp
from jax import lax
from jax.experimental import pallas as pl
from jax.experimental.pallas import tpu as pltpu
from jax.experimental.pallas import tpu_sc as plsc

N = 100000
VA = 1000000
VR = 100000
D_ATOM = 64
D_RES = 32
D_OUT = 112

NC = 2
NS = 16
NW = NC * NS

CHUNK = 224
NCHUNK = 14
BPW = CHUNK * NCHUNK
NP = NW * BPW

VB = 16384
NB = 16384
HALF = 491520
NBLK_A = 32
WAR = NBLK_A * VB


def _relayout_atom(wt):
    def body(in1_ref, in2_ref, out_ref):
        y1 = in1_ref[...].T
        y2 = in2_ref[...].T
        out_ref[...] = jnp.concatenate([y1, y2], axis=1)

    return pl.pallas_call(
        body,
        grid=(NBLK_A,),
        in_specs=[
            pl.BlockSpec((64, VB), lambda b: (0, jnp.where(b < 30, b, b + 30))),
            pl.BlockSpec((64, VB),
                         lambda b: (0, jnp.where(b < 30, b + 30, b + 30))),
        ],
        out_specs=pl.BlockSpec((VB, 128), lambda b: (b, 0)),
        out_shape=jax.ShapeDtypeStruct((WAR, 128), jnp.float32),
        compiler_params=pltpu.CompilerParams(
            dimension_semantics=("arbitrary",),
            vmem_limit_bytes=100 * 1024 * 1024),
    )(wt, wt)


VRP = 102400
RPW = VRP // NW
RBLK = 640


def _make_sc_res_relayout():
    mesh = plsc.VectorSubcoreMesh(core_axis_name="c", subcore_axis_name="s")

    @functools.partial(
        pl.kernel,
        mesh=mesh,
        out_type=jax.ShapeDtypeStruct((VRP, 128), jnp.float32),
        compiler_params=pltpu.CompilerParams(needs_layout_passes=False),
        scratch_types=[
            pltpu.VMEM((32, RBLK), jnp.float32),
            pltpu.VMEM((RBLK, 128), jnp.float32),
        ],
    )
    def res_kernel(wt, wr, wtv, st):
        wid = lax.axis_index("s") * NC + lax.axis_index("c")
        vbase = wid * RPW

        def blk_body(hb, carry):
            v0 = vbase + hb * RBLK
            pltpu.sync_copy(wt.at[:, pl.ds(v0, RBLK)], wtv)

            def v_body(v, carry2):
                cols = jnp.full((16,), v, jnp.int32)
                g0 = plsc.load_gather(
                    wtv, [lax.iota(jnp.int32, 16), cols])
                g1 = plsc.load_gather(
                    wtv, [lax.iota(jnp.int32, 16) + 16, cols])
                st[v, pl.ds(0, 16)] = g0
                st[v, pl.ds(16, 16)] = g1
                return carry2

            lax.fori_loop(0, RBLK, v_body, 0)
            pltpu.sync_copy(st, wr.at[pl.ds(v0, RBLK)])
            return carry

        lax.fori_loop(0, RPW // RBLK, blk_body, 0)

    return res_kernel


_SC_RES = _make_sc_res_relayout()


def _finalize(out_sc, ch_t):
    def body(x_ref, c_ref, out_ref):
        y = x_ref[...].T
        out_ref[0:96, :] = y[0:96, :]
        out_ref[96:112, :] = c_ref[...]

    grid = pl.cdiv(N, NB)
    return pl.pallas_call(
        body,
        grid=(grid,),
        in_specs=[
            pl.BlockSpec((NB, 128), lambda b: (b, 0)),
            pl.BlockSpec((16, NB), lambda b: (0, b)),
        ],
        out_specs=pl.BlockSpec((D_OUT, NB), lambda b: (0, b)),
        out_shape=jax.ShapeDtypeStruct((D_OUT, N), jnp.float32),
        compiler_params=pltpu.CompilerParams(
            dimension_semantics=("arbitrary",),
            vmem_limit_bytes=100 * 1024 * 1024),
    )(out_sc, ch_t)


def _make_sc_kernel():
    mesh = plsc.VectorSubcoreMesh(core_axis_name="c", subcore_axis_name="s")

    @functools.partial(
        pl.kernel,
        mesh=mesh,
        out_type=jax.ShapeDtypeStruct((NP, 128), jnp.float32),
        compiler_params=pltpu.CompilerParams(needs_layout_passes=False),
        scratch_types=[
            pltpu.VMEM((CHUNK,), jnp.int32),
            pltpu.VMEM((CHUNK,), jnp.int32),
            pltpu.VMEM((CHUNK,), jnp.int32),
            pltpu.VMEM((CHUNK,), jnp.int32),
            pltpu.VMEM((CHUNK,), jnp.int32),
            pltpu.VMEM((CHUNK,), jnp.int32),
            pltpu.VMEM((CHUNK, 128), jnp.float32),
            pltpu.VMEM((CHUNK, 128), jnp.float32),
            pltpu.VMEM((CHUNK, 128), jnp.float32),
            pltpu.VMEM((CHUNK, 128), jnp.float32),
            pltpu.SemaphoreType.DMA,
            pltpu.SemaphoreType.DMA,
            pltpu.SemaphoreType.DMA,
            pltpu.SemaphoreType.DMA,
        ],
    )
    def emb_kernel(idx_a, idx_r, wa, wr, out,
                   pv0, pv1, offv0, offv1, idxr0, idxr1,
                   stage0, stage1, gr0, gr1, sa0, sa1, sr0, sr1):
        wid = lax.axis_index("s") * NC + lax.axis_index("c")
        base = wid * BPW
        pv = (pv0, pv1)
        offv = (offv0, offv1)
        idxr = (idxr0, idxr1)
        stage = (stage0, stage1)
        gr = (gr0, gr1)
        sem_a = (sa0, sa1)
        sem_r = (sr0, sr1)

        def fetch(ci, b):
            start = base + ci * CHUNK
            pltpu.sync_copy(idx_a.at[pl.ds(start, CHUNK)], pv[b])
            pltpu.sync_copy(idx_r.at[pl.ds(start, CHUNK)], idxr[b])

            def map_body(g2, carry3):
                j0 = g2 * 16
                iv = pv[b][pl.ds(j0, 16)]
                hi = iv >= HALF
                pv[b][pl.ds(j0, 16)] = iv - jnp.where(hi, HALF, 0)
                offv[b][pl.ds(j0, 16)] = jnp.where(
                    hi & (iv < 2 * HALF), 64, 0)
                return carry3

            lax.fori_loop(0, CHUNK // 16, map_body, 0)
            pltpu.async_copy(wa.at[pv[b]], stage[b], sem_a[b])
            pltpu.async_copy(wr.at[idxr[b]], gr[b], sem_r[b])

        fetch(0, 0)

        def pair_body(g, carry):
            for b in (0, 1):
                ci = 2 * g + b

                @pl.when(ci + 1 < NCHUNK)
                def _prefetch():
                    fetch(ci + 1, 1 - b)

                pltpu.make_async_copy(
                    wa.at[pv[b]], stage[b], sem_a[b]).wait()
                pltpu.make_async_copy(
                    wr.at[idxr[b]], gr[b], sem_r[b]).wait()

                def node_body(i, carry2):
                    j0 = i * 16
                    ov = offv[b][pl.ds(j0, 16)]
                    for l in range(16):
                        j = j0 + l

                        @pl.when(ov[l] != 0)
                        def _shift_atom():
                            for k in range(4):
                                stage[b][j, pl.ds(16 * k, 16)] = (
                                    stage[b][j, pl.ds(64 + 16 * k, 16)])

                        for m in range(2):
                            stage[b][j, pl.ds(64 + 16 * m, 16)] = (
                                gr[b][j, pl.ds(16 * m, 16)])
                    return carry2

                lax.fori_loop(0, CHUNK // 16, node_body, 0)
                pltpu.sync_copy(stage[b],
                                out.at[pl.ds(base + ci * CHUNK, CHUNK)])
            return carry

        lax.fori_loop(0, NCHUNK // 2, pair_body, 0)

    return emb_kernel


_SC_EMB = _make_sc_kernel()


def kernel(atom_type, residue_type, charge, W_atom, W_res):
    idx_a = atom_type.reshape(-1).astype(jnp.int32)
    idx_r = residue_type.reshape(-1).astype(jnp.int32)
    pad = (0, NP - N)
    idx_a_p = jnp.pad(idx_a, pad)
    idx_r_p = jnp.pad(idx_r, pad)
    wt_res = jnp.pad(W_res.T, ((0, 0), (0, VRP - VR)))
    wr = _SC_RES(wt_res)
    wa = _relayout_atom(W_atom.T)
    out = _SC_EMB(idx_a_p, idx_r_p, wa, wr)
    return _finalize(out, charge.T).T

# --- scband reference (transcript-rebuilt; emitter-appended) ---
"""Pipeline reference for scband-embedding-node-attrs-38955353374962 (READ-ONLY COPY).

The authoritative reference and input builder live on the scoring server;
editing this copy changes nothing except your own understanding.
"""

import jax, jax.numpy as jnp
import numpy as np

N_NODES = 100000
VOCAB_ATOM = 1000000
VOCAB_RES = 100000
D_ATOM = 64
D_RES = 32
D_NUM = 16


def setup_inputs(seed: int = 0) -> dict:
    key = jax.random.key(seed)
    k1, k2, k3, k4, k5 = jax.random.split(key, 5)
    atom_type = jax.random.randint(k1, (N_NODES,), 0, VOCAB_ATOM)
    residue_type = jax.random.randint(k2, (N_NODES,), 0, VOCAB_RES)
    charge = jax.random.normal(k3, (N_NODES, D_NUM), dtype=jnp.float32)
    # learned embedding tables, init normal(0, 1) as in the torch module
    W_atom = jax.random.normal(k4, (VOCAB_ATOM, D_ATOM), dtype=jnp.float32)
    W_res = jax.random.normal(k5, (VOCAB_RES, D_RES), dtype=jnp.float32)
    return {
        "atom_type": atom_type,
        "residue_type": residue_type,
        "charge": charge,
        "W_atom": W_atom,
        "W_res": W_res,
    }


def reference(atom_type, residue_type, charge, W_atom, W_res):
    # categorical attrs: squeeze + embedding lookup, in module-dict order
    out = []
    x = atom_type.reshape(-1)  # .squeeze()
    out.append(jnp.take(W_atom, x, axis=0))
    x = residue_type.reshape(-1)
    out.append(jnp.take(W_res, x, axis=0))
    # numerical attrs appended raw
    out.append(charge)
    node_attrs = jnp.concatenate(out, axis=-1).astype(jnp.float32)
    return node_attrs

if __name__ == "__main__":
    import jax
    _d = setup_inputs()
    print(jax.jit(kernel)(*tuple(_d.values())))

</pallas_src>

<mosaic_0001>
#map = affine_map<(d0, d1) -> (0, 0)>
module attributes {stable_mosaic.version = 14 : i64} {
  func.func @res_kernel(%arg0: i32, %arg1: i32, %arg2: memref<32x102400xf32, #tpu.memory_space<hbm>>, %arg3: memref<102400x128xf32, #tpu.memory_space<hbm>>, %arg4: memref<32x640xf32, #tpu.memory_space<vmem>>, %arg5: memref<640x128xf32, #tpu.memory_space<vmem>>) attributes {dimension_semantics = [#tpu.dimension_semantics<core_parallel>, #tpu.dimension_semantics<subcore_parallel>], iteration_bounds = array<i64: 2, 16>, scalar_prefetch = 0 : i64, scratch_operands = 2 : i64, tpu.core_type = #tpu.core_type<sc_vector_subcore>, window_params = [{transform_indices = #map}, {transform_indices = #map}]} {
    %mul3A = arith.constant 2 : i32
    %mul3A_0 = arith.muli %arg1, %mul3A : i32
    %add3A = arith.addi %mul3A_0, %arg0 : i32
    %mul3A_1 = arith.constant 3200 : i32
    %mul3A_2 = arith.muli %add3A, %mul3A_1 : i32
    %scan3A = arith.constant 0 : i32
    %scan3A_3 = arith.constant 0 : i32
    %scan3A_4 = arith.constant 5 : i32
    %scan3A_5 = arith.addi %scan3A_3, %scan3A_4 : i32
    %scan3A_6 = arith.constant 1 : i32
    scf.for %scan3A_8 = %scan3A_3 to %scan3A_5 step %scan3A_6  : i32 {
      %mul3A_9 = arith.constant 640 : i32
      %mul3A_10 = arith.muli %scan3A_8, %mul3A_9 : i32
      %add3A_11 = arith.addi %mul3A_2, %mul3A_10 : i32
      "tpu.region"() ({
        %run_scoped3A = tpu.sem_alloc : memref<!tpu.dma_semaphore, #tpu.memory_space<semaphore_mem>>
        %dma_start3A = arith.constant 0 : i32
        %dma_start3A_18 = tpu.memref_slice %arg2[%dma_start3A, %add3A_11] : memref<32x102400xf32, #tpu.memory_space<hbm>> -> memref<32x640xf32, #tpu.memory_space<hbm>>
        %dma_start3A_19 = arith.constant 0 : i32
        %dma_start3A_20 = tpu.memref_slice %arg2[%dma_start3A_19, %add3A_11] : memref<32x102400xf32, #tpu.memory_space<hbm>> -> memref<32x640xf32, #tpu.memory_space<hbm>>
        tpu.enqueue_dma source(%dma_start3A_20 : memref<32x640xf32, #tpu.memory_space<hbm>>) target(%arg4 : memref<32x640xf32, #tpu.memory_space<vmem>>) target_semaphore(%run_scoped3A : memref<!tpu.dma_semaphore, #tpu.memory_space<semaphore_mem>>)
        %dma_wait3A = arith.constant 0 : i32
        %dma_wait3A_21 = tpu.memref_slice %arg2[%dma_wait3A, %add3A_11] : memref<32x102400xf32, #tpu.memory_space<hbm>> -> memref<32x640xf32, #tpu.memory_space<hbm>>
        %dma_wait3A_22 = arith.constant 0 : i32
        %dma_wait3A_23 = tpu.memref_slice %arg2[%dma_wait3A_22, %add3A_11] : memref<32x102400xf32, #tpu.memory_space<hbm>> -> memref<32x640xf32, #tpu.memory_space<hbm>>
        tpu.wait_dma2 semaphore(%run_scoped3A : memref<!tpu.dma_semaphore, #tpu.memory_space<semaphore_mem>>) src(%dma_wait3A_23 : memref<32x640xf32, #tpu.memory_space<hbm>>) dst(%arg4 : memref<32x640xf32, #tpu.memory_space<vmem>>)
        tpu.yield
      }) : () -> ()
      %scan3A_12 = arith.constant 0 : i32
      %scan3A_13 = arith.constant 0 : i32
      %scan3A_14 = arith.constant 640 : i32
      %scan3A_15 = arith.addi %scan3A_13, %scan3A_14 : i32
      %scan3A_16 = arith.constant 1 : i32
      scf.for %scan3A_18 = %scan3A_13 to %scan3A_15 step %scan3A_16  : i32 {
        %broadcast_in_dim3A = vector.broadcast %scan3A_18 : i32 to vector<16xi32>
        %iota3A = tpu.iota {dimensions = array<i32: 0>} : vector<16xi32>
        %gather3A = tpu.vector_load_idx %arg4[%iota3A, %broadcast_in_dim3A] : memref<32x640xf32, #tpu.memory_space<vmem>>[vector<16xi32>, vector<16xi32>], vector<16xf32>,
        %iota3A_19 = tpu.iota {dimensions = array<i32: 0>} : vector<16xi32>
        %add3A_20 = arith.constant 16 : i32
        %add3A_21 = vector.broadcast %add3A_20 : i32 to vector<16xi32>
        %add3A_22 = arith.addi %iota3A_19, %add3A_21 : vector<16xi32>
        %gather3A_23 = tpu.vector_load_idx %arg4[%add3A_22, %broadcast_in_dim3A] : memref<32x640xf32, #tpu.memory_space<vmem>>[vector<16xi32>, vector<16xi32>], vector<16xf32>,
        %swap3A = arith.index_cast %scan3A_18 : i32 to index
        %swap3A_24 = arith.constant 0 : index
        %swap3A_25 = tpu.vector_load %arg5[%swap3A, %swap3A_24] {strides = array<i32>} : memref<640x128xf32, #tpu.memory_space<vmem>>, vector<16xf32>,
        tpu.vector_store %arg5[%swap3A, %swap3A_24], %gather3A {strides = array<i32>} : memref<640x128xf32, #tpu.memory_space<vmem>>, vector<16xf32>,
        %swap3A_26 = arith.index_cast %scan3A_18 : i32 to index
        %swap3A_27 = arith.constant 16 : index
        %swap3A_28 = tpu.vector_load %arg5[%swap3A_26, %swap3A_27] {strides = array<i32>} : memref<640x128xf32, #tpu.memory_space<vmem>>, vector<16xf32>,
        tpu.vector_store %arg5[%swap3A_26, %swap3A_27], %gather3A_23 {strides = array<i32>} : memref<640x128xf32, #tpu.memory_space<vmem>>, vector<16xf32>,
      }
      %scan3A_17 = arith.constant 640 : i32
      "tpu.region"() ({
        %run_scoped3A = tpu.sem_alloc : memref<!tpu.dma_semaphore, #tpu.memory_space<semaphore_mem>>
        %dma_start3A = arith.constant 0 : i32
        %dma_start3A_18 = tpu.memref_slice %arg3[%add3A_11, %dma_start3A] : memref<102400x128xf32, #tpu.memory_space<hbm>> -> memref<640x128xf32, #tpu.memory_space<hbm>>
        %dma_start3A_19 = arith.constant 0 : i32
        %dma_start3A_20 = tpu.memref_slice %arg3[%add3A_11, %dma_start3A_19] : memref<102400x128xf32, #tpu.memory_space<hbm>> -> memref<640x128xf32, #tpu.memory_space<hbm>>
        tpu.enqueue_dma source(%arg5 : memref<640x128xf32, #tpu.memory_space<vmem>>) target(%dma_start3A_20 : memref<640x128xf32, #tpu.memory_space<hbm>>) target_semaphore(%run_scoped3A : memref<!tpu.dma_semaphore, #tpu.memory_space<semaphore_mem>>)
        %dma_wait3A = arith.constant 0 : i32
        %dma_wait3A_21 = tpu.memref_slice %arg3[%add3A_11, %dma_wait3A] : memref<102400x128xf32, #tpu.memory_space<hbm>> -> memref<640x128xf32, #tpu.memory_space<hbm>>
        %dma_wait3A_22 = arith.constant 0 : i32
        %dma_wait3A_23 = tpu.memref_slice %arg3[%add3A_11, %dma_wait3A_22] : memref<102400x128xf32, #tpu.memory_space<hbm>> -> memref<640x128xf32, #tpu.memory_space<hbm>>
        tpu.wait_dma2 semaphore(%run_scoped3A : memref<!tpu.dma_semaphore, #tpu.memory_space<semaphore_mem>>) src(%arg5 : memref<640x128xf32, #tpu.memory_space<vmem>>) dst(%dma_wait3A_23 : memref<640x128xf32, #tpu.memory_space<hbm>>)
        tpu.yield
      }) : () -> ()
    }
    %scan3A_7 = arith.constant 5 : i32
    return
  }
}

#map = affine_map<(d0, d1) -> (0)>
#map1 = affine_map<(d0, d1) -> (0, 0)>
module attributes {stable_mosaic.version = 14 : i64} {
  func.func @emb_kernel(%arg0: i32, %arg1: i32, %arg2: memref<100352xi32, #tpu.memory_space<hbm>>, %arg3: memref<100352xi32, #tpu.memory_space<hbm>>, %arg4: memref<524288x128xf32, #tpu.memory_space<hbm>>, %arg5: memref<102400x128xf32, #tpu.memory_space<hbm>>, %arg6: memref<100352x128xf32, #tpu.memory_space<hbm>>, %arg7: memref<224xi32, #tpu.memory_space<vmem>>, %arg8: memref<224xi32, #tpu.memory_space<vmem>>, %arg9: memref<224xi32, #tpu.memory_space<vmem>>, %arg10: memref<224xi32, #tpu.memory_space<vmem>>, %arg11: memref<224xi32, #tpu.memory_space<vmem>>, %arg12: memref<224xi32, #tpu.memory_space<vmem>>, %arg13: memref<224x128xf32, #tpu.memory_space<vmem>>, %arg14: memref<224x128xf32, #tpu.memory_space<vmem>>, %arg15: memref<224x128xf32, #tpu.memory_space<vmem>>, %arg16: memref<224x128xf32, #tpu.memory_space<vmem>>, %arg17: memref<!tpu.dma_semaphore, #tpu.memory_space<semaphore_mem>>, %arg18: memref<!tpu.dma_semaphore, #tpu.memory_space<semaphore_mem>>, %arg19: memref<!tpu.dma_semaphore, #tpu.memory_space<semaphore_mem>>, %arg20: memref<!tpu.dma_semaphore, #tpu.memory_space<semaphore_mem>>) attributes {dimension_semantics = [#tpu.dimension_semantics<core_parallel>, #tpu.dimension_semantics<subcore_parallel>], iteration_bounds = array<i64: 2, 16>, scalar_prefetch = 0 : i64, scratch_operands = 14 : i64, tpu.core_type = #tpu.core_type<sc_vector_subcore>, window_params = [{transform_indices = #map}, {transform_indices = #map}, {transform_indices = #map1}, {transform_indices = #map1}, {transform_indices = #map1}]} {
    %mul3A = arith.constant 2 : i32
    %mul3A_0 = arith.muli %arg1, %mul3A : i32
    %add3A = arith.addi %mul3A_0, %arg0 : i32
    %mul3A_1 = arith.constant 3136 : i32
    %mul3A_2 = arith.muli %add3A, %mul3A_1 : i32
    %add3A_3 = arith.constant 0 : i32
    %add3A_4 = arith.addi %mul3A_2, %add3A_3 : i32
    "tpu.region"() ({
      %run_scoped3A = tpu.sem_alloc : memref<!tpu.dma_semaphore, #tpu.memory_space<semaphore_mem>>
      %dma_start3A_21 = tpu.memref_slice %arg2[%add3A_4] : memref<100352xi32, #tpu.memory_space<hbm>> -> memref<224xi32, #tpu.memory_space<hbm>>
      %dma_start3A_22 = tpu.memref_slice %arg2[%add3A_4] : memref<100352xi32, #tpu.memory_space<hbm>> -> memref<224xi32, #tpu.memory_space<hbm>>
      tpu.enqueue_dma source(%dma_start3A_22 : memref<224xi32, #tpu.memory_space<hbm>>) target(%arg7 : memref<224xi32, #tpu.memory_space<vmem>>) target_semaphore(%run_scoped3A : memref<!tpu.dma_semaphore, #tpu.memory_space<semaphore_mem>>)
      %dma_wait3A = tpu.memref_slice %arg2[%add3A_4] : memref<100352xi32, #tpu.memory_space<hbm>> -> memref<224xi32, #tpu.memory_space<hbm>>
      %dma_wait3A_23 = tpu.memref_slice %arg2[%add3A_4] : memref<100352xi32, #tpu.memory_space<hbm>> -> memref<224xi32, #tpu.memory_space<hbm>>
      tpu.wait_dma2 semaphore(%run_scoped3A : memref<!tpu.dma_semaphore, #tpu.memory_space<semaphore_mem>>) src(%dma_wait3A_23 : memref<224xi32, #tpu.memory_space<hbm>>) dst(%arg7 : memref<224xi32, #tpu.memory_space<vmem>>)
      tpu.yield
    }) : () -> ()
    "tpu.region"() ({
      %run_scoped3A = tpu.sem_alloc : memref<!tpu.dma_semaphore, #tpu.memory_space<semaphore_mem>>
      %dma_start3A_21 = tpu.memref_slice %arg3[%add3A_4] : memref<100352xi32, #tpu.memory_space<hbm>> -> memref<224xi32, #tpu.memory_space<hbm>>
      %dma_start3A_22 = tpu.memref_slice %arg3[%add3A_4] : memref<100352xi32, #tpu.memory_space<hbm>> -> memref<224xi32, #tpu.memory_space<hbm>>
      tpu.enqueue_dma source(%dma_start3A_22 : memref<224xi32, #tpu.memory_space<hbm>>) target(%arg11 : memref<224xi32, #tpu.memory_space<vmem>>) target_semaphore(%run_scoped3A : memref<!tpu.dma_semaphore, #tpu.memory_space<semaphore_mem>>)
      %dma_wait3A = tpu.memref_slice %arg3[%add3A_4] : memref<100352xi32, #tpu.memory_space<hbm>> -> memref<224xi32, #tpu.memory_space<hbm>>
      %dma_wait3A_23 = tpu.memref_slice %arg3[%add3A_4] : memref<100352xi32, #tpu.memory_space<hbm>> -> memref<224xi32, #tpu.memory_space<hbm>>
      tpu.wait_dma2 semaphore(%run_scoped3A : memref<!tpu.dma_semaphore, #tpu.memory_space<semaphore_mem>>) src(%dma_wait3A_23 : memref<224xi32, #tpu.memory_space<hbm>>) dst(%arg11 : memref<224xi32, #tpu.memory_space<vmem>>)
      tpu.yield
    }) : () -> ()
    %scan3A = arith.constant 0 : i32
    %scan3A_5 = arith.constant 0 : i32
    %scan3A_6 = arith.constant 14 : i32
    %scan3A_7 = arith.addi %scan3A_5, %scan3A_6 : i32
    %scan3A_8 = arith.constant 1 : i32
    scf.for %scan3A_21 = %scan3A_5 to %scan3A_7 step %scan3A_8  : i32 {
      %mul3A_22 = arith.constant 16 : i32
      %mul3A_23 = arith.muli %scan3A_21, %mul3A_22 : i32
      %get3A = arith.index_cast %mul3A_23 : i32 to index
      %get3A_24 = tpu.vector_load %arg7[%get3A] {strides = array<i32>} : memref<224xi32, #tpu.memory_space<vmem>>, vector<16xi32>,
      %ge3A = arith.constant 491520 : i32
      %ge3A_25 = vector.broadcast %ge3A : i32 to vector<16xi32>
      %ge3A_26 = arith.cmpi sge, %get3A_24, %ge3A_25 : vector<16xi32>
      %jit3A = arith.constant 491520 : i32
      %jit3A_27 = arith.constant 0 : i32
      %broadcast_in_dim3A = vector.broadcast %jit3A : i32 to vector<16xi32>
      %broadcast_in_dim3A_28 = vector.broadcast %jit3A_27 : i32 to vector<16xi32>
      %select_n3A = arith.select %ge3A_26, %broadcast_in_dim3A, %broadcast_in_dim3A_28 : vector<16xi1>, vector<16xi32>
      %sub3A = arith.subi %get3A_24, %select_n3A : vector<16xi32>
      %swap3A = arith.index_cast %mul3A_23 : i32 to index
      %swap3A_29 = tpu.vector_load %arg7[%swap3A] {strides = array<i32>} : memref<224xi32, #tpu.memory_space<vmem>>, vector<16xi32>,
      tpu.vector_store %arg7[%swap3A], %sub3A {strides = array<i32>} : memref<224xi32, #tpu.memory_space<vmem>>, vector<16xi32>,
      %lt3A = arith.constant 983040 : i32
      %lt3A_30 = vector.broadcast %lt3A : i32 to vector<16xi32>
      %lt3A_31 = arith.cmpi slt, %get3A_24, %lt3A_30 : vector<16xi32>
      %and3A = arith.andi %ge3A_26, %lt3A_31 : vector<16xi1>
      %jit3A_32 = arith.constant 64 : i32
      %jit3A_33 = arith.constant 0 : i32
      %broadcast_in_dim3A_34 = vector.broadcast %jit3A_32 : i32 to vector<16xi32>
      %broadcast_in_dim3A_35 = vector.broadcast %jit3A_33 : i32 to vector<16xi32>
      %select_n3A_36 = arith.select %and3A, %broadcast_in_dim3A_34, %broadcast_in_dim3A_35 : vector<16xi1>, vector<16xi32>
      %swap3A_37 = arith.index_cast %mul3A_23 : i32 to index
      %swap3A_38 = tpu.vector_load %arg9[%swap3A_37] {strides = array<i32>} : memref<224xi32, #tpu.memory_space<vmem>>, vector<16xi32>,
      tpu.vector_store %arg9[%swap3A_37], %select_n3A_36 {strides = array<i32>} : memref<224xi32, #tpu.memory_space<vmem>>, vector<16xi32>,
    }
    %scan3A_9 = arith.constant 14 : i32
    %dma_start3A = arith.constant 0 : i32
    %dma_start3A_10 = arith.constant 0 : i32
    %dma_start3A_11 = tpu.memref_slice %arg4[%dma_start3A, %dma_start3A_10] : memref<524288x128xf32, #tpu.memory_space<hbm>> -> memref<524288x128xf32, #tpu.memory_space<hbm>>
    tpu.enqueue_indirect_dma source(%dma_start3A_11 : memref<524288x128xf32, #tpu.memory_space<hbm>>) target(%arg13 : memref<224x128xf32, #tpu.memory_space<vmem>>) offsets(%arg7 : memref<224xi32, #tpu.memory_space<vmem>>) semaphore(%arg17 : memref<!tpu.dma_semaphore, #tpu.memory_space<semaphore_mem>>)
    %dma_start3A_12 = arith.constant 0 : i32
    %dma_start3A_13 = arith.constant 0 : i32
    %dma_start3A_14 = tpu.memref_slice %arg5[%dma_start3A_12, %dma_start3A_13] : memref<102400x128xf32, #tpu.memory_space<hbm>> -> memref<102400x128xf32, #tpu.memory_space<hbm>>
    tpu.enqueue_indirect_dma source(%dma_start3A_14 : memref<102400x128xf32, #tpu.memory_space<hbm>>) target(%arg15 : memref<224x128xf32, #tpu.memory_space<vmem>>) offsets(%arg11 : memref<224xi32, #tpu.memory_space<vmem>>) semaphore(%arg19 : memref<!tpu.dma_semaphore, #tpu.memory_space<semaphore_mem>>)
    %scan3A_15 = arith.constant 0 : i32
    %scan3A_16 = arith.constant 0 : i32
    %scan3A_17 = arith.constant 7 : i32
    %scan3A_18 = arith.addi %scan3A_16, %scan3A_17 : i32
    %scan3A_19 = arith.constant 1 : i32
    scf.for %scan3A_21 = %scan3A_16 to %scan3A_18 step %scan3A_19  : i32 {
      %mul3A_22 = arith.constant 2 : i32
      %mul3A_23 = arith.muli %mul3A_22, %scan3A_21 : i32
      %add3A_24 = arith.constant 0 : i32
      %add3A_25 = arith.addi %mul3A_23, %add3A_24 : i32
      %add3A_26 = arith.constant 1 : i32
      %add3A_27 = arith.addi %add3A_25, %add3A_26 : i32
      %lt3A = arith.constant 14 : i32
      %lt3A_28 = arith.cmpi slt, %add3A_27, %lt3A : i32
      %convert_element_type3A = arith.extui %lt3A_28 : i1 to i32
      %cond3A = arith.constant 0 : i32
      %cond3A_29 = arith.cmpi ne, %convert_element_type3A, %cond3A : i32
      scf.if %cond3A_29 {
        %add3A_70 = arith.constant 1 : i32
        %add3A_71 = arith.addi %add3A_25, %add3A_70 : i32
        %mul3A_72 = arith.constant 224 : i32
        %mul3A_73 = arith.muli %add3A_71, %mul3A_72 : i32
        %add3A_74 = arith.addi %mul3A_2, %mul3A_73 : i32
        "tpu.region"() ({
          %run_scoped3A = tpu.sem_alloc : memref<!tpu.dma_semaphore, #tpu.memory_space<semaphore_mem>>
          %dma_start3A_87 = tpu.memref_slice %arg2[%add3A_74] : memref<100352xi32, #tpu.memory_space<hbm>> -> memref<224xi32, #tpu.memory_space<hbm>>
          %dma_start3A_88 = tpu.memref_slice %arg2[%add3A_74] : memref<100352xi32, #tpu.memory_space<hbm>> -> memref<224xi32, #tpu.memory_space<hbm>>
          tpu.enqueue_dma source(%dma_start3A_88 : memref<224xi32, #tpu.memory_space<hbm>>) target(%arg8 : memref<224xi32, #tpu.memory_space<vmem>>) target_semaphore(%run_scoped3A : memref<!tpu.dma_semaphore, #tpu.memory_space<semaphore_mem>>)
          %dma_wait3A_89 = tpu.memref_slice %arg2[%add3A_74] : memref<100352xi32, #tpu.memory_space<hbm>> -> memref<224xi32, #tpu.memory_space<hbm>>
          %dma_wait3A_90 = tpu.memref_slice %arg2[%add3A_74] : memref<100352xi32, #tpu.memory_space<hbm>> -> memref<224xi32, #tpu.memory_space<hbm>>
          tpu.wait_dma2 semaphore(%run_scoped3A : memref<!tpu.dma_semaphore, #tpu.memory_space<semaphore_mem>>) src(%dma_wait3A_90 : memref<224xi32, #tpu.memory_space<hbm>>) dst(%arg8 : memref<224xi32, #tpu.memory_space<vmem>>)
          tpu.yield
        }) : () -> ()
        "tpu.region"() ({
          %run_scoped3A = tpu.sem_alloc : memref<!tpu.dma_semaphore, #tpu.memory_space<semaphore_mem>>
          %dma_start3A_87 = tpu.memref_slice %arg3[%add3A_74] : memref<100352xi32, #tpu.memory_space<hbm>> -> memref<224xi32, #tpu.memory_space<hbm>>
          %dma_start3A_88 = tpu.memref_slice %arg3[%add3A_74] : memref<100352xi32, #tpu.memory_space<hbm>> -> memref<224xi32, #tpu.memory_space<hbm>>
          tpu.enqueue_dma source(%dma_start3A_88 : memref<224xi32, #tpu.memory_space<hbm>>) target(%arg12 : memref<224xi32, #tpu.memory_space<vmem>>) target_semaphore(%run_scoped3A : memref<!tpu.dma_semaphore, #tpu.memory_space<semaphore_mem>>)
          %dma_wait3A_89 = tpu.memref_slice %arg3[%add3A_74] : memref<100352xi32, #tpu.memory_space<hbm>> -> memref<224xi32, #tpu.memory_space<hbm>>
          %dma_wait3A_90 = tpu.memref_slice %arg3[%add3A_74] : memref<100352xi32, #tpu.memory_space<hbm>> -> memref<224xi32, #tpu.memory_space<hbm>>
          tpu.wait_dma2 semaphore(%run_scoped3A : memref<!tpu.dma_semaphore, #tpu.memory_space<semaphore_mem>>) src(%dma_wait3A_90 : memref<224xi32, #tpu.memory_space<hbm>>) dst(%arg12 : memref<224xi32, #tpu.memory_space<vmem>>)
          tpu.yield
        }) : () -> ()
        %scan3A_75 = arith.constant 0 : i32
        %scan3A_76 = arith.constant 0 : i32
        %scan3A_77 = arith.constant 14 : i32
        %scan3A_78 = arith.addi %scan3A_76, %scan3A_77 : i32
        %scan3A_79 = arith.constant 1 : i32
        scf.for %scan3A_87 = %scan3A_76 to %scan3A_78 step %scan3A_79  : i32 {
          %mul3A_88 = arith.constant 16 : i32
          %mul3A_89 = arith.muli %scan3A_87, %mul3A_88 : i32
          %get3A = arith.index_cast %mul3A_89 : i32 to index
          %get3A_90 = tpu.vector_load %arg8[%get3A] {strides = array<i32>} : memref<224xi32, #tpu.memory_space<vmem>>, vector<16xi32>,
          %ge3A = arith.constant 491520 : i32
          %ge3A_91 = vector.broadcast %ge3A : i32 to vector<16xi32>
          %ge3A_92 = arith.cmpi sge, %get3A_90, %ge3A_91 : vector<16xi32>
          %jit3A = arith.constant 491520 : i32
          %jit3A_93 = arith.constant 0 : i32
          %broadcast_in_dim3A = vector.broadcast %jit3A : i32 to vector<16xi32>
          %broadcast_in_dim3A_94 = vector.broadcast %jit3A_93 : i32 to vector<16xi32>
          %select_n3A = arith.select %ge3A_92, %broadcast_in_dim3A, %broadcast_in_dim3A_94 : vector<16xi1>, vector<16xi32>
          %sub3A = arith.subi %get3A_90, %select_n3A : vector<16xi32>
          %swap3A = arith.index_cast %mul3A_89 : i32 to index
          %swap3A_95 = tpu.vector_load %arg8[%swap3A] {strides = array<i32>} : memref<224xi32, #tpu.memory_space<vmem>>, vector<16xi32>,
          tpu.vector_store %arg8[%swap3A], %sub3A {strides = array<i32>} : memref<224xi32, #tpu.memory_space<vmem>>, vector<16xi32>,
          %lt3A_96 = arith.constant 983040 : i32
          %lt3A_97 = vector.broadcast %lt3A_96 : i32 to vector<16xi32>
          %lt3A_98 = arith.cmpi slt, %get3A_90, %lt3A_97 : vector<16xi32>
          %and3A = arith.andi %ge3A_92, %lt3A_98 : vector<16xi1>
          %jit3A_99 = arith.constant 64 : i32
          %jit3A_100 = arith.constant 0 : i32
          %broadcast_in_dim3A_101 = vector.broadcast %jit3A_99 : i32 to vector<16xi32>
          %broadcast_in_dim3A_102 = vector.broadcast %jit3A_100 : i32 to vector<16xi32>
          %select_n3A_103 = arith.select %and3A, %broadcast_in_dim3A_101, %broadcast_in_dim3A_102 : vector<16xi1>, vector<16xi32>
          %swap3A_104 = arith.index_cast %mul3A_89 : i32 to index
          %swap3A_105 = tpu.vector_load %arg10[%swap3A_104] {strides = array<i32>} : memref<224xi32, #tpu.memory_space<vmem>>, vector<16xi32>,
          tpu.vector_store %arg10[%swap3A_104], %select_n3A_103 {strides = array<i32>} : memref<224xi32, #tpu.memory_space<vmem>>, vector<16xi32>,
        }
        %scan3A_80 = arith.constant 14 : i32
        %dma_start3A_81 = arith.constant 0 : i32
        %dma_start3A_82 = arith.constant 0 : i32
        %dma_start3A_83 = tpu.memref_slice %arg4[%dma_start3A_81, %dma_start3A_82] : memref<524288x128xf32, #tpu.memory_space<hbm>> -> memref<524288x128xf32, #tpu.memory_space<hbm>>
        tpu.enqueue_indirect_dma source(%dma_start3A_83 : memref<524288x128xf32, #tpu.memory_space<hbm>>) target(%arg14 : memref<224x128xf32, #tpu.memory_space<vmem>>) offsets(%arg8 : memref<224xi32, #tpu.memory_space<vmem>>) semaphore(%arg18 : memref<!tpu.dma_semaphore, #tpu.memory_space<semaphore_mem>>)
        %dma_start3A_84 = arith.constant 0 : i32
        %dma_start3A_85 = arith.constant 0 : i32
        %dma_start3A_86 = tpu.memref_slice %arg5[%dma_start3A_84, %dma_start3A_85] : memref<102400x128xf32, #tpu.memory_space<hbm>> -> memref<102400x128xf32, #tpu.memory_space<hbm>>
        tpu.enqueue_indirect_dma source(%dma_start3A_86 : memref<102400x128xf32, #tpu.memory_space<hbm>>) target(%arg16 : memref<224x128xf32, #tpu.memory_space<vmem>>) offsets(%arg12 : memref<224xi32, #tpu.memory_space<vmem>>) semaphore(%arg20 : memref<!tpu.dma_semaphore, #tpu.memory_space<semaphore_mem>>)
      } else {
      }
      %dma_wait3A = arith.constant 0 : i32
      %dma_wait3A_30 = arith.constant 0 : i32
      %dma_wait3A_31 = tpu.memref_slice %arg4[%dma_wait3A, %dma_wait3A_30] : memref<524288x128xf32, #tpu.memory_space<hbm>> -> memref<524288x128xf32, #tpu.memory_space<hbm>>
      tpu.wait_indirect_dma semaphore(%arg17 : memref<!tpu.dma_semaphore, #tpu.memory_space<semaphore_mem>>) src(%dma_wait3A_31 : memref<524288x128xf32, #tpu.memory_space<hbm>>) dst(%arg13 : memref<224x128xf32, #tpu.memory_space<vmem>>)
      %dma_wait3A_32 = arith.constant 0 : i32
      %dma_wait3A_33 = arith.constant 0 : i32
      %dma_wait3A_34 = tpu.memref_slice %arg5[%dma_wait3A_32, %dma_wait3A_33] : memref<102400x128xf32, #tpu.memory_space<hbm>> -> memref<102400x128xf32, #tpu.memory_space<hbm>>
      tpu.wait_indirect_dma semaphore(%arg19 : memref<!tpu.dma_semaphore, #tpu.memory_space<semaphore_mem>>) src(%dma_wait3A_34 : memref<102400x128xf32, #tpu.memory_space<hbm>>) dst(%arg15 : memref<224x128xf32, #tpu.memory_space<vmem>>)
      %scan3A_35 = arith.constant 0 : i32
      %scan3A_36 = arith.constant 0 : i32
      %scan3A_37 = arith.constant 14 : i32
      %scan3A_38 = arith.addi %scan3A_36, %scan3A_37 : i32
      %scan3A_39 = arith.constant 1 : i32
      scf.for %scan3A_70 = %scan3A_36 to %scan3A_38 step %scan3A_39  : i32 {
        %mul3A_71 = arith.constant 16 : i32
        %mul3A_72 = arith.muli %scan3A_70, %mul3A_71 : i32
        %get3A = arith.index_cast %mul3A_72 : i32 to index
        %get3A_73 = tpu.vector_load %arg9[%get3A] {strides = array<i32>} : memref<224xi32, #tpu.memory_space<vmem>>, vector<16xi32>,
        %add3A_74 = arith.constant 0 : i32
        %add3A_75 = arith.addi %mul3A_72, %add3A_74 : i32
        %slice3A = vector.extract_strided_slice %get3A_73 {offsets = [0], sizes = [1], strides = [1]} : vector<16xi32> to vector<1xi32>
        %squeeze3A = vector.extract %slice3A[0] : i32 from vector<1xi32>
        %ne3A = arith.constant 0 : i32
        %ne3A_76 = arith.cmpi ne, %squeeze3A, %ne3A : i32
        %convert_element_type3A_77 = arith.extui %ne3A_76 : i1 to i32
        %cond3A_78 = arith.constant 0 : i32
        %cond3A_79 = arith.cmpi ne, %convert_element_type3A_77, %cond3A_78 : i32
        scf.if %cond3A_79 {
          %get3A_406 = arith.index_cast %add3A_75 : i32 to index
          %get3A_407 = arith.constant 64 : index
          %get3A_408 = tpu.vector_load %arg13[%get3A_406, %get3A_407] {strides = array<i32>} : memref<224x128xf32, #tpu.memory_space<vmem>>, vector<16xf32>,
          %swap3A_409 = arith.index_cast %add3A_75 : i32 to index
          %swap3A_410 = arith.constant 0 : index
          %swap3A_411 = tpu.vector_load %arg13[%swap3A_409, %swap3A_410] {strides = array<i32>} : memref<224x128xf32, #tpu.memory_space<vmem>>, vector<16xf32>,
          tpu.vector_store %arg13[%swap3A_409, %swap3A_410], %get3A_408 {strides = array<i32>} : memref<224x128xf32, #tpu.memory_space<vmem>>, vector<16xf32>,
          %get3A_412 = arith.index_cast %add3A_75 : i32 to index
          %get3A_413 = arith.constant 80 : index
          %get3A_414 = tpu.vector_load %arg13[%get3A_412, %get3A_413] {strides = array<i32>} : memref<224x128xf32, #tpu.memory_space<vmem>>, vector<16xf32>,
          %swap3A_415 = arith.index_cast %add3A_75 : i32 to index
          %swap3A_416 = arith.constant 16 : index
          %swap3A_417 = tpu.vector_load %arg13[%swap3A_415, %swap3A_416] {strides = array<i32>} : memref<224x128xf32, #tpu.memory_space<vmem>>, vector<16xf32>,
          tpu.vector_store %arg13[%swap3A_415, %swap3A_416], %get3A_414 {strides = array<i32>} : memref<224x128xf32, #tpu.memory_space<vmem>>, vector<16xf32>,
          %get3A_418 = arith.index_cast %add3A_75 : i32 to index
          %get3A_419 = arith.constant 96 : index
          %get3A_420 = tpu.vector_load %arg13[%get3A_418, %get3A_419] {strides = array<i32>} : memref<224x128xf32, #tpu.memory_space<vmem>>, vector<16xf32>,
          %swap3A_421 = arith.index_cast %add3A_75 : i32 to index
          %swap3A_422 = arith.constant 32 : index
          %swap3A_423 = tpu.vector_load %arg13[%swap3A_421, %swap3A_422] {strides = array<i32>} : memref<224x128xf32, #tpu.memory_space<vmem>>, vector<16xf32>,
          tpu.vector_store %arg13[%swap3A_421, %swap3A_422], %get3A_420 {strides = array<i32>} : memref<224x128xf32, #tpu.memory_space<vmem>>, vector<16xf32>,
          %get3A_424 = arith.index_cast %add3A_75 : i32 to index
          %get3A_425 = arith.constant 112 : index
          %get3A_426 = tpu.vector_load %arg13[%get3A_424, %get3A_425] {strides = array<i32>} : memref<224x128xf32, #tpu.memory_space<vmem>>, vector<16xf32>,
          %swap3A_427 = arith.index_cast %add3A_75 : i32 to index
          %swap3A_428 = arith.constant 48 : index
          %swap3A_429 = tpu.vector_load %arg13[%swap3A_427, %swap3A_428] {strides = array<i32>} : memref<224x128xf32, #tpu.memory_space<vmem>>, vector<16xf32>,
          tpu.vector_store %arg13[%swap3A_427, %swap3A_428], %get3A_426 {strides = array<i32>} : memref<224x128xf32, #tpu.memory_space<vmem>>, vector<16xf32>,
        } else {
        }
        %get3A_80 = arith.index_cast %add3A_75 : i32 to index
        %get3A_81 = arith.constant 0 : index
        %get3A_82 = tpu.vector_load %arg15[%get3A_80, %get3A_81] {strides = array<i32>} : memref<224x128xf32, #tpu.memory_space<vmem>>, vector<16xf32>,
        %swap3A = arith.index_cast %add3A_75 : i32 to index
        %swap3A_83 = arith.constant 64 : index
        %swap3A_84 = tpu.vector_load %arg13[%swap3A, %swap3A_83] {strides = array<i32>} : memref<224x128xf32, #tpu.memory_space<vmem>>, vector<16xf32>,
        tpu.vector_store %arg13[%swap3A, %swap3A_83], %get3A_82 {strides = array<i32>} : memref<224x128xf32, #tpu.memory_space<vmem>>, vector<16xf32>,
        %get3A_85 = arith.index_cast %add3A_75 : i32 to index
        %get3A_86 = arith.constant 16 : index
        %get3A_87 = tpu.vector_load %arg15[%get3A_85, %get3A_86] {strides = array<i32>} : memref<224x128xf32, #tpu.memory_space<vmem>>, vector<16xf32>,
        %swap3A_88 = arith.index_cast %add3A_75 : i32 to index
        %swap3A_89 = arith.constant 80 : index
        %swap3A_90 = tpu.vector_load %arg13[%swap3A_88, %swap3A_89] {strides = array<i32>} : memref<224x128xf32, #tpu.memory_space<vmem>>, vector<16xf32>,
        tpu.vector_store %arg13[%swap3A_88, %swap3A_89], %get3A_87 {strides = array<i32>} : memref<224x128xf32, #tpu.memory_space<vmem>>, vector<16xf32>,
        %add3A_91 = arith.constant 1 : i32
        %add3A_92 = arith.addi %mul3A_72, %add3A_91 : i32
        %slice3A_93 = vector.extract_strided_slice %get3A_73 {offsets = [1], sizes = [1], strides = [1]} : vector<16xi32> to vector<1xi32>
        %squeeze3A_94 = vector.extract %slice3A_93[0] : i32 from vector<1xi32>
        %ne3A_95 = arith.constant 0 : i32
        %ne3A_96 = arith.cmpi ne, %squeeze3A_94, %ne3A_95 : i32
        %convert_element_type3A_97 = arith.extui %ne3A_96 : i1 to i32
        %cond3A_98 = arith.constant 0 : i32
        %cond3A_99 = arith.cmpi ne, %convert_element_type3A_97, %cond3A_98 : i32
        scf.if %cond3A_99 {
          %get3A_406 = arith.index_cast %add3A_92 : i32 to index
          %get3A_407 = arith.constant 64 : index
          %get3A_408 = tpu.vector_load %arg13[%get3A_406, %get3A_407] {strides = array<i32>} : memref<224x128xf32, #tpu.memory_space<vmem>>, vector<16xf32>,
          %swap3A_409 = arith.index_cast %add3A_92 : i32 to index
          %swap3A_410 = arith.constant 0 : index
          %swap3A_411 = tpu.vector_load %arg13[%swap3A_409, %swap3A_410] {strides = array<i32>} : memref<224x128xf32, #tpu.memory_space<vmem>>, vector<16xf32>,
          tpu.vector_store %arg13[%swap3A_409, %swap3A_410], %get3A_408 {strides = array<i32>} : memref<224x128xf32, #tpu.memory_space<vmem>>, vector<16xf32>,
          %get3A_412 = arith.index_cast %add3A_92 : i32 to index
          %get3A_413 = arith.constant 80 : index
          %get3A_414 = tpu.vector_load %arg13[%get3A_412, %get3A_413] {strides = array<i32>} : memref<224x128xf32, #tpu.memory_space<vmem>>, vector<16xf32>,
          %swap3A_415 = arith.index_cast %add3A_92 : i32 to index
          %swap3A_416 = arith.constant 16 : index
          %swap3A_417 = tpu.vector_load %arg13[%swap3A_415, %swap3A_416] {strides = array<i32>} : memref<224x128xf32, #tpu.memory_space<vmem>>, vector<16xf32>,
          tpu.vector_store %arg13[%swap3A_415, %swap3A_416], %get3A_414 {strides = array<i32>} : memref<224x128xf32, #tpu.memory_space<vmem>>, vector<16xf32>,
          %get3A_418 = arith.index_cast %add3A_92 : i32 to index
          %get3A_419 = arith.constant 96 : index
          %get3A_420 = tpu.vector_load %arg13[%get3A_418, %get3A_419] {strides = array<i32>} : memref<224x128xf32, #tpu.memory_space<vmem>>, vector<16xf32>,
          %swap3A_421 = arith.index_cast %add3A_92 : i32 to index
          %swap3A_422 = arith.constant 32 : index
          %swap3A_423 = tpu.vector_load %arg13[%swap3A_421, %swap3A_422] {strides = array<i32>} : memref<224x128xf32, #tpu.memory_space<vmem>>, vector<16xf32>,
          tpu.vector_store %arg13[%swap3A_421, %swap3A_422], %get3A_420 {strides = array<i32>} : memref<224x128xf32, #tpu.memory_space<vmem>>, vector<16xf32>,
          %get3A_424 = arith.index_cast %add3A_92 : i32 to index
          %get3A_425 = arith.constant 112 : index
          %get3A_426 = tpu.vector_load %arg13[%get3A_424, %get3A_425] {strides = array<i32>} : memref<224x128xf32, #tpu.memory_space<vmem>>, vector<16xf32>,
          %swap3A_427 = arith.index_cast %add3A_92 : i32 to index
          %swap3A_428 = arith.constant 48 : index
          %swap3A_429 = tpu.vector_load %arg13[%swap3A_427, %swap3A_428] {strides = array<i32>} : memref<224x128xf32, #tpu.memory_space<vmem>>, vector<16xf32>,
          tpu.vector_store %arg13[%swap3A_427, %swap3A_428], %get3A_426 {strides = array<i32>} : memref<224x128xf32, #tpu.memory_space<vmem>>, vector<16xf32>,
        } else {
        }
        %get3A_100 = arith.index_cast %add3A_92 : i32 to index
        %get3A_101 = arith.constant 0 : index
        %get3A_102 = tpu.vector_load %arg15[%get3A_100, %get3A_101] {strides = array<i32>} : memref<224x128xf32, #tpu.memory_space<vmem>>, vector<16xf32>,
        %swap3A_103 = arith.index_cast %add3A_92 : i32 to index
        %swap3A_104 = arith.constant 64 : index
        %swap3A_105 = tpu.vector_load %arg13[%swap3A_103, %swap3A_104] {strides = array<i32>} : memref<224x128xf32, #tpu.memory_space<vmem>>, vector<16xf32>,
        tpu.vector_store %arg13[%swap3A_103, %swap3A_104], %get3A_102 {strides = array<i32>} : memref<224x128xf32, #tpu.memory_space<vmem>>, vector<16xf32>,
        %get3A_106 = arith.index_cast %add3A_92 : i32 to index
        %get3A_107 = arith.constant 16 : index
        %get3A_108 = tpu.vector_load %arg15[%get3A_106, %get3A_107] {strides = array<i32>} : memref<224x128xf32, #tpu.memory_space<vmem>>, vector<16xf32>,
        %swap3A_109 = arith.index_cast %add3A_92 : i32 to index
        %swap3A_110 = arith.constant 80 : index
        %swap3A_111 = tpu.vector_load %arg13[%swap3A_109, %swap3A_110] {strides = array<i32>} : memref<224x128xf32, #tpu.memory_space<vmem>>, vector<16xf32>,
        tpu.vector_store %arg13[%swap3A_109, %swap3A_110], %get3A_108 {strides = array<i32>} : memref<224x128xf32, #tpu.memory_space<vmem>>, vector<16xf32>,
        %add3A_112 = arith.constant 2 : i32
        %add3A_113 = arith.addi %mul3A_72, %add3A_112 : i32
        %slice3A_114 = vector.extract_strided_slice %get3A_73 {offsets = [2], sizes = [1], strides = [1]} : vector<16xi32> to vector<1xi32>
        %squeeze3A_115 = vector.extract %slice3A_114[0] : i32 from vector<1xi32>
        %ne3A_116 = arith.constant 0 : i32
        %ne3A_117 = arith.cmpi ne, %squeeze3A_115, %ne3A_116 : i32
        %convert_element_type3A_118 = arith.extui %ne3A_117 : i1 to i32
        %cond3A_119 = arith.constant 0 : i32
        %cond3A_120 = arith.cmpi ne, %convert_element_type3A_118, %cond3A_119 : i32
        scf.if %cond3A_120 {
          %get3A_406 = arith.index_cast %add3A_113 : i32 to index
          %get3A_407 = arith.constant 64 : index
          %get3A_408 = tpu.vector_load %arg13[%get3A_406, %get3A_407] {strides = array<i32>} : memref<224x128xf32, #tpu.memory_space<vmem>>, vector<16xf32>,
          %swap3A_409 = arith.index_cast %add3A_113 : i32 to index
          %swap3A_410 = arith.constant 0 : index
          %swap3A_411 = tpu.vector_load %arg13[%swap3A_409, %swap3A_410] {strides = array<i32>} : memref<224x128xf32, #tpu.memory_space<vmem>>, vector<16xf32>,
          tpu.vector_store %arg13[%swap3A_409, %swap3A_410], %get3A_408 {strides = array<i32>} : memref<224x128xf32, #tpu.memory_space<vmem>>, vector<16xf32>,
          %get3A_412 = arith.index_cast %add3A_113 : i32 to index
          %get3A_413 = arith.constant 80 : index
          %get3A_414 = tpu.vector_load %arg13[%get3A_412, %get3A_413] {strides = array<i32>} : memref<224x128xf32, #tpu.memory_space<vmem>>, vector<16xf32>,
          %swap3A_415 = arith.index_cast %add3A_113 : i32 to index
          %swap3A_416 = arith.constant 16 : index
          %swap3A_417 = tpu.vector_load %arg13[%swap3A_415, %swap3A_416] {strides = array<i32>} : memref<224x128xf32, #tpu.memory_space<vmem>>, vector<16xf32>,
          tpu.vector_store %arg13[%swap3A_415, %swap3A_416], %get3A_414 {strides = array<i32>} : memref<224x128xf32, #tpu.memory_space<vmem>>, vector<16xf32>,
          %get3A_418 = arith.index_cast %add3A_113 : i32 to index
          %get3A_419 = arith.constant 96 : index
          %get3A_420 = tpu.vector_load %arg13[%get3A_418, %get3A_419] {strides = array<i32>} : memref<224x128xf32, #tpu.memory_space<vmem>>, vector<16xf32>,
          %swap3A_421 = arith.index_cast %add3A_113 : i32 to index
          %swap3A_422 = arith.constant 32 : index
          %swap3A_423 = tpu.vector_load %arg13[%swap3A_421, %swap3A_422] {strides = array<i32>} : memref<224x128xf32, #tpu.memory_space<vmem>>, vector<16xf32>,
          tpu.vector_store %arg13[%swap3A_421, %swap3A_422], %get3A_420 {strides = array<i32>} : memref<224x128xf32, #tpu.memory_space<vmem>>, vector<16xf32>,
          %get3A_424 = arith.index_cast %add3A_113 : i32 to index
          %get3A_425 = arith.constant 112 : index
          %get3A_426 = tpu.vector_load %arg13[%get3A_424, %get3A_425] {strides = array<i32>} : memref<224x128xf32, #tpu.memory_space<vmem>>, vector<16xf32>,
          %swap3A_427 = arith.index_cast %add3A_113 : i32 to index
          %swap3A_428 = arith.constant 48 : index
          %swap3A_429 = tpu.vector_load %arg13[%swap3A_427, %swap3A_428] {strides = array<i32>} : memref<224x128xf32, #tpu.memory_space<vmem>>, vector<16xf32>,
          tpu.vector_store %arg13[%swap3A_427, %swap3A_428], %get3A_426 {strides = array<i32>} : memref<224x128xf32, #tpu.memory_space<vmem>>, vector<16xf32>,
        } else {
        }
        %get3A_121 = arith.index_cast %add3A_113 : i32 to index
        %get3A_122 = arith.constant 0 : index
        %get3A_123 = tpu.vector_load %arg15[%get3A_121, %get3A_122] {strides = array<i32>} : memref<224x128xf32, #tpu.memory_space<vmem>>, vector<16xf32>,
        %swap3A_124 = arith.index_cast %add3A_113 : i32 to index
        %swap3A_125 = arith.constant 64 : index
        %swap3A_126 = tpu.vector_load %arg13[%swap3A_124, %swap3A_125] {strides = array<i32>} : memref<224x128xf32, #tpu.memory_space<vmem>>, vector<16xf32>,
        tpu.vector_store %arg13[%swap3A_124, %swap3A_125], %get3A_123 {strides = array<i32>} : memref<224x128xf32, #tpu.memory_space<vmem>>, vector<16xf32>,
        %get3A_127 = arith.index_cast %add3A_113 : i32 to index
        %get3A_128 = arith.constant 16 : index
        %get3A_129 = tpu.vector_load %arg15[%get3A_127, %get3A_128] {strides = array<i32>} : memref<224x128xf32, #tpu.memory_space<vmem>>, vector<16xf32>,
        %swap3A_130 = arith.index_cast %add3A_113 : i32 to index
        %swap3A_131 = arith.constant 80 : index
        %swap3A_132 = tpu.vector_load %arg13[%swap3A_130, %swap3A_131] {strides = array<i32>} : memref<224x128xf32, #tpu.memory_space<vmem>>, vector<16xf32>,
        tpu.vector_store %arg13[%swap3A_130, %swap3A_131], %get3A_129 {strides = array<i32>} : memref<224x128xf32, #tpu.memory_space<vmem>>, vector<16xf32>,
        %add3A_133 = arith.constant 3 : i32
        %add3A_134 = arith.addi %mul3A_72, %add3A_133 : i32
        %slice3A_135 = vector.extract_strided_slice %get3A_73 {offsets = [3], sizes = [1], strides = [1]} : vector<16xi32> to vector<1xi32>
        %squeeze3A_136 = vector.extract %slice3A_135[0] : i32 from vector<1xi32>
        %ne3A_137 = arith.constant 0 : i32
        %ne3A_138 = arith.cmpi ne, %squeeze3A_136, %ne3A_137 : i32
        %convert_element_type3A_139 = arith.extui %ne3A_138 : i1 to i32
        %cond3A_140 = arith.constant 0 : i32
        %cond3A_141 = arith.cmpi ne, %convert_element_type3A_139, %cond3A_140 : i32
        scf.if %cond3A_141 {
          %get3A_406 = arith.index_cast %add3A_134 : i32 to index
          %get3A_407 = arith.constant 64 : index
          %get3A_408 = tpu.vector_load %arg13[%get3A_406, %get3A_407] {strides = array<i32>} : memref<224x128xf32, #tpu.memory_space<vmem>>, vector<16xf32>,
          %swap3A_409 = arith.index_cast %add3A_134 : i32 to index
          %swap3A_410 = arith.constant 0 : index
          %swap3A_411 = tpu.vector_load %arg13[%swap3A_409, %swap3A_410] {strides = array<i32>} : memref<224x128xf32, #tpu.memory_space<vmem>>, vector<16xf32>,
          tpu.vector_store %arg13[%swap3A_409, %swap3A_410], %get3A_408 {strides = array<i32>} : memref<224x128xf32, #tpu.memory_space<vmem>>, vector<16xf32>,
          %get3A_412 = arith.index_cast %add3A_134 : i32 to index
          %get3A_413 = arith.constant 80 : index
          %get3A_414 = tpu.vector_load %arg13[%get3A_412, %get3A_413] {strides = array<i32>} : memref<224x128xf32, #tpu.memory_space<vmem>>, vector<16xf32>,
          %swap3A_415 = arith.index_cast %add3A_134 : i32 to index
          %swap3A_416 = arith.constant 16 : index
          %swap3A_417 = tpu.vector_load %arg13[%swap3A_415, %swap3A_416] {strides = array<i32>} : memref<224x128xf32, #tpu.memory_space<vmem>>, vector<16xf32>,
          tpu.vector_store %arg13[%swap3A_415, %swap3A_416], %get3A_414 {strides = array<i32>} : memref<224x128xf32, #tpu.memory_space<vmem>>, vector<16xf32>,
          %get3A_418 = arith.index_cast %add3A_134 : i32 to index
          %get3A_419 = arith.constant 96 : index
          %get3A_420 = tpu.vector_load %arg13[%get3A_418, %get3A_419] {strides = array<i32>} : memref<224x128xf32, #tpu.memory_space<vmem>>, vector<16xf32>,
          %swap3A_421 = arith.index_cast %add3A_134 : i32 to index
          %swap3A_422 = arith.constant 32 : index
          %swap3A_423 = tpu.vector_load %arg13[%swap3A_421, %swap3A_422] {strides = array<i32>} : memref<224x128xf32, #tpu.memory_space<vmem>>, vector<16xf32>,
          tpu.vector_store %arg13[%swap3A_421, %swap3A_422], %get3A_420 {strides = array<i32>} : memref<224x128xf32, #tpu.memory_space<vmem>>, vector<16xf32>,
          %get3A_424 = arith.index_cast %add3A_134 : i32 to index
          %get3A_425 = arith.constant 112 : index
          %get3A_426 = tpu.vector_load %arg13[%get3A_424, %get3A_425] {strides = array<i32>} : memref<224x128xf32, #tpu.memory_space<vmem>>, vector<16xf32>,
          %swap3A_427 = arith.index_cast %add3A_134 : i32 to index
          %swap3A_428 = arith.constant 48 : index
          %swap3A_429 = tpu.vector_load %arg13[%swap3A_427, %swap3A_428] {strides = array<i32>} : memref<224x128xf32, #tpu.memory_space<vmem>>, vector<16xf32>,
          tpu.vector_store %arg13[%swap3A_427, %swap3A_428], %get3A_426 {strides = array<i32>} : memref<224x128xf32, #tpu.memory_space<vmem>>, vector<16xf32>,
        } else {
        }
        %get3A_142 = arith.index_cast %add3A_134 : i32 to index
        %get3A_143 = arith.constant 0 : index
        %get3A_144 = tpu.vector_load %arg15[%get3A_142, %get3A_143] {strides = array<i32>} : memref<224x128xf32, #tpu.memory_space<vmem>>, vector<16xf32>,
        %swap3A_145 = arith.index_cast %add3A_134 : i32 to index
        %swap3A_146 = arith.constant 64 : index
        %swap3A_147 = tpu.vector_load %arg13[%swap3A_145, %swap3A_146] {strides = array<i32>} : memref<224x128xf32, #tpu.memory_space<vmem>>, vector<16xf32>,
        tpu.vector_store %arg13[%swap3A_145, %swap3A_146], %get3A_144 {strides = array<i32>} : memref<224x128xf32, #tpu.memory_space<vmem>>, vector<16xf32>,
        %get3A_148 = arith.index_cast %add3A_134 : i32 to index
        %get3A_149 = arith.constant 16 : index
        %get3A_150 = tpu.vector_load %arg15[%get3A_148, %get3A_149] {strides = array<i32>} : memref<224x128xf32, #tpu.memory_space<vmem>>, vector<16xf32>,
        %swap3A_151 = arith.index_cast %add3A_134 : i32 to index
        %swap3A_152 = arith.constant 80 : index
        %swap3A_153 = tpu.vector_load %arg13[%swap3A_151, %swap3A_152] {strides = array<i32>} : memref<224x128xf32, #tpu.memory_space<vmem>>, vector<16xf32>,
        tpu.vector_store %arg13[%swap3A_151, %swap3A_152], %get3A_150 {strides = array<i32>} : memref<224x128xf32, #tpu.memory_space<vmem>>, vector<16xf32>,
        %add3A_154 = arith.constant 4 : i32
        %add3A_155 = arith.addi %mul3A_72, %add3A_154 : i32
        %slice3A_156 = vector.extract_strided_slice %get3A_73 {offsets = [4], sizes = [1], strides = [1]} : vector<16xi32> to vector<1xi32>
        %squeeze3A_157 = vector.extract %slice3A_156[0] : i32 from vector<1xi32>
        %ne3A_158 = arith.constant 0 : i32
        %ne3A_159 = arith.cmpi ne, %squeeze3A_157, %ne3A_158 : i32
        %convert_element_type3A_160 = arith.extui %ne3A_159 : i1 to i32
        %cond3A_161 = arith.constant 0 : i32
        %cond3A_162 = arith.cmpi ne, %convert_element_type3A_160, %cond3A_161 : i32
        scf.if %cond3A_162 {
          %get3A_406 = arith.index_cast %add3A_155 : i32 to index
          %get3A_407 = arith.constant 64 : index
          %get3A_408 = tpu.vector_load %arg13[%get3A_406, %get3A_407] {strides = array<i32>} : memref<224x128xf32, #tpu.memory_space<vmem>>, vector<16xf32>,
          %swap3A_409 = arith.index_cast %add3A_155 : i32 to index
          %swap3A_410 = arith.constant 0 : index
          %swap3A_411 = tpu.vector_load %arg13[%swap3A_409, %swap3A_410] {strides = array<i32>} : memref<224x128xf32, #tpu.memory_space<vmem>>, vector<16xf32>,
          tpu.vector_store %arg13[%swap3A_409, %swap3A_410], %get3A_408 {strides = array<i32>} : memref<224x128xf32, #tpu.memory_space<vmem>>, vector<16xf32>,
          %get3A_412 = arith.index_cast %add3A_155 : i32 to index
          %get3A_413 = arith.constant 80 : index
          %get3A_414 = tpu.vector_load %arg13[%get3A_412, %get3A_413] {strides = array<i32>} : memref<224x128xf32, #tpu.memory_space<vmem>>, vector<16xf32>,
          %swap3A_415 = arith.index_cast %add3A_155 : i32 to index
          %swap3A_416 = arith.constant 16 : index
          %swap3A_417 = tpu.vector_load %arg13[%swap3A_415, %swap3A_416] {strides = array<i32>} : memref<224x128xf32, #tpu.memory_space<vmem>>, vector<16xf32>,
          tpu.vector_store %arg13[%swap3A_415, %swap3A_416], %get3A_414 {strides = array<i32>} : memref<224x128xf32, #tpu.memory_space<vmem>>, vector<16xf32>,
          %get3A_418 = arith.index_cast %add3A_155 : i32 to index
          %get3A_419 = arith.constant 96 : index
          %get3A_420 = tpu.vector_load %arg13[%get3A_418, %get3A_419] {strides = array<i32>} : memref<224x128xf32, #tpu.memory_space<vmem>>, vector<16xf32>,
          %swap3A_421 = arith.index_cast %add3A_155 : i32 to index
          %swap3A_422 = arith.constant 32 : index
          %swap3A_423 = tpu.vector_load %arg13[%swap3A_421, %swap3A_422] {strides = array<i32>} : memref<224x128xf32, #tpu.memory_space<vmem>>, vector<16xf32>,
          tpu.vector_store %arg13[%swap3A_421, %swap3A_422], %get3A_420 {strides = array<i32>} : memref<224x128xf32, #tpu.memory_space<vmem>>, vector<16xf32>,
          %get3A_424 = arith.index_cast %add3A_155 : i32 to index
          %get3A_425 = arith.constant 112 : index
          %get3A_426 = tpu.vector_load %arg13[%get3A_424, %get3A_425] {strides = array<i32>} : memref<224x128xf32, #tpu.memory_space<vmem>>, vector<16xf32>,
          %swap3A_427 = arith.index_cast %add3A_155 : i32 to index
          %swap3A_428 = arith.constant 48 : index
          %swap3A_429 = tpu.vector_load %arg13[%swap3A_427, %swap3A_428] {strides = array<i32>} : memref<224x128xf32, #tpu.memory_space<vmem>>, vector<16xf32>,
          tpu.vector_store %arg13[%swap3A_427, %swap3A_428], %get3A_426 {strides = array<i32>} : memref<224x128xf32, #tpu.memory_space<vmem>>, vector<16xf32>,
        } else {
        }
        %get3A_163 = arith.index_cast %add3A_155 : i32 to index
        %get3A_164 = arith.constant 0 : index
        %get3A_165 = tpu.vector_load %arg15[%get3A_163, %get3A_164] {strides = array<i32>} : memref<224x128xf32, #tpu.memory_space<vmem>>, vector<16xf32>,
        %swap3A_166 = arith.index_cast %add3A_155 : i32 to index
        %swap3A_167 = arith.constant 64 : index
        %swap3A_168 = tpu.vector_load %arg13[%swap3A_166, %swap3A_167] {strides = array<i32>} : memref<224x128xf32, #tpu.memory_space<vmem>>, vector<16xf32>,
        tpu.vector_store %arg13[%swap3A_166, %swap3A_167], %get3A_165 {strides = array<i32>} : memref<224x128xf32, #tpu.memory_space<vmem>>, vector<16xf32>,
        %get3A_169 = arith.index_cast %add3A_155 : i32 to index
        %get3A_170 = arith.constant 16 : index
        %get3A_171 = tpu.vector_load %arg15[%get3A_169, %get3A_170] {strides = array<i32>} : memref<224x128xf32, #tpu.memory_space<vmem>>, vector<16xf32>,
        %swap3A_172 = arith.index_cast %add3A_155 : i32 to index
        %swap3A_173 = arith.constant 80 : index
        %swap3A_174 = tpu.vector_load %arg13[%swap3A_172, %swap3A_173] {strides = array<i32>} : memref<224x128xf32, #tpu.memory_space<vmem>>, vector<16xf32>,
        tpu.vector_store %arg13[%swap3A_172, %swap3A_173], %get3A_171 {strides = array<i32>} : memref<224x128xf32, #tpu.memory_space<vmem>>, vector<16xf32>,
        %add3A_175 = arith.constant 5 : i32
        %add3A_176 = arith.addi %mul3A_72, %add3A_175 : i32
        %slice3A_177 = vector.extract_strided_slice %get3A_73 {offsets = [5], sizes = [1], strides = [1]} : vector<16xi32> to vector<1xi32>
        %squeeze3A_178 = vector.extract %slice3A_177[0] : i32 from vector<1xi32>
        %ne3A_179 = arith.constant 0 : i32
        %ne3A_180 = arith.cmpi ne, %squeeze3A_178, %ne3A_179 : i32
        %convert_element_type3A_181 = arith.extui %ne3A_180 : i1 to i32
        %cond3A_182 = arith.constant 0 : i32
        %cond3A_183 = arith.cmpi ne, %convert_element_type3A_181, %cond3A_182 : i32
        scf.if %cond3A_183 {
          %get3A_406 = arith.index_cast %add3A_176 : i32 to index
          %get3A_407 = arith.constant 64 : index
          %get3A_408 = tpu.vector_load %arg13[%get3A_406, %get3A_407] {strides = array<i32>} : memref<224x128xf32, #tpu.memory_space<vmem>>, vector<16xf32>,
          %swap3A_409 = arith.index_cast %add3A_176 : i32 to index
          %swap3A_410 = arith.constant 0 : index
          %swap3A_411 = tpu.vector_load %arg13[%swap3A_409, %swap3A_410] {strides = array<i32>} : memref<224x128xf32, #tpu.memory_space<vmem>>, vector<16xf32>,
          tpu.vector_store %arg13[%swap3A_409, %swap3A_410], %get3A_408 {strides = array<i32>} : memref<224x128xf32, #tpu.memory_space<vmem>>, vector<16xf32>,
          %get3A_412 = arith.index_cast %add3A_176 : i32 to index
          %get3A_413 = arith.constant 80 : index
          %get3A_414 = tpu.vector_load %arg13[%get3A_412, %get3A_413] {strides = array<i32>} : memref<224x128xf32, #tpu.memory_space<vmem>>, vector<16xf32>,
          %swap3A_415 = arith.index_cast %add3A_176 : i32 to index
          %swap3A_416 = arith.constant 16 : index
          %swap3A_417 = tpu.vector_load %arg13[%swap3A_415, %swap3A_416] {strides = array<i32>} : memref<224x128xf32, #tpu.memory_space<vmem>>, vector<16xf32>,
          tpu.vector_store %arg13[%swap3A_415, %swap3A_416], %get3A_414 {strides = array<i32>} : memref<224x128xf32, #tpu.memory_space<vmem>>, vector<16xf32>,
          %get3A_418 = arith.index_cast %add3A_176 : i32 to index
          %get3A_419 = arith.constant 96 : index
          %get3A_420 = tpu.vector_load %arg13[%get3A_418, %get3A_419] {strides = array<i32>} : memref<224x128xf32, #tpu.memory_space<vmem>>, vector<16xf32>,
          %swap3A_421 = arith.index_cast %add3A_176 : i32 to index
          %swap3A_422 = arith.constant 32 : index
          %swap3A_423 = tpu.vector_load %arg13[%swap3A_421, %swap3A_422] {strides = array<i32>} : memref<224x128xf32, #tpu.memory_space<vmem>>, vector<16xf32>,
          tpu.vector_store %arg13[%swap3A_421, %swap3A_422], %get3A_420 {strides = array<i32>} : memref<224x128xf32, #tpu.memory_space<vmem>>, vector<16xf32>,
          %get3A_424 = arith.index_cast %add3A_176 : i32 to index
          %get3A_425 = arith.constant 112 : index
          %get3A_426 = tpu.vector_load %arg13[%get3A_424, %get3A_425] {strides = array<i32>} : memref<224x128xf32, #tpu.memory_space<vmem>>, vector<16xf32>,
          %swap3A_427 = arith.index_cast %add3A_176 : i32 to index
          %swap3A_428 = arith.constant 48 : index
          %swap3A_429 = tpu.vector_load %arg13[%swap3A_427, %swap3A_428] {strides = array<i32>} : memref<224x128xf32, #tpu.memory_space<vmem>>, vector<16xf32>,
          tpu.vector_store %arg13[%swap3A_427, %swap3A_428], %get3A_426 {strides = array<i32>} : memref<224x128xf32, #tpu.memory_space<vmem>>, vector<16xf32>,
        } else {
        }
        %get3A_184 = arith.index_cast %add3A_176 : i32 to index
        %get3A_185 = arith.constant 0 : index
        %get3A_186 = tpu.vector_load %arg15[%get3A_184, %get3A_185] {strides = array<i32>} : memref<224x128xf32, #tpu.memory_space<vmem>>, vector<16xf32>,
        %swap3A_187 = arith.index_cast %add3A_176 : i32 to index
        %swap3A_188 = arith.constant 64 : index
        %swap3A_189 = tpu.vector_load %arg13[%swap3A_187, %swap3A_188] {strides = array<i32>} : memref<224x128xf32, #tpu.memory_space<vmem>>, vector<16xf32>,
        tpu.vector_store %arg13[%swap3A_187, %swap3A_188], %get3A_186 {strides = array<i32>} : memref<224x128xf32, #tpu.memory_space<vmem>>, vector<16xf32>,
        %get3A_190 = arith.index_cast %add3A_176 : i32 to index
        %get3A_191 = arith.constant 16 : index
        %get3A_192 = tpu.vector_load %arg15[%get3A_190, %get3A_191] {strides = array<i32>} : memref<224x128xf32, #tpu.memory_space<vmem>>, vector<16xf32>,
        %swap3A_193 = arith.index_cast %add3A_176 : i32 to index
        %swap3A_194 = arith.constant 80 : index
        %swap3A_195 = tpu.vector_load %arg13[%swap3A_193, %swap3A_194] {strides = array<i32>} : memref<224x128xf32, #tpu.memory_space<vmem>>, vector<16xf32>,
        tpu.vector_store %arg13[%swap3A_193, %swap3A_194], %get3A_192 {strides = array<i32>} : memref<224x128xf32, #tpu.memory_space<vmem>>, vector<16xf32>,
        %add3A_196 = arith.constant 6 : i32
        %add3A_197 = arith.addi %mul3A_72, %add3A_196 : i32
        %slice3A_198 = vector.extract_strided_slice %get3A_73 {offsets = [6], sizes = [1], strides = [1]} : vector<16xi32> to vector<1xi32>
        %squeeze3A_199 = vector.extract %slice3A_198[0] : i32 from vector<1xi32>
        %ne3A_200 = arith.constant 0 : i32
        %ne3A_201 = arith.cmpi ne, %squeeze3A_199, %ne3A_200 : i32
        %convert_element_type3A_202 = arith.extui %ne3A_201 : i1 to i32
        %cond3A_203 = arith.constant 0 : i32
        %cond3A_204 = arith.cmpi ne, %convert_element_type3A_202, %cond3A_203 : i32
        scf.if %cond3A_204 {
          %get3A_406 = arith.index_cast %add3A_197 : i32 to index
          %get3A_407 = arith.constant 64 : index
          %get3A_408 = tpu.vector_load %arg13[%get3A_406, %get3A_407] {strides = array<i32>} : memref<224x128xf32, #tpu.memory_space<vmem>>, vector<16xf32>,
          %swap3A_409 = arith.index_cast %add3A_197 : i32 to index
          %swap3A_410 = arith.constant 0 : index
          %swap3A_411 = tpu.vector_load %arg13[%swap3A_409, %swap3A_410] {strides = array<i32>} : memref<224x128xf32, #tpu.memory_space<vmem>>, vector<16xf32>,
          tpu.vector_store %arg13[%swap3A_409, %swap3A_410], %get3A_408 {strides = array<i32>} : memref<224x128xf32, #tpu.memory_space<vmem>>, vector<16xf32>,
          %get3A_412 = arith.index_cast %add3A_197 : i32 to index
          %get3A_413 = arith.constant 80 : index
          %get3A_414 = tpu.vector_load %arg13[%get3A_412, %get3A_413] {strides = array<i32>} : memref<224x128xf32, #tpu.memory_space<vmem>>, vector<16xf32>,
          %swap3A_415 = arith.index_cast %add3A_197 : i32 to index
          %swap3A_416 = arith.constant 16 : index
          %swap3A_417 = tpu.vector_load %arg13[%swap3A_415, %swap3A_416] {strides = array<i32>} : memref<224x128xf32, #tpu.memory_space<vmem>>, vector<16xf32>,
          tpu.vector_store %arg13[%swap3A_415, %swap3A_416], %get3A_414 {strides = array<i32>} : memref<224x128xf32, #tpu.memory_space<vmem>>, vector<16xf32>,
          %get3A_418 = arith.index_cast %add3A_197 : i32 to index
          %get3A_419 = arith.constant 96 : index
          %get3A_420 = tpu.vector_load %arg13[%get3A_418, %get3A_419] {strides = array<i32>} : memref<224x128xf32, #tpu.memory_space<vmem>>, vector<16xf32>,
          %swap3A_421 = arith.index_cast %add3A_197 : i32 to index
          %swap3A_422 = arith.constant 32 : index
          %swap3A_423 = tpu.vector_load %arg13[%swap3A_421, %swap3A_422] {strides = array<i32>} : memref<224x128xf32, #tpu.memory_space<vmem>>, vector<16xf32>,
          tpu.vector_store %arg13[%swap3A_421, %swap3A_422], %get3A_420 {strides = array<i32>} : memref<224x128xf32, #tpu.memory_space<vmem>>, vector<16xf32>,
          %get3A_424 = arith.index_cast %add3A_197 : i32 to index
          %get3A_425 = arith.constant 112 : index
          %get3A_426 = tpu.vector_load %arg13[%get3A_424, %get3A_425] {strides = array<i32>} : memref<224x128xf32, #tpu.memory_space<vmem>>, vector<16xf32>,
          %swap3A_427 = arith.index_cast %add3A_197 : i32 to index
          %swap3A_428 = arith.constant 48 : index
          %swap3A_429 = tpu.vector_load %arg13[%swap3A_427, %swap3A_428] {strides = array<i32>} : memref<224x128xf32, #tpu.memory_space<vmem>>, vector<16xf32>,
          tpu.vector_store %arg13[%swap3A_427, %swap3A_428], %get3A_426 {strides = array<i32>} : memref<224x128xf32, #tpu.memory_space<vmem>>, vector<16xf32>,
        } else {
        }
        %get3A_205 = arith.index_cast %add3A_197 : i32 to index
        %get3A_206 = arith.constant 0 : index
        %get3A_207 = tpu.vector_load %arg15[%get3A_205, %get3A_206] {strides = array<i32>} : memref<224x128xf32, #tpu.memory_space<vmem>>, vector<16xf32>,
        %swap3A_208 = arith.index_cast %add3A_197 : i32 to index
        %swap3A_209 = arith.constant 64 : index
        %swap3A_210 = tpu.vector_load %arg13[%swap3A_208, %swap3A_209] {strides = array<i32>} : memref<224x128xf32, #tpu.memory_space<vmem>>, vector<16xf32>,
        tpu.vector_store %arg13[%swap3A_208, %swap3A_209], %get3A_207 {strides = array<i32>} : memref<224x128xf32, #tpu.memory_space<vmem>>, vector<16xf32>,
        %get3A_211 = arith.index_cast %add3A_197 : i32 to index
        %get3A_212 = arith.constant 16 : index
        %get3A_213 = tpu.vector_load %arg15[%get3A_211, %get3A_212] {strides = array<i32>} : memref<224x128xf32, #tpu.memory_space<vmem>>, vector<16xf32>,
        %swap3A_214 = arith.index_cast %add3A_197 : i32 to index
        %swap3A_215 = arith.constant 80 : index
        %swap3A_216 = tpu.vector_load %arg13[%swap3A_214, %swap3A_215] {strides = array<i32>} : memref<224x128xf32, #tpu.memory_space<vmem>>, vector<16xf32>,
        tpu.vector_store %arg13[%swap3A_214, %swap3A_215], %get3A_213 {strides = array<i32>} : memref<224x128xf32, #tpu.memory_space<vmem>>, vector<16xf32>,
        %add3A_217 = arith.constant 7 : i32
        %add3A_218 = arith.addi %mul3A_72, %add3A_217 : i32
        %slice3A_219 = vector.extract_strided_slice %get3A_73 {offsets = [7], sizes = [1], strides = [1]} : vector<16xi32> to vector<1xi32>
        %squeeze3A_220 = vector.extract %slice3A_219[0] : i32 from vector<1xi32>
        %ne3A_221 = arith.constant 0 : i32
        %ne3A_222 = arith.cmpi ne, %squeeze3A_220, %ne3A_221 : i32
        %convert_element_type3A_223 = arith.extui %ne3A_222 : i1 to i32
        %cond3A_224 = arith.constant 0 : i32
        %cond3A_225 = arith.cmpi ne, %convert_element_type3A_223, %cond3A_224 : i32
        scf.if %cond3A_225 {
          %get3A_406 = arith.index_cast %add3A_218 : i32 to index
          %get3A_407 = arith.constant 64 : index
          %get3A_408 = tpu.vector_load %arg13[%get3A_406, %get3A_407] {strides = array<i32>} : memref<224x128xf32, #tpu.memory_space<vmem>>, vector<16xf32>,
          %swap3A_409 = arith.index_cast %add3A_218 : i32 to index
          %swap3A_410 = arith.constant 0 : index
          %swap3A_411 = tpu.vector_load %arg13[%swap3A_409, %swap3A_410] {strides = array<i32>} : memref<224x128xf32, #tpu.memory_space<vmem>>, vector<16xf32>,
          tpu.vector_store %arg13[%swap3A_409, %swap3A_410], %get3A_408 {strides = array<i32>} : memref<224x128xf32, #tpu.memory_space<vmem>>, vector<16xf32>,
          %get3A_412 = arith.index_cast %add3A_218 : i32 to index
          %get3A_413 = arith.constant 80 : index
          %get3A_414 = tpu.vector_load %arg13[%get3A_412, %get3A_413] {strides = array<i32>} : memref<224x128xf32, #tpu.memory_space<vmem>>, vector<16xf32>,
          %swap3A_415 = arith.index_cast %add3A_218 : i32 to index
          %swap3A_416 = arith.constant 16 : index
          %swap3A_417 = tpu.vector_load %arg13[%swap3A_415, %swap3A_416] {strides = array<i32>} : memref<224x128xf32, #tpu.memory_space<vmem>>, vector<16xf32>,
          tpu.vector_store %arg13[%swap3A_415, %swap3A_416], %get3A_414 {strides = array<i32>} : memref<224x128xf32, #tpu.memory_space<vmem>>, vector<16xf32>,
          %get3A_418 = arith.index_cast %add3A_218 : i32 to index
          %get3A_419 = arith.constant 96 : index
          %get3A_420 = tpu.vector_load %arg13[%get3A_418, %get3A_419] {strides = array<i32>} : memref<224x128xf32, #tpu.memory_space<vmem>>, vector<16xf32>,
          %swap3A_421 = arith.index_cast %add3A_218 : i32 to index
          %swap3A_422 = arith.constant 32 : index
          %swap3A_423 = tpu.vector_load %arg13[%swap3A_421, %swap3A_422] {strides = array<i32>} : memref<224x128xf32, #tpu.memory_space<vmem>>, vector<16xf32>,
          tpu.vector_store %arg13[%swap3A_421, %swap3A_422], %get3A_420 {strides = array<i32>} : memref<224x128xf32, #tpu.memory_space<vmem>>, vector<16xf32>,
          %get3A_424 = arith.index_cast %add3A_218 : i32 to index
          %get3A_425 = arith.constant 112 : index
          %get3A_426 = tpu.vector_load %arg13[%get3A_424, %get3A_425] {strides = array<i32>} : memref<224x128xf32, #tpu.memory_space<vmem>>, vector<16xf32>,
          %swap3A_427 = arith.index_cast %add3A_218 : i32 to index
          %swap3A_428 = arith.constant 48 : index
          %swap3A_429 = tpu.vector_load %arg13[%swap3A_427, %swap3A_428] {strides = array<i32>} : memref<224x128xf32, #tpu.memory_space<vmem>>, vector<16xf32>,
          tpu.vector_store %arg13[%swap3A_427, %swap3A_428], %get3A_426 {strides = array<i32>} : memref<224x128xf32, #tpu.memory_space<vmem>>, vector<16xf32>,
        } else {
        }
        %get3A_226 = arith.index_cast %add3A_218 : i32 to index
        %get3A_227 = arith.constant 0 : index
        %get3A_228 = tpu.vector_load %arg15[%get3A_226, %get3A_227] {strides = array<i32>} : memref<224x128xf32, #tpu.memory_space<vmem>>, vector<16xf32>,
        %swap3A_229 = arith.index_cast %add3A_218 : i32 to index
        %swap3A_230 = arith.constant 64 : index
        %swap3A_231 = tpu.vector_load %arg13[%swap3A_229, %swap3A_230] {strides = array<i32>} : memref<224x128xf32, #tpu.memory_space<vmem>>, vector<16xf32>,
        tpu.vector_store %arg13[%swap3A_229, %swap3A_230], %get3A_228 {strides = array<i32>} : memref<224x128xf32, #tpu.memory_space<vmem>>, vector<16xf32>,
        %get3A_232 = arith.index_cast %add3A_218 : i32 to index
        %get3A_233 = arith.constant 16 : index
        %get3A_234 = tpu.vector_load %arg15[%get3A_232, %get3A_233] {strides = array<i32>} : memref<224x128xf32, #tpu.memory_space<vmem>>, vector<16xf32>,
        %swap3A_235 = arith.index_cast %add3A_218 : i32 to index
        %swap3A_236 = arith.constant 80 : index
        %swap3A_237 = tpu.vector_load %arg13[%swap3A_235, %swap3A_236] {strides = array<i32>} : memref<224x128xf32, #tpu.memory_space<vmem>>, vector<16xf32>,
        tpu.vector_store %arg13[%swap3A_235, %swap3A_236], %get3A_234 {strides = array<i32>} : memref<224x128xf32, #tpu.memory_space<vmem>>, vector<16xf32>,
        %add3A_238 = arith.constant 8 : i32
        %add3A_239 = arith.addi %mul3A_72, %add3A_238 : i32
        %slice3A_240 = vector.extract_strided_slice %get3A_73 {offsets = [8], sizes = [1], strides = [1]} : vector<16xi32> to vector<1xi32>
        %squeeze3A_241 = vector.extract %slice3A_240[0] : i32 from vector<1xi32>
        %ne3A_242 = arith.constant 0 : i32
        %ne3A_243 = arith.cmpi ne, %squeeze3A_241, %ne3A_242 : i32
        %convert_element_type3A_244 = arith.extui %ne3A_243 : i1 to i32
        %cond3A_245 = arith.constant 0 : i32
        %cond3A_246 = arith.cmpi ne, %convert_element_type3A_244, %cond3A_245 : i32
        scf.if %cond3A_246 {
          %get3A_406 = arith.index_cast %add3A_239 : i32 to index
          %get3A_407 = arith.constant 64 : index
          %get3A_408 = tpu.vector_load %arg13[%get3A_406, %get3A_407] {strides = array<i32>} : memref<224x128xf32, #tpu.memory_space<vmem>>, vector<16xf32>,
          %swap3A_409 = arith.index_cast %add3A_239 : i32 to index
          %swap3A_410 = arith.constant 0 : index
          %swap3A_411 = tpu.vector_load %arg13[%swap3A_409, %swap3A_410] {strides = array<i32>} : memref<224x128xf32, #tpu.memory_space<vmem>>, vector<16xf32>,
          tpu.vector_store %arg13[%swap3A_409, %swap3A_410], %get3A_408 {strides = array<i32>} : memref<224x128xf32, #tpu.memory_space<vmem>>, vector<16xf32>,
          %get3A_412 = arith.index_cast %add3A_239 : i32 to index
          %get3A_413 = arith.constant 80 : index
          %get3A_414 = tpu.vector_load %arg13[%get3A_412, %get3A_413] {strides = array<i32>} : memref<224x128xf32, #tpu.memory_space<vmem>>, vector<16xf32>,
          %swap3A_415 = arith.index_cast %add3A_239 : i32 to index
          %swap3A_416 = arith.constant 16 : index
          %swap3A_417 = tpu.vector_load %arg13[%swap3A_415, %swap3A_416] {strides = array<i32>} : memref<224x128xf32, #tpu.memory_space<vmem>>, vector<16xf32>,
          tpu.vector_store %arg13[%swap3A_415, %swap3A_416], %get3A_414 {strides = array<i32>} : memref<224x128xf32, #tpu.memory_space<vmem>>, vector<16xf32>,
          %get3A_418 = arith.index_cast %add3A_239 : i32 to index
          %get3A_419 = arith.constant 96 : index
          %get3A_420 = tpu.vector_load %arg13[%get3A_418, %get3A_419] {strides = array<i32>} : memref<224x128xf32, #tpu.memory_space<vmem>>, vector<16xf32>,
          %swap3A_421 = arith.index_cast %add3A_239 : i32 to index
          %swap3A_422 = arith.constant 32 : index
          %swap3A_423 = tpu.vector_load %arg13[%swap3A_421, %swap3A_422] {strides = array<i32>} : memref<224x128xf32, #tpu.memory_space<vmem>>, vector<16xf32>,
          tpu.vector_store %arg13[%swap3A_421, %swap3A_422], %get3A_420 {strides = array<i32>} : memref<224x128xf32, #tpu.memory_space<vmem>>, vector<16xf32>,
          %get3A_424 = arith.index_cast %add3A_239 : i32 to index
          %get3A_425 = arith.constant 112 : index
          %get3A_426 = tpu.vector_load %arg13[%get3A_424, %get3A_425] {strides = array<i32>} : memref<224x128xf32, #tpu.memory_space<vmem>>, vector<16xf32>,
          %swap3A_427 = arith.index_cast %add3A_239 : i32 to index
          %swap3A_428 = arith.constant 48 : index
          %swap3A_429 = tpu.vector_load %arg13[%swap3A_427, %swap3A_428] {strides = array<i32>} : memref<224x128xf32, #tpu.memory_space<vmem>>, vector<16xf32>,
          tpu.vector_store %arg13[%swap3A_427, %swap3A_428], %get3A_426 {strides = array<i32>} : memref<224x128xf32, #tpu.memory_space<vmem>>, vector<16xf32>,
        } else {
        }
        %get3A_247 = arith.index_cast %add3A_239 : i32 to index
        %get3A_248 = arith.constant 0 : index
        %get3A_249 = tpu.vector_load %arg15[%get3A_247, %get3A_248] {strides = array<i32>} : memref<224x128xf32, #tpu.memory_space<vmem>>, vector<16xf32>,
        %swap3A_250 = arith.index_cast %add3A_239 : i32 to index
        %swap3A_251 = arith.constant 64 : index
        %swap3A_252 = tpu.vector_load %arg13[%swap3A_250, %swap3A_251] {strides = array<i32>} : memref<224x128xf32, #tpu.memory_space<vmem>>, vector<16xf32>,
        tpu.vector_store %arg13[%swap3A_250, %swap3A_251], %get3A_249 {strides = array<i32>} : memref<224x128xf32, #tpu.memory_space<vmem>>, vector<16xf32>,
        %get3A_253 = arith.index_cast %add3A_239 : i32 to index
        %get3A_254 = arith.constant 16 : index
        %get3A_255 = tpu.vector_load %arg15[%get3A_253, %get3A_254] {strides = array<i32>} : memref<224x128xf32, #tpu.memory_space<vmem>>, vector<16xf32>,
        %swap3A_256 = arith.index_cast %add3A_239 : i32 to index
        %swap3A_257 = arith.constant 80 : index
        %swap3A_258 = tpu.vector_load %arg13[%swap3A_256, %swap3A_257] {strides = array<i32>} : memref<224x128xf32, #tpu.memory_space<vmem>>, vector<16xf32>,
        tpu.vector_store %arg13[%swap3A_256, %swap3A_257], %get3A_255 {strides = array<i32>} : memref<224x128xf32, #tpu.memory_space<vmem>>, vector<16xf32>,
        %add3A_259 = arith.constant 9 : i32
        %add3A_260 = arith.addi %mul3A_72, %add3A_259 : i32
        %slice3A_261 = vector.extract_strided_slice %get3A_73 {offsets = [9], sizes = [1], strides = [1]} : vector<16xi32> to vector<1xi32>
        %squeeze3A_262 = vector.extract %slice3A_261[0] : i32 from vector<1xi32>
        %ne3A_263 = arith.constant 0 : i32
        %ne3A_264 = arith.cmpi ne, %squeeze3A_262, %ne3A_263 : i32
        %convert_element_type3A_265 = arith.extui %ne3A_264 : i1 to i32
        %cond3A_266 = arith.constant 0 : i32
        %cond3A_267 = arith.cmpi ne, %convert_element_type3A_265, %cond3A_266 : i32
        scf.if %cond3A_267 {
          %get3A_406 = arith.index_cast %add3A_260 : i32 to index
          %get3A_407 = arith.constant 64 : index
          %get3A_408 = tpu.vector_load %arg13[%get3A_406, %get3A_407] {strides = array<i32>} : memref<224x128xf32, #tpu.memory_space<vmem>>, vector<16xf32>,
          %swap3A_409 = arith.index_cast %add3A_260 : i32 to index
          %swap3A_410 = arith.constant 0 : index
          %swap3A_411 = tpu.vector_load %arg13[%swap3A_409, %swap3A_410] {strides = array<i32>} : memref<224x128xf32, #tpu.memory_space<vmem>>, vector<16xf32>,
          tpu.vector_store %arg13[%swap3A_409, %swap3A_410], %get3A_408 {strides = array<i32>} : memref<224x128xf32, #tpu.memory_space<vmem>>, vector<16xf32>,
          %get3A_412 = arith.index_cast %add3A_260 : i32 to index
          %get3A_413 = arith.constant 80 : index
          %get3A_414 = tpu.vector_load %arg13[%get3A_412, %get3A_413] {strides = array<i32>} : memref<224x128xf32, #tpu.memory_space<vmem>>, vector<16xf32>,
          %swap3A_415 = arith.index_cast %add3A_260 : i32 to index
          %swap3A_416 = arith.constant 16 : index
          %swap3A_417 = tpu.vector_load %arg13[%swap3A_415, %swap3A_416] {strides = array<i32>} : memref<224x128xf32, #tpu.memory_space<vmem>>, vector<16xf32>,
          tpu.vector_store %arg13[%swap3A_415, %swap3A_416], %get3A_414 {strides = array<i32>} : memref<224x128xf32, #tpu.memory_space<vmem>>, vector<16xf32>,
          %get3A_418 = arith.index_cast %add3A_260 : i32 to index
          %get3A_419 = arith.constant 96 : index
          %get3A_420 = tpu.vector_load %arg13[%get3A_418, %get3A_419] {strides = array<i32>} : memref<224x128xf32, #tpu.memory_space<vmem>>, vector<16xf32>,
          %swap3A_421 = arith.index_cast %add3A_260 : i32 to index
          %swap3A_422 = arith.constant 32 : index
          %swap3A_423 = tpu.vector_load %arg13[%swap3A_421, %swap3A_422] {strides = array<i32>} : memref<224x128xf32, #tpu.memory_space<vmem>>, vector<16xf32>,
          tpu.vector_store %arg13[%swap3A_421, %swap3A_422], %get3A_420 {strides = array<i32>} : memref<224x128xf32, #tpu.memory_space<vmem>>, vector<16xf32>,
          %get3A_424 = arith.index_cast %add3A_260 : i32 to index
          %get3A_425 = arith.constant 112 : index
          %get3A_426 = tpu.vector_load %arg13[%get3A_424, %get3A_425] {strides = array<i32>} : memref<224x128xf32, #tpu.memory_space<vmem>>, vector<16xf32>,
          %swap3A_427 = arith.index_cast %add3A_260 : i32 to index
          %swap3A_428 = arith.constant 48 : index
          %swap3A_429 = tpu.vector_load %arg13[%swap3A_427, %swap3A_428] {strides = array<i32>} : memref<224x128xf32, #tpu.memory_space<vmem>>, vector<16xf32>,
          tpu.vector_store %arg13[%swap3A_427, %swap3A_428], %get3A_426 {strides = array<i32>} : memref<224x128xf32, #tpu.memory_space<vmem>>, vector<16xf32>,
        } else {
        }
        %get3A_268 = arith.index_cast %add3A_260 : i32 to index
        %get3A_269 = arith.constant 0 : index
        %get3A_270 = tpu.vector_load %arg15[%get3A_268, %get3A_269] {strides = array<i32>} : memref<224x128xf32, #tpu.memory_space<vmem>>, vector<16xf32>,
        %swap3A_271 = arith.index_cast %add3A_260 : i32 to index
        %swap3A_272 = arith.constant 64 : index
        %swap3A_273 = tpu.vector_load %arg13[%swap3A_271, %swap3A_272] {strides = array<i32>} : memref<224x128xf32, #tpu.memory_space<vmem>>, vector<16xf32>,
        tpu.vector_store %arg13[%swap3A_271, %swap3A_272], %get3A_270 {strides = array<i32>} : memref<224x128xf32, #tpu.memory_space<vmem>>, vector<16xf32>,
        %get3A_274 = arith.index_cast %add3A_260 : i32 to index
        %get3A_275 = arith.constant 16 : index
        %get3A_276 = tpu.vector_load %arg15[%get3A_274, %get3A_275] {strides = array<i32>} : memref<224x128xf32, #tpu.memory_space<vmem>>, vector<16xf32>,
        %swap3A_277 = arith.index_cast %add3A_260 : i32 to index
        %swap3A_278 = arith.constant 80 : index
        %swap3A_279 = tpu.vector_load %arg13[%swap3A_277, %swap3A_278] {strides = array<i32>} : memref<224x128xf32, #tpu.memory_space<vmem>>, vector<16xf32>,
        tpu.vector_store %arg13[%swap3A_277, %swap3A_278], %get3A_276 {strides = array<i32>} : memref<224x128xf32, #tpu.memory_space<vmem>>, vector<16xf32>,
        %add3A_280 = arith.constant 10 : i32
        %add3A_281 = arith.addi %mul3A_72, %add3A_280 : i32
        %slice3A_282 = vector.extract_strided_slice %get3A_73 {offsets = [10], sizes = [1], strides = [1]} : vector<16xi32> to vector<1xi32>
        %squeeze3A_283 = vector.extract %slice3A_282[0] : i32 from vector<1xi32>
        %ne3A_284 = arith.constant 0 : i32
        %ne3A_285 = arith.cmpi ne, %squeeze3A_283, %ne3A_284 : i32
        %convert_element_type3A_286 = arith.extui %ne3A_285 : i1 to i32
        %cond3A_287 = arith.constant 0 : i32
        %cond3A_288 = arith.cmpi ne, %convert_element_type3A_286, %cond3A_287 : i32
        scf.if %cond3A_288 {
          %get3A_406 = arith.index_cast %add3A_281 : i32 to index
          %get3A_407 = arith.constant 64 : index
          %get3A_408 = tpu.vector_load %arg13[%get3A_406, %get3A_407] {strides = array<i32>} : memref<224x128xf32, #tpu.memory_space<vmem>>, vector<16xf32>,
          %swap3A_409 = arith.index_cast %add3A_281 : i32 to index
          %swap3A_410 = arith.constant 0 : index
          %swap3A_411 = tpu.vector_load %arg13[%swap3A_409, %swap3A_410] {strides = array<i32>} : memref<224x128xf32, #tpu.memory_space<vmem>>, vector<16xf32>,
          tpu.vector_store %arg13[%swap3A_409, %swap3A_410], %get3A_408 {strides = array<i32>} : memref<224x128xf32, #tpu.memory_space<vmem>>, vector<16xf32>,
          %get3A_412 = arith.index_cast %add3A_281 : i32 to index
          %get3A_413 = arith.constant 80 : index
          %get3A_414 = tpu.vector_load %arg13[%get3A_412, %get3A_413] {strides = array<i32>} : memref<224x128xf32, #tpu.memory_space<vmem>>, vector<16xf32>,
          %swap3A_415 = arith.index_cast %add3A_281 : i32 to index
          %swap3A_416 = arith.constant 16 : index
          %swap3A_417 = tpu.vector_load %arg13[%swap3A_415, %swap3A_416] {strides = array<i32>} : memref<224x128xf32, #tpu.memory_space<vmem>>, vector<16xf32>,
          tpu.vector_store %arg13[%swap3A_415, %swap3A_416], %get3A_414 {strides = array<i32>} : memref<224x128xf32, #tpu.memory_space<vmem>>, vector<16xf32>,
          %get3A_418 = arith.index_cast %add3A_281 : i32 to index
          %get3A_419 = arith.constant 96 : index
          %get3A_420 = tpu.vector_load %arg13[%get3A_418, %get3A_419] {strides = array<i32>} : memref<224x128xf32, #tpu.memory_space<vmem>>, vector<16xf32>,
          %swap3A_421 = arith.index_cast %add3A_281 : i32 to index
          %swap3A_422 = arith.constant 32 : index
          %swap3A_423 = tpu.vector_load %arg13[%swap3A_421, %swap3A_422] {strides = array<i32>} : memref<224x128xf32, #tpu.memory_space<vmem>>, vector<16xf32>,
          tpu.vector_store %arg13[%swap3A_421, %swap3A_422], %get3A_420 {strides = array<i32>} : memref<224x128xf32, #tpu.memory_space<vmem>>, vector<16xf32>,
          %get3A_424 = arith.index_cast %add3A_281 : i32 to index
          %get3A_425 = arith.constant 112 : index
          %get3A_426 = tpu.vector_load %arg13[%get3A_424, %get3A_425] {strides = array<i32>} : memref<224x128xf32, #tpu.memory_space<vmem>>, vector<16xf32>,
          %swap3A_427 = arith.index_cast %add3A_281 : i32 to index
          %swap3A_428 = arith.constant 48 : index
          %swap3A_429 = tpu.vector_load %arg13[%swap3A_427, %swap3A_428] {strides = array<i32>} : memref<224x128xf32, #tpu.memory_space<vmem>>, vector<16xf32>,
          tpu.vector_store %arg13[%swap3A_427, %swap3A_428], %get3A_426 {strides = array<i32>} : memref<224x128xf32, #tpu.memory_space<vmem>>, vector<16xf32>,
        } else {
        }
        %get3A_289 = arith.index_cast %add3A_281 : i32 to index
        %get3A_290 = arith.constant 0 : index
        %get3A_291 = tpu.vector_load %arg15[%get3A_289, %get3A_290] {strides = array<i32>} : memref<224x128xf32, #tpu.memory_space<vmem>>, vector<16xf32>,
        %swap3A_292 = arith.index_cast %add3A_281 : i32 to index
        %swap3A_293 = arith.constant 64 : index
        %swap3A_294 = tpu.vector_load %arg13[%swap3A_292, %swap3A_293] {strides = array<i32>} : memref<224x128xf32, #tpu.memory_space<vmem>>, vector<16xf32>,
        tpu.vector_store %arg13[%swap3A_292, %swap3A_293], %get3A_291 {strides = array<i32>} : memref<224x128xf32, #tpu.memory_space<vmem>>, vector<16xf32>,
        %get3A_295 = arith.index_cast %add3A_281 : i32 to index
        %get3A_296 = arith.constant 16 : index
        %get3A_297 = tpu.vector_load %arg15[%get3A_295, %get3A_296] {strides = array<i32>} : memref<224x128xf32, #tpu.memory_space<vmem>>, vector<16xf32>,
        %swap3A_298 = arith.index_cast %add3A_281 : i32 to index
        %swap3A_299 = arith.constant 80 : index
        %swap3A_300 = tpu.vector_load %arg13[%swap3A_298, %swap3A_299] {strides = array<i32>} : memref<224x128xf32, #tpu.memory_space<vmem>>, vector<16xf32>,
        tpu.vector_store %arg13[%swap3A_298, %swap3A_299], %get3A_297 {strides = array<i32>} : memref<224x128xf32, #tpu.memory_space<vmem>>, vector<16xf32>,
        %add3A_301 = arith.constant 11 : i32
        %add3A_302 = arith.addi %mul3A_72, %add3A_301 : i32
        %slice3A_303 = vector.extract_strided_slice %get3A_73 {offsets = [11], sizes = [1], strides = [1]} : vector<16xi32> to vector<1xi32>
        %squeeze3A_304 = vector.extract %slice3A_303[0] : i32 from vector<1xi32>
        %ne3A_305 = arith.constant 0 : i32
        %ne3A_306 = arith.cmpi ne, %squeeze3A_304, %ne3A_305 : i32
        %convert_element_type3A_307 = arith.extui %ne3A_306 : i1 to i32
        %cond3A_308 = arith.constant 0 : i32
        %cond3A_309 = arith.cmpi ne, %convert_element_type3A_307, %cond3A_308 : i32
        scf.if %cond3A_309 {
          %get3A_406 = arith.index_cast %add3A_302 : i32 to index
          %get3A_407 = arith.constant 64 : index
          %get3A_408 = tpu.vector_load %arg13[%get3A_406, %get3A_407] {strides = array<i32>} : memref<224x128xf32, #tpu.memory_space<vmem>>, vector<16xf32>,
          %swap3A_409 = arith.index_cast %add3A_302 : i32 to index
          %swap3A_410 = arith.constant 0 : index
          %swap3A_411 = tpu.vector_load %arg13[%swap3A_409, %swap3A_410] {strides = array<i32>} : memref<224x128xf32, #tpu.memory_space<vmem>>, vector<16xf32>,
          tpu.vector_store %arg13[%swap3A_409, %swap3A_410], %get3A_408 {strides = array<i32>} : memref<224x128xf32, #tpu.memory_space<vmem>>, vector<16xf32>,
          %get3A_412 = arith.index_cast %add3A_302 : i32 to index
          %get3A_413 = arith.constant 80 : index
          %get3A_414 = tpu.vector_load %arg13[%get3A_412, %get3A_413] {strides = array<i32>} : memref<224x128xf32, #tpu.memory_space<vmem>>, vector<16xf32>,
          %swap3A_415 = arith.index_cast %add3A_302 : i32 to index
          %swap3A_416 = arith.constant 16 : index
          %swap3A_417 = tpu.vector_load %arg13[%swap3A_415, %swap3A_416] {strides = array<i32>} : memref<224x128xf32, #tpu.memory_space<vmem>>, vector<16xf32>,
          tpu.vector_store %arg13[%swap3A_415, %swap3A_416], %get3A_414 {strides = array<i32>} : memref<224x128xf32, #tpu.memory_space<vmem>>, vector<16xf32>,
          %get3A_418 = arith.index_cast %add3A_302 : i32 to index
          %get3A_419 = arith.constant 96 : index
          %get3A_420 = tpu.vector_load %arg13[%get3A_418, %get3A_419] {strides = array<i32>} : memref<224x128xf32, #tpu.memory_space<vmem>>, vector<16xf32>,
          %swap3A_421 = arith.index_cast %add3A_302 : i32 to index
          %swap3A_422 = arith.constant 32 : index
          %swap3A_423 = tpu.vector_load %arg13[%swap3A_421, %swap3A_422] {strides = array<i32>} : memref<224x128xf32, #tpu.memory_space<vmem>>, vector<16xf32>,
          tpu.vector_store %arg13[%swap3A_421, %swap3A_422], %get3A_420 {strides = array<i32>} : memref<224x128xf32, #tpu.memory_space<vmem>>, vector<16xf32>,
          %get3A_424 = arith.index_cast %add3A_302 : i32 to index
          %get3A_425 = arith.constant 112 : index
          %get3A_426 = tpu.vector_load %arg13[%get3A_424, %get3A_425] {strides = array<i32>} : memref<224x128xf32, #tpu.memory_space<vmem>>, vector<16xf32>,
          %swap3A_427 = arith.index_cast %add3A_302 : i32 to index
          %swap3A_428 = arith.constant 48 : index
          %swap3A_429 = tpu.vector_load %arg13[%swap3A_427, %swap3A_428] {strides = array<i32>} : memref<224x128xf32, #tpu.memory_space<vmem>>, vector<16xf32>,
          tpu.vector_store %arg13[%swap3A_427, %swap3A_428], %get3A_426 {strides = array<i32>} : memref<224x128xf32, #tpu.memory_space<vmem>>, vector<16xf32>,
        } else {
        }
        %get3A_310 = arith.index_cast %add3A_302 : i32 to index
        %get3A_311 = arith.constant 0 : index
        %get3A_312 = tpu.vector_load %arg15[%get3A_310, %get3A_311] {strides = array<i32>} : memref<224x128xf32, #tpu.memory_space<vmem>>, vector<16xf32>,
        %swap3A_313 = arith.index_cast %add3A_302 : i32 to index
        %swap3A_314 = arith.constant 64 : index
        %swap3A_315 = tpu.vector_load %arg13[%swap3A_313, %swap3A_314] {strides = array<i32>} : memref<224x128xf32, #tpu.memory_space<vmem>>, vector<16xf32>,
        tpu.vector_store %arg13[%swap3A_313, %swap3A_314], %get3A_312 {strides = array<i32>} : memref<224x128xf32, #tpu.memory_space<vmem>>, vector<16xf32>,
        %get3A_316 = arith.index_cast %add3A_302 : i32 to index
        %get3A_317 = arith.constant 16 : index
        %get3A_318 = tpu.vector_load %arg15[%get3A_316, %get3A_317] {strides = array<i32>} : memref<224x128xf32, #tpu.memory_space<vmem>>, vector<16xf32>,
        %swap3A_319 = arith.index_cast %add3A_302 : i32 to index
        %swap3A_320 = arith.constant 80 : index
        %swap3A_321 = tpu.vector_load %arg13[%swap3A_319, %swap3A_320] {strides = array<i32>} : memref<224x128xf32, #tpu.memory_space<vmem>>, vector<16xf32>,
        tpu.vector_store %arg13[%swap3A_319, %swap3A_320], %get3A_318 {strides = array<i32>} : memref<224x128xf32, #tpu.memory_space<vmem>>, vector<16xf32>,
        %add3A_322 = arith.constant 12 : i32
        %add3A_323 = arith.addi %mul3A_72, %add3A_322 : i32
        %slice3A_324 = vector.extract_strided_slice %get3A_73 {offsets = [12], sizes = [1], strides = [1]} : vector<16xi32> to vector<1xi32>
        %squeeze3A_325 = vector.extract %slice3A_324[0] : i32 from vector<1xi32>
        %ne3A_326 = arith.constant 0 : i32
        %ne3A_327 = arith.cmpi ne, %squeeze3A_325, %ne3A_326 : i32
        %convert_element_type3A_328 = arith.extui %ne3A_327 : i1 to i32
        %cond3A_329 = arith.constant 0 : i32
        %cond3A_330 = arith.cmpi ne, %convert_element_type3A_328, %cond3A_329 : i32
        scf.if %cond3A_330 {
          %get3A_406 = arith.index_cast %add3A_323 : i32 to index
          %get3A_407 = arith.constant 64 : index
          %get3A_408 = tpu.vector_load %arg13[%get3A_406, %get3A_407] {strides = array<i32>} : memref<224x128xf32, #tpu.memory_space<vmem>>, vector<16xf32>,
          %swap3A_409 = arith.index_cast %add3A_323 : i32 to index
          %swap3A_410 = arith.constant 0 : index
          %swap3A_411 = tpu.vector_load %arg13[%swap3A_409, %swap3A_410] {strides = array<i32>} : memref<224x128xf32, #tpu.memory_space<vmem>>, vector<16xf32>,
          tpu.vector_store %arg13[%swap3A_409, %swap3A_410], %get3A_408 {strides = array<i32>} : memref<224x128xf32, #tpu.memory_space<vmem>>, vector<16xf32>,
          %get3A_412 = arith.index_cast %add3A_323 : i32 to index
          %get3A_413 = arith.constant 80 : index
          %get3A_414 = tpu.vector_load %arg13[%get3A_412, %get3A_413] {strides = array<i32>} : memref<224x128xf32, #tpu.memory_space<vmem>>, vector<16xf32>,
          %swap3A_415 = arith.index_cast %add3A_323 : i32 to index
          %swap3A_416 = arith.constant 16 : index
          %swap3A_417 = tpu.vector_load %arg13[%swap3A_415, %swap3A_416] {strides = array<i32>} : memref<224x128xf32, #tpu.memory_space<vmem>>, vector<16xf32>,
          tpu.vector_store %arg13[%swap3A_415, %swap3A_416], %get3A_414 {strides = array<i32>} : memref<224x128xf32, #tpu.memory_space<vmem>>, vector<16xf32>,
          %get3A_418 = arith.index_cast %add3A_323 : i32 to index
          %get3A_419 = arith.constant 96 : index
          %get3A_420 = tpu.vector_load %arg13[%get3A_418, %get3A_419] {strides = array<i32>} : memref<224x128xf32, #tpu.memory_space<vmem>>, vector<16xf32>,
          %swap3A_421 = arith.index_cast %add3A_323 : i32 to index
          %swap3A_422 = arith.constant 32 : index
          %swap3A_423 = tpu.vector_load %arg13[%swap3A_421, %swap3A_422] {strides = array<i32>} : memref<224x128xf32, #tpu.memory_space<vmem>>, vector<16xf32>,
          tpu.vector_store %arg13[%swap3A_421, %swap3A_422], %get3A_420 {strides = array<i32>} : memref<224x128xf32, #tpu.memory_space<vmem>>, vector<16xf32>,
          %get3A_424 = arith.index_cast %add3A_323 : i32 to index
          %get3A_425 = arith.constant 112 : index
          %get3A_426 = tpu.vector_load %arg13[%get3A_424, %get3A_425] {strides = array<i32>} : memref<224x128xf32, #tpu.memory_space<vmem>>, vector<16xf32>,
          %swap3A_427 = arith.index_cast %add3A_323 : i32 to index
          %swap3A_428 = arith.constant 48 : index
          %swap3A_429 = tpu.vector_load %arg13[%swap3A_427, %swap3A_428] {strides = array<i32>} : memref<224x128xf32, #tpu.memory_space<vmem>>, vector<16xf32>,
          tpu.vector_store %arg13[%swap3A_427, %swap3A_428], %get3A_426 {strides = array<i32>} : memref<224x128xf32, #tpu.memory_space<vmem>>, vector<16xf32>,
        } else {
        }
        %get3A_331 = arith.index_cast %add3A_323 : i32 to index
        %get3A_332 = arith.constant 0 : index
        %get3A_333 = tpu.vector_load %arg15[%get3A_331, %get3A_332] {strides = array<i32>} : memref<224x128xf32, #tpu.memory_space<vmem>>, vector<16xf32>,
        %swap3A_334 = arith.index_cast %add3A_323 : i32 to index
        %swap3A_335 = arith.constant 64 : index
        %swap3A_336 = tpu.vector_load %arg13[%swap3A_334, %swap3A_335] {strides = array<i32>} : memref<224x128xf32, #tpu.memory_space<vmem>>, vector<16xf32>,
        tpu.vector_store %arg13[%swap3A_334, %swap3A_335], %get3A_333 {strides = array<i32>} : memref<224x128xf32, #tpu.memory_space<vmem>>, vector<16xf32>,
        %get3A_337 = arith.index_cast %add3A_323 : i32 to index
        %get3A_338 = arith.constant 16 : index
        %get3A_339 = tpu.vector_load %arg15[%get3A_337, %get3A_338] {strides = array<i32>} : memref<224x128xf32, #tpu.memory_space<vmem>>, vector<16xf32>,
        %swap3A_340 = arith.index_cast %add3A_323 : i32 to index
        %swap3A_341 = arith.constant 80 : index
        %swap3A_342 = tpu.vector_load %arg13[%swap3A_340, %swap3A_341] {strides = array<i32>} : memref<224x128xf32, #tpu.memory_space<vmem>>, vector<16xf32>,
        tpu.vector_store %arg13[%swap3A_340, %swap3A_341], %get3A_339 {strides = array<i32>} : memref<224x128xf32, #tpu.memory_space<vmem>>, vector<16xf32>,
        %add3A_343 = arith.constant 13 : i32
        %add3A_344 = arith.addi %mul3A_72, %add3A_343 : i32
        %slice3A_345 = vector.extract_strided_slice %get3A_73 {offsets = [13], sizes = [1], strides = [1]} : vector<16xi32> to vector<1xi32>
        %squeeze3A_346 = vector.extract %slice3A_345[0] : i32 from vector<1xi32>
        %ne3A_347 = arith.constant 0 : i32
        %ne3A_348 = arith.cmpi ne, %squeeze3A_346, %ne3A_347 : i32
        %convert_element_type3A_349 = arith.extui %ne3A_348 : i1 to i32
        %cond3A_350 = arith.constant 0 : i32
        %cond3A_351 = arith.cmpi ne, %convert_element_type3A_349, %cond3A_350 : i32
        scf.if %cond3A_351 {
          %get3A_406 = arith.index_cast %add3A_344 : i32 to index
          %get3A_407 = arith.constant 64 : index
          %get3A_408 = tpu.vector_load %arg13[%get3A_406, %get3A_407] {strides = array<i32>} : memref<224x128xf32, #tpu.memory_space<vmem>>, vector<16xf32>,
          %swap3A_409 = arith.index_cast %add3A_344 : i32 to index
          %swap3A_410 = arith.constant 0 : index
          %swap3A_411 = tpu.vector_load %arg13[%swap3A_409, %swap3A_410] {strides = array<i32>} : memref<224x128xf32, #tpu.memory_space<vmem>>, vector<16xf32>,
          tpu.vector_store %arg13[%swap3A_409, %swap3A_410], %get3A_408 {strides = array<i32>} : memref<224x128xf32, #tpu.memory_space<vmem>>, vector<16xf32>,
          %get3A_412 = arith.index_cast %add3A_344 : i32 to index
          %get3A_413 = arith.constant 80 : index
          %get3A_414 = tpu.vector_load %arg13[%get3A_412, %get3A_413] {strides = array<i32>} : memref<224x128xf32, #tpu.memory_space<vmem>>, vector<16xf32>,
          %swap3A_415 = arith.index_cast %add3A_344 : i32 to index
          %swap3A_416 = arith.constant 16 : index
          %swap3A_417 = tpu.vector_load %arg13[%swap3A_415, %swap3A_416] {strides = array<i32>} : memref<224x128xf32, #tpu.memory_space<vmem>>, vector<16xf32>,
          tpu.vector_store %arg13[%swap3A_415, %swap3A_416], %get3A_414 {strides = array<i32>} : memref<224x128xf32, #tpu.memory_space<vmem>>, vector<16xf32>,
          %get3A_418 = arith.index_cast %add3A_344 : i32 to index
          %get3A_419 = arith.constant 96 : index
          %get3A_420 = tpu.vector_load %arg13[%get3A_418, %get3A_419] {strides = array<i32>} : memref<224x128xf32, #tpu.memory_space<vmem>>, vector<16xf32>,
          %swap3A_421 = arith.index_cast %add3A_344 : i32 to index
          %swap3A_422 = arith.constant 32 : index
          %swap3A_423 = tpu.vector_load %arg13[%swap3A_421, %swap3A_422] {strides = array<i32>} : memref<224x128xf32, #tpu.memory_space<vmem>>, vector<16xf32>,
          tpu.vector_store %arg13[%swap3A_421, %swap3A_422], %get3A_420 {strides = array<i32>} : memref<224x128xf32, #tpu.memory_space<vmem>>, vector<16xf32>,
          %get3A_424 = arith.index_cast %add3A_344 : i32 to index
          %get3A_425 = arith.constant 112 : index
          %get3A_426 = tpu.vector_load %arg13[%get3A_424, %get3A_425] {strides = array<i32>} : memref<224x128xf32, #tpu.memory_space<vmem>>, vector<16xf32>,
          %swap3A_427 = arith.index_cast %add3A_344 : i32 to index
          %swap3A_428 = arith.constant 48 : index
          %swap3A_429 = tpu.vector_load %arg13[%swap3A_427, %swap3A_428] {strides = array<i32>} : memref<224x128xf32, #tpu.memory_space<vmem>>, vector<16xf32>,
          tpu.vector_store %arg13[%swap3A_427, %swap3A_428], %get3A_426 {strides = array<i32>} : memref<224x128xf32, #tpu.memory_space<vmem>>, vector<16xf32>,
        } else {
        }
        %get3A_352 = arith.index_cast %add3A_344 : i32 to index
        %get3A_353 = arith.constant 0 : index
        %get3A_354 = tpu.vector_load %arg15[%get3A_352, %get3A_353] {strides = array<i32>} : memref<224x128xf32, #tpu.memory_space<vmem>>, vector<16xf32>,
        %swap3A_355 = arith.index_cast %add3A_344 : i32 to index
        %swap3A_356 = arith.constant 64 : index
        %swap3A_357 = tpu.vector_load %arg13[%swap3A_355, %swap3A_356] {strides = array<i32>} : memref<224x128xf32, #tpu.memory_space<vmem>>, vector<16xf32>,
        tpu.vector_store %arg13[%swap3A_355, %swap3A_356], %get3A_354 {strides = array<i32>} : memref<224x128xf32, #tpu.memory_space<vmem>>, vector<16xf32>,
        %get3A_358 = arith.index_cast %add3A_344 : i32 to index
        %get3A_359 = arith.constant 16 : index
        %get3A_360 = tpu.vector_load %arg15[%get3A_358, %get3A_359] {strides = array<i32>} : memref<224x128xf32, #tpu.memory_space<vmem>>, vector<16xf32>,
        %swap3A_361 = arith.index_cast %add3A_344 : i32 to index
        %swap3A_362 = arith.constant 80 : index
        %swap3A_363 = tpu.vector_load %arg13[%swap3A_361, %swap3A_362] {strides = array<i32>} : memref<224x128xf32, #tpu.memory_space<vmem>>, vector<16xf32>,
        tpu.vector_store %arg13[%swap3A_361, %swap3A_362], %get3A_360 {strides = array<i32>} : memref<224x128xf32, #tpu.memory_space<vmem>>, vector<16xf32>,
        %add3A_364 = arith.constant 14 : i32
        %add3A_365 = arith.addi %mul3A_72, %add3A_364 : i32
        %slice3A_366 = vector.extract_strided_slice %get3A_73 {offsets = [14], sizes = [1], strides = [1]} : vector<16xi32> to vector<1xi32>
        %squeeze3A_367 = vector.extract %slice3A_366[0] : i32 from vector<1xi32>
        %ne3A_368 = arith.constant 0 : i32
        %ne3A_369 = arith.cmpi ne, %squeeze3A_367, %ne3A_368 : i32
        %convert_element_type3A_370 = arith.extui %ne3A_369 : i1 to i32
        %cond3A_371 = arith.constant 0 : i32
        %cond3A_372 = arith.cmpi ne, %convert_element_type3A_370, %cond3A_371 : i32
        scf.if %cond3A_372 {
          %get3A_406 = arith.index_cast %add3A_365 : i32 to index
          %get3A_407 = arith.constant 64 : index
          %get3A_408 = tpu.vector_load %arg13[%get3A_406, %get3A_407] {strides = array<i32>} : memref<224x128xf32, #tpu.memory_space<vmem>>, vector<16xf32>,
          %swap3A_409 = arith.index_cast %add3A_365 : i32 to index
          %swap3A_410 = arith.constant 0 : index
          %swap3A_411 = tpu.vector_load %arg13[%swap3A_409, %swap3A_410] {strides = array<i32>} : memref<224x128xf32, #tpu.memory_space<vmem>>, vector<16xf32>,
          tpu.vector_store %arg13[%swap3A_409, %swap3A_410], %get3A_408 {strides = array<i32>} : memref<224x128xf32, #tpu.memory_space<vmem>>, vector<16xf32>,
          %get3A_412 = arith.index_cast %add3A_365 : i32 to index
          %get3A_413 = arith.constant 80 : index
          %get3A_414 = tpu.vector_load %arg13[%get3A_412, %get3A_413] {strides = array<i32>} : memref<224x128xf32, #tpu.memory_space<vmem>>, vector<16xf32>,
          %swap3A_415 = arith.index_cast %add3A_365 : i32 to index
          %swap3A_416 = arith.constant 16 : index
          %swap3A_417 = tpu.vector_load %arg13[%swap3A_415, %swap3A_416] {strides = array<i32>} : memref<224x128xf32, #tpu.memory_space<vmem>>, vector<16xf32>,
          tpu.vector_store %arg13[%swap3A_415, %swap3A_416], %get3A_414 {strides = array<i32>} : memref<224x128xf32, #tpu.memory_space<vmem>>, vector<16xf32>,
          %get3A_418 = arith.index_cast %add3A_365 : i32 to index
          %get3A_419 = arith.constant 96 : index
          %get3A_420 = tpu.vector_load %arg13[%get3A_418, %get3A_419] {strides = array<i32>} : memref<224x128xf32, #tpu.memory_space<vmem>>, vector<16xf32>,
          %swap3A_421 = arith.index_cast %add3A_365 : i32 to index
          %swap3A_422 = arith.constant 32 : index
          %swap3A_423 = tpu.vector_load %arg13[%swap3A_421, %swap3A_422] {strides = array<i32>} : memref<224x128xf32, #tpu.memory_space<vmem>>, vector<16xf32>,
          tpu.vector_store %arg13[%swap3A_421, %swap3A_422], %get3A_420 {strides = array<i32>} : memref<224x128xf32, #tpu.memory_space<vmem>>, vector<16xf32>,
          %get3A_424 = arith.index_cast %add3A_365 : i32 to index
          %get3A_425 = arith.constant 112 : index
          %get3A_426 = tpu.vector_load %arg13[%get3A_424, %get3A_425] {strides = array<i32>} : memref<224x128xf32, #tpu.memory_space<vmem>>, vector<16xf32>,
          %swap3A_427 = arith.index_cast %add3A_365 : i32 to index
          %swap3A_428 = arith.constant 48 : index
          %swap3A_429 = tpu.vector_load %arg13[%swap3A_427, %swap3A_428] {strides = array<i32>} : memref<224x128xf32, #tpu.memory_space<vmem>>, vector<16xf32>,
          tpu.vector_store %arg13[%swap3A_427, %swap3A_428], %get3A_426 {strides = array<i32>} : memref<224x128xf32, #tpu.memory_space<vmem>>, vector<16xf32>,
        } else {
        }
        %get3A_373 = arith.index_cast %add3A_365 : i32 to index
        %get3A_374 = arith.constant 0 : index
        %get3A_375 = tpu.vector_load %arg15[%get3A_373, %get3A_374] {strides = array<i32>} : memref<224x128xf32, #tpu.memory_space<vmem>>, vector<16xf32>,
        %swap3A_376 = arith.index_cast %add3A_365 : i32 to index
        %swap3A_377 = arith.constant 64 : index
        %swap3A_378 = tpu.vector_load %arg13[%swap3A_376, %swap3A_377] {strides = array<i32>} : memref<224x128xf32, #tpu.memory_space<vmem>>, vector<16xf32>,
        tpu.vector_store %arg13[%swap3A_376, %swap3A_377], %get3A_375 {strides = array<i32>} : memref<224x128xf32, #tpu.memory_space<vmem>>, vector<16xf32>,
        %get3A_379 = arith.index_cast %add3A_365 : i32 to index
        %get3A_380 = arith.constant 16 : index
        %get3A_381 = tpu.vector_load %arg15[%get3A_379, %get3A_380] {strides = array<i32>} : memref<224x128xf32, #tpu.memory_space<vmem>>, vector<16xf32>,
        %swap3A_382 = arith.index_cast %add3A_365 : i32 to index
        %swap3A_383 = arith.constant 80 : index
        %swap3A_384 = tpu.vector_load %arg13[%swap3A_382, %swap3A_383] {strides = array<i32>} : memref<224x128xf32, #tpu.memory_space<vmem>>, vector<16xf32>,
        tpu.vector_store %arg13[%swap3A_382, %swap3A_383], %get3A_381 {strides = array<i32>} : memref<224x128xf32, #tpu.memory_space<vmem>>, vector<16xf32>,
        %add3A_385 = arith.constant 15 : i32
        %add3A_386 = arith.addi %mul3A_72, %add3A_385 : i32
        %slice3A_387 = vector.extract_strided_slice %get3A_73 {offsets = [15], sizes = [1], strides = [1]} : vector<16xi32> to vector<1xi32>
        %squeeze3A_388 = vector.extract %slice3A_387[0] : i32 from vector<1xi32>
        %ne3A_389 = arith.constant 0 : i32
        %ne3A_390 = arith.cmpi ne, %squeeze3A_388, %ne3A_389 : i32
        %convert_element_type3A_391 = arith.extui %ne3A_390 : i1 to i32
        %cond3A_392 = arith.constant 0 : i32
        %cond3A_393 = arith.cmpi ne, %convert_element_type3A_391, %cond3A_392 : i32
        scf.if %cond3A_393 {
          %get3A_406 = arith.index_cast %add3A_386 : i32 to index
          %get3A_407 = arith.constant 64 : index
          %get3A_408 = tpu.vector_load %arg13[%get3A_406, %get3A_407] {strides = array<i32>} : memref<224x128xf32, #tpu.memory_space<vmem>>, vector<16xf32>,
          %swap3A_409 = arith.index_cast %add3A_386 : i32 to index
          %swap3A_410 = arith.constant 0 : index
          %swap3A_411 = tpu.vector_load %arg13[%swap3A_409, %swap3A_410] {strides = array<i32>} : memref<224x128xf32, #tpu.memory_space<vmem>>, vector<16xf32>,
          tpu.vector_store %arg13[%swap3A_409, %swap3A_410], %get3A_408 {strides = array<i32>} : memref<224x128xf32, #tpu.memory_space<vmem>>, vector<16xf32>,
          %get3A_412 = arith.index_cast %add3A_386 : i32 to index
          %get3A_413 = arith.constant 80 : index
          %get3A_414 = tpu.vector_load %arg13[%get3A_412, %get3A_413] {strides = array<i32>} : memref<224x128xf32, #tpu.memory_space<vmem>>, vector<16xf32>,
          %swap3A_415 = arith.index_cast %add3A_386 : i32 to index
          %swap3A_416 = arith.constant 16 : index
          %swap3A_417 = tpu.vector_load %arg13[%swap3A_415, %swap3A_416] {strides = array<i32>} : memref<224x128xf32, #tpu.memory_space<vmem>>, vector<16xf32>,
          tpu.vector_store %arg13[%swap3A_415, %swap3A_416], %get3A_414 {strides = array<i32>} : memref<224x128xf32, #tpu.memory_space<vmem>>, vector<16xf32>,
          %get3A_418 = arith.index_cast %add3A_386 : i32 to index
          %get3A_419 = arith.constant 96 : index
          %get3A_420 = tpu.vector_load %arg13[%get3A_418, %get3A_419] {strides = array<i32>} : memref<224x128xf32, #tpu.memory_space<vmem>>, vector<16xf32>,
          %swap3A_421 = arith.index_cast %add3A_386 : i32 to index
          %swap3A_422 = arith.constant 32 : index
          %swap3A_423 = tpu.vector_load %arg13[%swap3A_421, %swap3A_422] {strides = array<i32>} : memref<224x128xf32, #tpu.memory_space<vmem>>, vector<16xf32>,
          tpu.vector_store %arg13[%swap3A_421, %swap3A_422], %get3A_420 {strides = array<i32>} : memref<224x128xf32, #tpu.memory_space<vmem>>, vector<16xf32>,
          %get3A_424 = arith.index_cast %add3A_386 : i32 to index
          %get3A_425 = arith.constant 112 : index
          %get3A_426 = tpu.vector_load %arg13[%get3A_424, %get3A_425] {strides = array<i32>} : memref<224x128xf32, #tpu.memory_space<vmem>>, vector<16xf32>,
          %swap3A_427 = arith.index_cast %add3A_386 : i32 to index
          %swap3A_428 = arith.constant 48 : index
          %swap3A_429 = tpu.vector_load %arg13[%swap3A_427, %swap3A_428] {strides = array<i32>} : memref<224x128xf32, #tpu.memory_space<vmem>>, vector<16xf32>,
          tpu.vector_store %arg13[%swap3A_427, %swap3A_428], %get3A_426 {strides = array<i32>} : memref<224x128xf32, #tpu.memory_space<vmem>>, vector<16xf32>,
        } else {
        }
        %get3A_394 = arith.index_cast %add3A_386 : i32 to index
        %get3A_395 = arith.constant 0 : index
        %get3A_396 = tpu.vector_load %arg15[%get3A_394, %get3A_395] {strides = array<i32>} : memref<224x128xf32, #tpu.memory_space<vmem>>, vector<16xf32>,
        %swap3A_397 = arith.index_cast %add3A_386 : i32 to index
        %swap3A_398 = arith.constant 64 : index
        %swap3A_399 = tpu.vector_load %arg13[%swap3A_397, %swap3A_398] {strides = array<i32>} : memref<224x128xf32, #tpu.memory_space<vmem>>, vector<16xf32>,
        tpu.vector_store %arg13[%swap3A_397, %swap3A_398], %get3A_396 {strides = array<i32>} : memref<224x128xf32, #tpu.memory_space<vmem>>, vector<16xf32>,
        %get3A_400 = arith.index_cast %add3A_386 : i32 to index
        %get3A_401 = arith.constant 16 : index
        %get3A_402 = tpu.vector_load %arg15[%get3A_400, %get3A_401] {strides = array<i32>} : memref<224x128xf32, #tpu.memory_space<vmem>>, vector<16xf32>,
        %swap3A_403 = arith.index_cast %add3A_386 : i32 to index
        %swap3A_404 = arith.constant 80 : index
        %swap3A_405 = tpu.vector_load %arg13[%swap3A_403, %swap3A_404] {strides = array<i32>} : memref<224x128xf32, #tpu.memory_space<vmem>>, vector<16xf32>,
        tpu.vector_store %arg13[%swap3A_403, %swap3A_404], %get3A_402 {strides = array<i32>} : memref<224x128xf32, #tpu.memory_space<vmem>>, vector<16xf32>,
      }
      %scan3A_40 = arith.constant 14 : i32
      %mul3A_41 = arith.constant 224 : i32
      %mul3A_42 = arith.muli %add3A_25, %mul3A_41 : i32
      %add3A_43 = arith.addi %mul3A_2, %mul3A_42 : i32
      "tpu.region"() ({
        %run_scoped3A = tpu.sem_alloc : memref<!tpu.dma_semaphore, #tpu.memory_space<semaphore_mem>>
        %dma_start3A_70 = arith.constant 0 : i32
        %dma_start3A_71 = tpu.memref_slice %arg6[%add3A_43, %dma_start3A_70] : memref<100352x128xf32, #tpu.memory_space<hbm>> -> memref<224x128xf32, #tpu.memory_space<hbm>>
        %dma_start3A_72 = arith.constant 0 : i32
        %dma_start3A_73 = tpu.memref_slice %arg6[%add3A_43, %dma_start3A_72] : memref<100352x128xf32, #tpu.memory_space<hbm>> -> memref<224x128xf32, #tpu.memory_space<hbm>>
        tpu.enqueue_dma source(%arg13 : memref<224x128xf32, #tpu.memory_space<vmem>>) target(%dma_start3A_73 : memref<224x128xf32, #tpu.memory_space<hbm>>) target_semaphore(%run_scoped3A : memref<!tpu.dma_semaphore, #tpu.memory_space<semaphore_mem>>)
        %dma_wait3A_74 = arith.constant 0 : i32
        %dma_wait3A_75 = tpu.memref_slice %arg6[%add3A_43, %dma_wait3A_74] : memref<100352x128xf32, #tpu.memory_space<hbm>> -> memref<224x128xf32, #tpu.memory_space<hbm>>
        %dma_wait3A_76 = arith.constant 0 : i32
        %dma_wait3A_77 = tpu.memref_slice %arg6[%add3A_43, %dma_wait3A_76] : memref<100352x128xf32, #tpu.memory_space<hbm>> -> memref<224x128xf32, #tpu.memory_space<hbm>>
        tpu.wait_dma2 semaphore(%run_scoped3A : memref<!tpu.dma_semaphore, #tpu.memory_space<semaphore_mem>>) src(%arg13 : memref<224x128xf32, #tpu.memory_space<vmem>>) dst(%dma_wait3A_77 : memref<224x128xf32, #tpu.memory_space<hbm>>)
        tpu.yield
      }) : () -> ()
      %mul3A_44 = arith.constant 2 : i32
      %mul3A_45 = arith.muli %mul3A_44, %scan3A_21 : i32
      %add3A_46 = arith.constant 1 : i32
      %add3A_47 = arith.addi %mul3A_45, %add3A_46 : i32
      %add3A_48 = arith.constant 1 : i32
      %add3A_49 = arith.addi %add3A_47, %add3A_48 : i32
      %lt3A_50 = arith.constant 14 : i32
      %lt3A_51 = arith.cmpi slt, %add3A_49, %lt3A_50 : i32
      %convert_element_type3A_52 = arith.extui %lt3A_51 : i1 to i32
      %cond3A_53 = arith.constant 0 : i32
      %cond3A_54 = arith.cmpi ne, %convert_element_type3A_52, %cond3A_53 : i32
      scf.if %cond3A_54 {
        %add3A_70 = arith.constant 1 : i32
        %add3A_71 = arith.addi %add3A_47, %add3A_70 : i32
        %mul3A_72 = arith.constant 224 : i32
        %mul3A_73 = arith.muli %add3A_71, %mul3A_72 : i32
        %add3A_74 = arith.addi %mul3A_2, %mul3A_73 : i32
        "tpu.region"() ({
          %run_scoped3A = tpu.sem_alloc : memref<!tpu.dma_semaphore, #tpu.memory_space<semaphore_mem>>
          %dma_start3A_87 = tpu.memref_slice %arg2[%add3A_74] : memref<100352xi32, #tpu.memory_space<hbm>> -> memref<224xi32, #tpu.memory_space<hbm>>
          %dma_start3A_88 = tpu.memref_slice %arg2[%add3A_74] : memref<100352xi32, #tpu.memory_space<hbm>> -> memref<224xi32, #tpu.memory_space<hbm>>
          tpu.enqueue_dma source(%dma_start3A_88 : memref<224xi32, #tpu.memory_space<hbm>>) target(%arg7 : memref<224xi32, #tpu.memory_space<vmem>>) target_semaphore(%run_scoped3A : memref<!tpu.dma_semaphore, #tpu.memory_space<semaphore_mem>>)
          %dma_wait3A_89 = tpu.memref_slice %arg2[%add3A_74] : memref<100352xi32, #tpu.memory_space<hbm>> -> memref<224xi32, #tpu.memory_space<hbm>>
          %dma_wait3A_90 = tpu.memref_slice %arg2[%add3A_74] : memref<100352xi32, #tpu.memory_space<hbm>> -> memref<224xi32, #tpu.memory_space<hbm>>
          tpu.wait_dma2 semaphore(%run_scoped3A : memref<!tpu.dma_semaphore, #tpu.memory_space<semaphore_mem>>) src(%dma_wait3A_90 : memref<224xi32, #tpu.memory_space<hbm>>) dst(%arg7 : memref<224xi32, #tpu.memory_space<vmem>>)
          tpu.yield
        }) : () -> ()
        "tpu.region"() ({
          %run_scoped3A = tpu.sem_alloc : memref<!tpu.dma_semaphore, #tpu.memory_space<semaphore_mem>>
          %dma_start3A_87 = tpu.memref_slice %arg3[%add3A_74] : memref<100352xi32, #tpu.memory_space<hbm>> -> memref<224xi32, #tpu.memory_space<hbm>>
          %dma_start3A_88 = tpu.memref_slice %arg3[%add3A_74] : memref<100352xi32, #tpu.memory_space<hbm>> -> memref<224xi32, #tpu.memory_space<hbm>>
          tpu.enqueue_dma source(%dma_start3A_88 : memref<224xi32, #tpu.memory_space<hbm>>) target(%arg11 : memref<224xi32, #tpu.memory_space<vmem>>) target_semaphore(%run_scoped3A : memref<!tpu.dma_semaphore, #tpu.memory_space<semaphore_mem>>)
          %dma_wait3A_89 = tpu.memref_slice %arg3[%add3A_74] : memref<100352xi32, #tpu.memory_space<hbm>> -> memref<224xi32, #tpu.memory_space<hbm>>
          %dma_wait3A_90 = tpu.memref_slice %arg3[%add3A_74] : memref<100352xi32, #tpu.memory_space<hbm>> -> memref<224xi32, #tpu.memory_space<hbm>>
          tpu.wait_dma2 semaphore(%run_scoped3A : memref<!tpu.dma_semaphore, #tpu.memory_space<semaphore_mem>>) src(%dma_wait3A_90 : memref<224xi32, #tpu.memory_space<hbm>>) dst(%arg11 : memref<224xi32, #tpu.memory_space<vmem>>)
          tpu.yield
        }) : () -> ()
        %scan3A_75 = arith.constant 0 : i32
        %scan3A_76 = arith.constant 0 : i32
        %scan3A_77 = arith.constant 14 : i32
        %scan3A_78 = arith.addi %scan3A_76, %scan3A_77 : i32
        %scan3A_79 = arith.constant 1 : i32
        scf.for %scan3A_87 = %scan3A_76 to %scan3A_78 step %scan3A_79  : i32 {
          %mul3A_88 = arith.constant 16 : i32
          %mul3A_89 = arith.muli %scan3A_87, %mul3A_88 : i32
          %get3A = arith.index_cast %mul3A_89 : i32 to index
          %get3A_90 = tpu.vector_load %arg7[%get3A] {strides = array<i32>} : memref<224xi32, #tpu.memory_space<vmem>>, vector<16xi32>,
          %ge3A = arith.constant 491520 : i32
          %ge3A_91 = vector.broadcast %ge3A : i32 to vector<16xi32>
          %ge3A_92 = arith.cmpi sge, %get3A_90, %ge3A_91 : vector<16xi32>
          %jit3A = arith.constant 491520 : i32
          %jit3A_93 = arith.constant 0 : i32
          %broadcast_in_dim3A = vector.broadcast %jit3A : i32 to vector<16xi32>
          %broadcast_in_dim3A_94 = vector.broadcast %jit3A_93 : i32 to vector<16xi32>
          %select_n3A = arith.select %ge3A_92, %broadcast_in_dim3A, %broadcast_in_dim3A_94 : vector<16xi1>, vector<16xi32>
          %sub3A = arith.subi %get3A_90, %select_n3A : vector<16xi32>
          %swap3A = arith.index_cast %mul3A_89 : i32 to index
          %swap3A_95 = tpu.vector_load %arg7[%swap3A] {strides = array<i32>} : memref<224xi32, #tpu.memory_space<vmem>>, vector<16xi32>,
          tpu.vector_store %arg7[%swap3A], %sub3A {strides = array<i32>} : memref<224xi32, #tpu.memory_space<vmem>>, vector<16xi32>,
          %lt3A_96 = arith.constant 983040 : i32
          %lt3A_97 = vector.broadcast %lt3A_96 : i32 to vector<16xi32>
          %lt3A_98 = arith.cmpi slt, %get3A_90, %lt3A_97 : vector<16xi32>
          %and3A = arith.andi %ge3A_92, %lt3A_98 : vector<16xi1>
          %jit3A_99 = arith.constant 64 : i32
          %jit3A_100 = arith.constant 0 : i32
          %broadcast_in_dim3A_101 = vector.broadcast %jit3A_99 : i32 to vector<16xi32>
          %broadcast_in_dim3A_102 = vector.broadcast %jit3A_100 : i32 to vector<16xi32>
          %select_n3A_103 = arith.select %and3A, %broadcast_in_dim3A_101, %broadcast_in_dim3A_102 : vector<16xi1>, vector<16xi32>
          %swap3A_104 = arith.index_cast %mul3A_89 : i32 to index
          %swap3A_105 = tpu.vector_load %arg9[%swap3A_104] {strides = array<i32>} : memref<224xi32, #tpu.memory_space<vmem>>, vector<16xi32>,
          tpu.vector_store %arg9[%swap3A_104], %select_n3A_103 {strides = array<i32>} : memref<224xi32, #tpu.memory_space<vmem>>, vector<16xi32>,
        }
        %scan3A_80 = arith.constant 14 : i32
        %dma_start3A_81 = arith.constant 0 : i32
        %dma_start3A_82 = arith.constant 0 : i32
        %dma_start3A_83 = tpu.memref_slice %arg4[%dma_start3A_81, %dma_start3A_82] : memref<524288x128xf32, #tpu.memory_space<hbm>> -> memref<524288x128xf32, #tpu.memory_space<hbm>>
        tpu.enqueue_indirect_dma source(%dma_start3A_83 : memref<524288x128xf32, #tpu.memory_space<hbm>>) target(%arg13 : memref<224x128xf32, #tpu.memory_space<vmem>>) offsets(%arg7 : memref<224xi32, #tpu.memory_space<vmem>>) semaphore(%arg17 : memref<!tpu.dma_semaphore, #tpu.memory_space<semaphore_mem>>)
        %dma_start3A_84 = arith.constant 0 : i32
        %dma_start3A_85 = arith.constant 0 : i32
        %dma_start3A_86 = tpu.memref_slice %arg5[%dma_start3A_84, %dma_start3A_85] : memref<102400x128xf32, #tpu.memory_space<hbm>> -> memref<102400x128xf32, #tpu.memory_space<hbm>>
        tpu.enqueue_indirect_dma source(%dma_start3A_86 : memref<102400x128xf32, #tpu.memory_space<hbm>>) target(%arg15 : memref<224x128xf32, #tpu.memory_space<vmem>>) offsets(%arg11 : memref<224xi32, #tpu.memory_space<vmem>>) semaphore(%arg19 : memref<!tpu.dma_semaphore, #tpu.memory_space<semaphore_mem>>)
      } else {
      }
      %dma_wait3A_55 = arith.constant 0 : i32
      %dma_wait3A_56 = arith.constant 0 : i32
      %dma_wait3A_57 = tpu.memref_slice %arg4[%dma_wait3A_55, %dma_wait3A_56] : memref<524288x128xf32, #tpu.memory_space<hbm>> -> memref<524288x128xf32, #tpu.memory_space<hbm>>
      tpu.wait_indirect_dma semaphore(%arg18 : memref<!tpu.dma_semaphore, #tpu.memory_space<semaphore_mem>>) src(%dma_wait3A_57 : memref<524288x128xf32, #tpu.memory_space<hbm>>) dst(%arg14 : memref<224x128xf32, #tpu.memory_space<vmem>>)
      %dma_wait3A_58 = arith.constant 0 : i32
      %dma_wait3A_59 = arith.constant 0 : i32
      %dma_wait3A_60 = tpu.memref_slice %arg5[%dma_wait3A_58, %dma_wait3A_59] : memref<102400x128xf32, #tpu.memory_space<hbm>> -> memref<102400x128xf32, #tpu.memory_space<hbm>>
      tpu.wait_indirect_dma semaphore(%arg20 : memref<!tpu.dma_semaphore, #tpu.memory_space<semaphore_mem>>) src(%dma_wait3A_60 : memref<102400x128xf32, #tpu.memory_space<hbm>>) dst(%arg16 : memref<224x128xf32, #tpu.memory_space<vmem>>)
      %scan3A_61 = arith.constant 0 : i32
      %scan3A_62 = arith.constant 0 : i32
      %scan3A_63 = arith.constant 14 : i32
      %scan3A_64 = arith.addi %scan3A_62, %scan3A_63 : i32
      %scan3A_65 = arith.constant 1 : i32
      scf.for %scan3A_70 = %scan3A_62 to %scan3A_64 step %scan3A_65  : i32 {
        %mul3A_71 = arith.constant 16 : i32
        %mul3A_72 = arith.muli %scan3A_70, %mul3A_71 : i32
        %get3A = arith.index_cast %mul3A_72 : i32 to index
        %get3A_73 = tpu.vector_load %arg10[%get3A] {strides = array<i32>} : memref<224xi32, #tpu.memory_space<vmem>>, vector<16xi32>,
        %add3A_74 = arith.constant 0 : i32
        %add3A_75 = arith.addi %mul3A_72, %add3A_74 : i32
        %slice3A = vector.extract_strided_slice %get3A_73 {offsets = [0], sizes = [1], strides = [1]} : vector<16xi32> to vector<1xi32>
        %squeeze3A = vector.extract %slice3A[0] : i32 from vector<1xi32>
        %ne3A = arith.constant 0 : i32
        %ne3A_76 = arith.cmpi ne, %squeeze3A, %ne3A : i32
        %convert_element_type3A_77 = arith.extui %ne3A_76 : i1 to i32
        %cond3A_78 = arith.constant 0 : i32
        %cond3A_79 = arith.cmpi ne, %convert_element_type3A_77, %cond3A_78 : i32
        scf.if %cond3A_79 {
          %get3A_406 = arith.index_cast %add3A_75 : i32 to index
          %get3A_407 = arith.constant 64 : index
          %get3A_408 = tpu.vector_load %arg14[%get3A_406, %get3A_407] {strides = array<i32>} : memref<224x128xf32, #tpu.memory_space<vmem>>, vector<16xf32>,
          %swap3A_409 = arith.index_cast %add3A_75 : i32 to index
          %swap3A_410 = arith.constant 0 : index
          %swap3A_411 = tpu.vector_load %arg14[%swap3A_409, %swap3A_410] {strides = array<i32>} : memref<224x128xf32, #tpu.memory_space<vmem>>, vector<16xf32>,
          tpu.vector_store %arg14[%swap3A_409, %swap3A_410], %get3A_408 {strides = array<i32>} : memref<224x128xf32, #tpu.memory_space<vmem>>, vector<16xf32>,
          %get3A_412 = arith.index_cast %add3A_75 : i32 to index
          %get3A_413 = arith.constant 80 : index
          %get3A_414 = tpu.vector_load %arg14[%get3A_412, %get3A_413] {strides = array<i32>} : memref<224x128xf32, #tpu.memory_space<vmem>>, vector<16xf32>,
          %swap3A_415 = arith.index_cast %add3A_75 : i32 to index
          %swap3A_416 = arith.constant 16 : index
          %swap3A_417 = tpu.vector_load %arg14[%swap3A_415, %swap3A_416] {strides = array<i32>} : memref<224x128xf32, #tpu.memory_space<vmem>>, vector<16xf32>,
          tpu.vector_store %arg14[%swap3A_415, %swap3A_416], %get3A_414 {strides = array<i32>} : memref<224x128xf32, #tpu.memory_space<vmem>>, vector<16xf32>,
          %get3A_418 = arith.index_cast %add3A_75 : i32 to index
          %get3A_419 = arith.constant 96 : index
          %get3A_420 = tpu.vector_load %arg14[%get3A_418, %get3A_419] {strides = array<i32>} : memref<224x128xf32, #tpu.memory_space<vmem>>, vector<16xf32>,
          %swap3A_421 = arith.index_cast %add3A_75 : i32 to index
          %swap3A_422 = arith.constant 32 : index
          %swap3A_423 = tpu.vector_load %arg14[%swap3A_421, %swap3A_422] {strides = array<i32>} : memref<224x128xf32, #tpu.memory_space<vmem>>, vector<16xf32>,
          tpu.vector_store %arg14[%swap3A_421, %swap3A_422], %get3A_420 {strides = array<i32>} : memref<224x128xf32, #tpu.memory_space<vmem>>, vector<16xf32>,
          %get3A_424 = arith.index_cast %add3A_75 : i32 to index
          %get3A_425 = arith.constant 112 : index
          %get3A_426 = tpu.vector_load %arg14[%get3A_424, %get3A_425] {strides = array<i32>} : memref<224x128xf32, #tpu.memory_space<vmem>>, vector<16xf32>,
          %swap3A_427 = arith.index_cast %add3A_75 : i32 to index
          %swap3A_428 = arith.constant 48 : index
          %swap3A_429 = tpu.vector_load %arg14[%swap3A_427, %swap3A_428] {strides = array<i32>} : memref<224x128xf32, #tpu.memory_space<vmem>>, vector<16xf32>,
          tpu.vector_store %arg14[%swap3A_427, %swap3A_428], %get3A_426 {strides = array<i32>} : memref<224x128xf32, #tpu.memory_space<vmem>>, vector<16xf32>,
        } else {
        }
        %get3A_80 = arith.index_cast %add3A_75 : i32 to index
        %get3A_81 = arith.constant 0 : index
        %get3A_82 = tpu.vector_load %arg16[%get3A_80, %get3A_81] {strides = array<i32>} : memref<224x128xf32, #tpu.memory_space<vmem>>, vector<16xf32>,
        %swap3A = arith.index_cast %add3A_75 : i32 to index
        %swap3A_83 = arith.constant 64 : index
        %swap3A_84 = tpu.vector_load %arg14[%swap3A, %swap3A_83] {strides = array<i32>} : memref<224x128xf32, #tpu.memory_space<vmem>>, vector<16xf32>,
        tpu.vector_store %arg14[%swap3A, %swap3A_83], %get3A_82 {strides = array<i32>} : memref<224x128xf32, #tpu.memory_space<vmem>>, vector<16xf32>,
        %get3A_85 = arith.index_cast %add3A_75 : i32 to index
        %get3A_86 = arith.constant 16 : index
        %get3A_87 = tpu.vector_load %arg16[%get3A_85, %get3A_86] {strides = array<i32>} : memref<224x128xf32, #tpu.memory_space<vmem>>, vector<16xf32>,
        %swap3A_88 = arith.index_cast %add3A_75 : i32 to index
        %swap3A_89 = arith.constant 80 : index
        %swap3A_90 = tpu.vector_load %arg14[%swap3A_88, %swap3A_89] {strides = array<i32>} : memref<224x128xf32, #tpu.memory_space<vmem>>, vector<16xf32>,
        tpu.vector_store %arg14[%swap3A_88, %swap3A_89], %get3A_87 {strides = array<i32>} : memref<224x128xf32, #tpu.memory_space<vmem>>, vector<16xf32>,
        %add3A_91 = arith.constant 1 : i32
        %add3A_92 = arith.addi %mul3A_72, %add3A_91 : i32
        %slice3A_93 = vector.extract_strided_slice %get3A_73 {offsets = [1], sizes = [1], strides = [1]} : vector<16xi32> to vector<1xi32>
        %squeeze3A_94 = vector.extract %slice3A_93[0] : i32 from vector<1xi32>
        %ne3A_95 = arith.constant 0 : i32
        %ne3A_96 = arith.cmpi ne, %squeeze3A_94, %ne3A_95 : i32
        %convert_element_type3A_97 = arith.extui %ne3A_96 : i1 to i32
        %cond3A_98 = arith.constant 0 : i32
        %cond3A_99 = arith.cmpi ne, %convert_element_type3A_97, %cond3A_98 : i32
        scf.if %cond3A_99 {
          %get3A_406 = arith.index_cast %add3A_92 : i32 to index
          %get3A_407 = arith.constant 64 : index
          %get3A_408 = tpu.vector_load %arg14[%get3A_406, %get3A_407] {strides = array<i32>} : memref<224x128xf32, #tpu.memory_space<vmem>>, vector<16xf32>,
          %swap3A_409 = arith.index_cast %add3A_92 : i32 to index
          %swap3A_410 = arith.constant 0 : index
          %swap3A_411 = tpu.vector_load %arg14[%swap3A_409, %swap3A_410] {strides = array<i32>} : memref<224x128xf32, #tpu.memory_space<vmem>>, vector<16xf32>,
          tpu.vector_store %arg14[%swap3A_409, %swap3A_410], %get3A_408 {strides = array<i32>} : memref<224x128xf32, #tpu.memory_space<vmem>>, vector<16xf32>,
          %get3A_412 = arith.index_cast %add3A_92 : i32 to index
          %get3A_413 = arith.constant 80 : index
          %get3A_414 = tpu.vector_load %arg14[%get3A_412, %get3A_413] {strides = array<i32>} : memref<224x128xf32, #tpu.memory_space<vmem>>, vector<16xf32>,
          %swap3A_415 = arith.index_cast %add3A_92 : i32 to index
          %swap3A_416 = arith.constant 16 : index
          %swap3A_417 = tpu.vector_load %arg14[%swap3A_415, %swap3A_416] {strides = array<i32>} : memref<224x128xf32, #tpu.memory_space<vmem>>, vector<16xf32>,
          tpu.vector_store %arg14[%swap3A_415, %swap3A_416], %get3A_414 {strides = array<i32>} : memref<224x128xf32, #tpu.memory_space<vmem>>, vector<16xf32>,
          %get3A_418 = arith.index_cast %add3A_92 : i32 to index
          %get3A_419 = arith.constant 96 : index
          %get3A_420 = tpu.vector_load %arg14[%get3A_418, %get3A_419] {strides = array<i32>} : memref<224x128xf32, #tpu.memory_space<vmem>>, vector<16xf32>,
          %swap3A_421 = arith.index_cast %add3A_92 : i32 to index
          %swap3A_422 = arith.constant 32 : index
          %swap3A_423 = tpu.vector_load %arg14[%swap3A_421, %swap3A_422] {strides = array<i32>} : memref<224x128xf32, #tpu.memory_space<vmem>>, vector<16xf32>,
          tpu.vector_store %arg14[%swap3A_421, %swap3A_422], %get3A_420 {strides = array<i32>} : memref<224x128xf32, #tpu.memory_space<vmem>>, vector<16xf32>,
          %get3A_424 = arith.index_cast %add3A_92 : i32 to index
          %get3A_425 = arith.constant 112 : index
          %get3A_426 = tpu.vector_load %arg14[%get3A_424, %get3A_425] {strides = array<i32>} : memref<224x128xf32, #tpu.memory_space<vmem>>, vector<16xf32>,
          %swap3A_427 = arith.index_cast %add3A_92 : i32 to index
          %swap3A_428 = arith.constant 48 : index
          %swap3A_429 = tpu.vector_load %arg14[%swap3A_427, %swap3A_428] {strides = array<i32>} : memref<224x128xf32, #tpu.memory_space<vmem>>, vector<16xf32>,
          tpu.vector_store %arg14[%swap3A_427, %swap3A_428], %get3A_426 {strides = array<i32>} : memref<224x128xf32, #tpu.memory_space<vmem>>, vector<16xf32>,
        } else {
        }
        %get3A_100 = arith.index_cast %add3A_92 : i32 to index
        %get3A_101 = arith.constant 0 : index
        %get3A_102 = tpu.vector_load %arg16[%get3A_100, %get3A_101] {strides = array<i32>} : memref<224x128xf32, #tpu.memory_space<vmem>>, vector<16xf32>,
        %swap3A_103 = arith.index_cast %add3A_92 : i32 to index
        %swap3A_104 = arith.constant 64 : index
        %swap3A_105 = tpu.vector_load %arg14[%swap3A_103, %swap3A_104] {strides = array<i32>} : memref<224x128xf32, #tpu.memory_space<vmem>>, vector<16xf32>,
        tpu.vector_store %arg14[%swap3A_103, %swap3A_104], %get3A_102 {strides = array<i32>} : memref<224x128xf32, #tpu.memory_space<vmem>>, vector<16xf32>,
        %get3A_106 = arith.index_cast %add3A_92 : i32 to index
        %get3A_107 = arith.constant 16 : index
        %get3A_108 = tpu.vector_load %arg16[%get3A_106, %get3A_107] {strides = array<i32>} : memref<224x128xf32, #tpu.memory_space<vmem>>, vector<16xf32>,
        %swap3A_109 = arith.index_cast %add3A_92 : i32 to index
        %swap3A_110 = arith.constant 80 : index
        %swap3A_111 = tpu.vector_load %arg14[%swap3A_109, %swap3A_110] {strides = array<i32>} : memref<224x128xf32, #tpu.memory_space<vmem>>, vector<16xf32>,
        tpu.vector_store %arg14[%swap3A_109, %swap3A_110], %get3A_108 {strides = array<i32>} : memref<224x128xf32, #tpu.memory_space<vmem>>, vector<16xf32>,
        %add3A_112 = arith.constant 2 : i32
        %add3A_113 = arith.addi %mul3A_72, %add3A_112 : i32
        %slice3A_114 = vector.extract_strided_slice %get3A_73 {offsets = [2], sizes = [1], strides = [1]} : vector<16xi32> to vector<1xi32>
        %squeeze3A_115 = vector.extract %slice3A_114[0] : i32 from vector<1xi32>
        %ne3A_116 = arith.constant 0 : i32
        %ne3A_117 = arith.cmpi ne, %squeeze3A_115, %ne3A_116 : i32
        %convert_element_type3A_118 = arith.extui %ne3A_117 : i1 to i32
        %cond3A_119 = arith.constant 0 : i32
        %cond3A_120 = arith.cmpi ne, %convert_element_type3A_118, %cond3A_119 : i32
        scf.if %cond3A_120 {
          %get3A_406 = arith.index_cast %add3A_113 : i32 to index
          %get3A_407 = arith.constant 64 : index
          %get3A_408 = tpu.vector_load %arg14[%get3A_406, %get3A_407] {strides = array<i32>} : memref<224x128xf32, #tpu.memory_space<vmem>>, vector<16xf32>,
          %swap3A_409 = arith.index_cast %add3A_113 : i32 to index
          %swap3A_410 = arith.constant 0 : index
          %swap3A_411 = tpu.vector_load %arg14[%swap3A_409, %swap3A_410] {strides = array<i32>} : memref<224x128xf32, #tpu.memory_space<vmem>>, vector<16xf32>,
          tpu.vector_store %arg14[%swap3A_409, %swap3A_410], %get3A_408 {strides = array<i32>} : memref<224x128xf32, #tpu.memory_space<vmem>>, vector<16xf32>,
          %get3A_412 = arith.index_cast %add3A_113 : i32 to index
          %get3A_413 = arith.constant 80 : index
          %get3A_414 = tpu.vector_load %arg14[%get3A_412, %get3A_413] {strides = array<i32>} : memref<224x128xf32, #tpu.memory_space<vmem>>, vector<16xf32>,
          %swap3A_415 = arith.index_cast %add3A_113 : i32 to index
          %swap3A_416 = arith.constant 16 : index
          %swap3A_417 = tpu.vector_load %arg14[%swap3A_415, %swap3A_416] {strides = array<i32>} : memref<224x128xf32, #tpu.memory_space<vmem>>, vector<16xf32>,
          tpu.vector_store %arg14[%swap3A_415, %swap3A_416], %get3A_414 {strides = array<i32>} : memref<224x128xf32, #tpu.memory_space<vmem>>, vector<16xf32>,
          %get3A_418 = arith.index_cast %add3A_113 : i32 to index
          %get3A_419 = arith.constant 96 : index
          %get3A_420 = tpu.vector_load %arg14[%get3A_418, %get3A_419] {strides = array<i32>} : memref<224x128xf32, #tpu.memory_space<vmem>>, vector<16xf32>,
          %swap3A_421 = arith.index_cast %add3A_113 : i32 to index
          %swap3A_422 = arith.constant 32 : index
          %swap3A_423 = tpu.vector_load %arg14[%swap3A_421, %swap3A_422] {strides = array<i32>} : memref<224x128xf32, #tpu.memory_space<vmem>>, vector<16xf32>,
          tpu.vector_store %arg14[%swap3A_421, %swap3A_422], %get3A_420 {strides = array<i32>} : memref<224x128xf32, #tpu.memory_space<vmem>>, vector<16xf32>,
          %get3A_424 = arith.index_cast %add3A_113 : i32 to index
          %get3A_425 = arith.constant 112 : index
          %get3A_426 = tpu.vector_load %arg14[%get3A_424, %get3A_425] {strides = array<i32>} : memref<224x128xf32, #tpu.memory_space<vmem>>, vector<16xf32>,
          %swap3A_427 = arith.index_cast %add3A_113 : i32 to index
          %swap3A_428 = arith.constant 48 : index
          %swap3A_429 = tpu.vector_load %arg14[%swap3A_427, %swap3A_428] {strides = array<i32>} : memref<224x128xf32, #tpu.memory_space<vmem>>, vector<16xf32>,
          tpu.vector_store %arg14[%swap3A_427, %swap3A_428], %get3A_426 {strides = array<i32>} : memref<224x128xf32, #tpu.memory_space<vmem>>, vector<16xf32>,
        } else {
        }
        %get3A_121 = arith.index_cast %add3A_113 : i32 to index
        %get3A_122 = arith.constant 0 : index
        %get3A_123 = tpu.vector_load %arg16[%get3A_121, %get3A_122] {strides = array<i32>} : memref<224x128xf32, #tpu.memory_space<vmem>>, vector<16xf32>,
        %swap3A_124 = arith.index_cast %add3A_113 : i32 to index
        %swap3A_125 = arith.constant 64 : index
        %swap3A_126 = tpu.vector_load %arg14[%swap3A_124, %swap3A_125] {strides = array<i32>} : memref<224x128xf32, #tpu.memory_space<vmem>>, vector<16xf32>,
        tpu.vector_store %arg14[%swap3A_124, %swap3A_125], %get3A_123 {strides = array<i32>} : memref<224x128xf32, #tpu.memory_space<vmem>>, vector<16xf32>,
        %get3A_127 = arith.index_cast %add3A_113 : i32 to index
        %get3A_128 = arith.constant 16 : index
        %get3A_129 = tpu.vector_load %arg16[%get3A_127, %get3A_128] {strides = array<i32>} : memref<224x128xf32, #tpu.memory_space<vmem>>, vector<16xf32>,
        %swap3A_130 = arith.index_cast %add3A_113 : i32 to index
        %swap3A_131 = arith.constant 80 : index
        %swap3A_132 = tpu.vector_load %arg14[%swap3A_130, %swap3A_131] {strides = array<i32>} : memref<224x128xf32, #tpu.memory_space<vmem>>, vector<16xf32>,
        tpu.vector_store %arg14[%swap3A_130, %swap3A_131], %get3A_129 {strides = array<i32>} : memref<224x128xf32, #tpu.memory_space<vmem>>, vector<16xf32>,
        %add3A_133 = arith.constant 3 : i32
        %add3A_134 = arith.addi %mul3A_72, %add3A_133 : i32
        %slice3A_135 = vector.extract_strided_slice %get3A_73 {offsets = [3], sizes = [1], strides = [1]} : vector<16xi32> to vector<1xi32>
        %squeeze3A_136 = vector.extract %slice3A_135[0] : i32 from vector<1xi32>
        %ne3A_137 = arith.constant 0 : i32
        %ne3A_138 = arith.cmpi ne, %squeeze3A_136, %ne3A_137 : i32
        %convert_element_type3A_139 = arith.extui %ne3A_138 : i1 to i32
        %cond3A_140 = arith.constant 0 : i32
        %cond3A_141 = arith.cmpi ne, %convert_element_type3A_139, %cond3A_140 : i32
        scf.if %cond3A_141 {
          %get3A_406 = arith.index_cast %add3A_134 : i32 to index
          %get3A_407 = arith.constant 64 : index
          %get3A_408 = tpu.vector_load %arg14[%get3A_406, %get3A_407] {strides = array<i32>} : memref<224x128xf32, #tpu.memory_space<vmem>>, vector<16xf32>,
          %swap3A_409 = arith.index_cast %add3A_134 : i32 to index
          %swap3A_410 = arith.constant 0 : index
          %swap3A_411 = tpu.vector_load %arg14[%swap3A_409, %swap3A_410] {strides = array<i32>} : memref<224x128xf32, #tpu.memory_space<vmem>>, vector<16xf32>,
          tpu.vector_store %arg14[%swap3A_409, %swap3A_410], %get3A_408 {strides = array<i32>} : memref<224x128xf32, #tpu.memory_space<vmem>>, vector<16xf32>,
          %get3A_412 = arith.index_cast %add3A_134 : i32 to index
          %get3A_413 = arith.constant 80 : index
          %get3A_414 = tpu.vector_load %arg14[%get3A_412, %get3A_413] {strides = array<i32>} : memref<224x128xf32, #tpu.memory_space<vmem>>, vector<16xf32>,
          %swap3A_415 = arith.index_cast %add3A_134 : i32 to index
          %swap3A_416 = arith.constant 16 : index
          %swap3A_417 = tpu.vector_load %arg14[%swap3A_415, %swap3A_416] {strides = array<i32>} : memref<224x128xf32, #tpu.memory_space<vmem>>, vector<16xf32>,
          tpu.vector_store %arg14[%swap3A_415, %swap3A_416], %get3A_414 {strides = array<i32>} : memref<224x128xf32, #tpu.memory_space<vmem>>, vector<16xf32>,
          %get3A_418 = arith.index_cast %add3A_134 : i32 to index
          %get3A_419 = arith.constant 96 : index
          %get3A_420 = tpu.vector_load %arg14[%get3A_418, %get3A_419] {strides = array<i32>} : memref<224x128xf32, #tpu.memory_space<vmem>>, vector<16xf32>,
          %swap3A_421 = arith.index_cast %add3A_134 : i32 to index
          %swap3A_422 = arith.constant 32 : index
          %swap3A_423 = tpu.vector_load %arg14[%swap3A_421, %swap3A_422] {strides = array<i32>} : memref<224x128xf32, #tpu.memory_space<vmem>>, vector<16xf32>,
          tpu.vector_store %arg14[%swap3A_421, %swap3A_422], %get3A_420 {strides = array<i32>} : memref<224x128xf32, #tpu.memory_space<vmem>>, vector<16xf32>,
          %get3A_424 = arith.index_cast %add3A_134 : i32 to index
          %get3A_425 = arith.constant 112 : index
          %get3A_426 = tpu.vector_load %arg14[%get3A_424, %get3A_425] {strides = array<i32>} : memref<224x128xf32, #tpu.memory_space<vmem>>, vector<16xf32>,
          %swap3A_427 = arith.index_cast %add3A_134 : i32 to index
          %swap3A_428 = arith.constant 48 : index
          %swap3A_429 = tpu.vector_load %arg14[%swap3A_427, %swap3A_428] {strides = array<i32>} : memref<224x128xf32, #tpu.memory_space<vmem>>, vector<16xf32>,
          tpu.vector_store %arg14[%swap3A_427, %swap3A_428], %get3A_426 {strides = array<i32>} : memref<224x128xf32, #tpu.memory_space<vmem>>, vector<16xf32>,
        } else {
        }
        %get3A_142 = arith.index_cast %add3A_134 : i32 to index
        %get3A_143 = arith.constant 0 : index
        %get3A_144 = tpu.vector_load %arg16[%get3A_142, %get3A_143] {strides = array<i32>} : memref<224x128xf32, #tpu.memory_space<vmem>>, vector<16xf32>,
        %swap3A_145 = arith.index_cast %add3A_134 : i32 to index
        %swap3A_146 = arith.constant 64 : index
        %swap3A_147 = tpu.vector_load %arg14[%swap3A_145, %swap3A_146] {strides = array<i32>} : memref<224x128xf32, #tpu.memory_space<vmem>>, vector<16xf32>,
        tpu.vector_store %arg14[%swap3A_145, %swap3A_146], %get3A_144 {strides = array<i32>} : memref<224x128xf32, #tpu.memory_space<vmem>>, vector<16xf32>,
        %get3A_148 = arith.index_cast %add3A_134 : i32 to index
        %get3A_149 = arith.constant 16 : index
        %get3A_150 = tpu.vector_load %arg16[%get3A_148, %get3A_149] {strides = array<i32>} : memref<224x128xf32, #tpu.memory_space<vmem>>, vector<16xf32>,
        %swap3A_151 = arith.index_cast %add3A_134 : i32 to index
        %swap3A_152 = arith.constant 80 : index
        %swap3A_153 = tpu.vector_load %arg14[%swap3A_151, %swap3A_152] {strides = array<i32>} : memref<224x128xf32, #tpu.memory_space<vmem>>, vector<16xf32>,
        tpu.vector_store %arg14[%swap3A_151, %swap3A_152], %get3A_150 {strides = array<i32>} : memref<224x128xf32, #tpu.memory_space<vmem>>, vector<16xf32>,
        %add3A_154 = arith.constant 4 : i32
        %add3A_155 = arith.addi %mul3A_72, %add3A_154 : i32
        %slice3A_156 = vector.extract_strided_slice %get3A_73 {offsets = [4], sizes = [1], strides = [1]} : vector<16xi32> to vector<1xi32>
        %squeeze3A_157 = vector.extract %slice3A_156[0] : i32 from vector<1xi32>
        %ne3A_158 = arith.constant 0 : i32
        %ne3A_159 = arith.cmpi ne, %squeeze3A_157, %ne3A_158 : i32
        %convert_element_type3A_160 = arith.extui %ne3A_159 : i1 to i32
        %cond3A_161 = arith.constant 0 : i32
        %cond3A_162 = arith.cmpi ne, %convert_element_type3A_160, %cond3A_161 : i32
        scf.if %cond3A_162 {
          %get3A_406 = arith.index_cast %add3A_155 : i32 to index
          %get3A_407 = arith.constant 64 : index
          %get3A_408 = tpu.vector_load %arg14[%get3A_406, %get3A_407] {strides = array<i32>} : memref<224x128xf32, #tpu.memory_space<vmem>>, vector<16xf32>,
          %swap3A_409 = arith.index_cast %add3A_155 : i32 to index
          %swap3A_410 = arith.constant 0 : index
          %swap3A_411 = tpu.vector_load %arg14[%swap3A_409, %swap3A_410] {strides = array<i32>} : memref<224x128xf32, #tpu.memory_space<vmem>>, vector<16xf32>,
          tpu.vector_store %arg14[%swap3A_409, %swap3A_410], %get3A_408 {strides = array<i32>} : memref<224x128xf32, #tpu.memory_space<vmem>>, vector<16xf32>,
          %get3A_412 = arith.index_cast %add3A_155 : i32 to index
          %get3A_413 = arith.constant 80 : index
          %get3A_414 = tpu.vector_load %arg14[%get3A_412, %get3A_413] {strides = array<i32>} : memref<224x128xf32, #tpu.memory_space<vmem>>, vector<16xf32>,
          %swap3A_415 = arith.index_cast %add3A_155 : i32 to index
          %swap3A_416 = arith.constant 16 : index
          %swap3A_417 = tpu.vector_load %arg14[%swap3A_415, %swap3A_416] {strides = array<i32>} : memref<224x128xf32, #tpu.memory_space<vmem>>, vector<16xf32>,
          tpu.vector_store %arg14[%swap3A_415, %swap3A_416], %get3A_414 {strides = array<i32>} : memref<224x128xf32, #tpu.memory_space<vmem>>, vector<16xf32>,
          %get3A_418 = arith.index_cast %add3A_155 : i32 to index
          %get3A_419 = arith.constant 96 : index
          %get3A_420 = tpu.vector_load %arg14[%get3A_418, %get3A_419] {strides = array<i32>} : memref<224x128xf32, #tpu.memory_space<vmem>>, vector<16xf32>,
          %swap3A_421 = arith.index_cast %add3A_155 : i32 to index
          %swap3A_422 = arith.constant 32 : index
          %swap3A_423 = tpu.vector_load %arg14[%swap3A_421, %swap3A_422] {strides = array<i32>} : memref<224x128xf32, #tpu.memory_space<vmem>>, vector<16xf32>,
          tpu.vector_store %arg14[%swap3A_421, %swap3A_422], %get3A_420 {strides = array<i32>} : memref<224x128xf32, #tpu.memory_space<vmem>>, vector<16xf32>,
          %get3A_424 = arith.index_cast %add3A_155 : i32 to index
          %get3A_425 = arith.constant 112 : index
          %get3A_426 = tpu.vector_load %arg14[%get3A_424, %get3A_425] {strides = array<i32>} : memref<224x128xf32, #tpu.memory_space<vmem>>, vector<16xf32>,
          %swap3A_427 = arith.index_cast %add3A_155 : i32 to index
          %swap3A_428 = arith.constant 48 : index
          %swap3A_429 = tpu.vector_load %arg14[%swap3A_427, %swap3A_428] {strides = array<i32>} : memref<224x128xf32, #tpu.memory_space<vmem>>, vector<16xf32>,
          tpu.vector_store %arg14[%swap3A_427, %swap3A_428], %get3A_426 {strides = array<i32>} : memref<224x128xf32, #tpu.memory_space<vmem>>, vector<16xf32>,
        } else {
        }
        %get3A_163 = arith.index_cast %add3A_155 : i32 to index
        %get3A_164 = arith.constant 0 : index
        %get3A_165 = tpu.vector_load %arg16[%get3A_163, %get3A_164] {strides = array<i32>} : memref<224x128xf32, #tpu.memory_space<vmem>>, vector<16xf32>,
        %swap3A_166 = arith.index_cast %add3A_155 : i32 to index
        %swap3A_167 = arith.constant 64 : index
        %swap3A_168 = tpu.vector_load %arg14[%swap3A_166, %swap3A_167] {strides = array<i32>} : memref<224x128xf32, #tpu.memory_space<vmem>>, vector<16xf32>,
        tpu.vector_store %arg14[%swap3A_166, %swap3A_167], %get3A_165 {strides = array<i32>} : memref<224x128xf32, #tpu.memory_space<vmem>>, vector<16xf32>,
        %get3A_169 = arith.index_cast %add3A_155 : i32 to index
        %get3A_170 = arith.constant 16 : index
        %get3A_171 = tpu.vector_load %arg16[%get3A_169, %get3A_170] {strides = array<i32>} : memref<224x128xf32, #tpu.memory_space<vmem>>, vector<16xf32>,
        %swap3A_172 = arith.index_cast %add3A_155 : i32 to index
        %swap3A_173 = arith.constant 80 : index
        %swap3A_174 = tpu.vector_load %arg14[%swap3A_172, %swap3A_173] {strides = array<i32>} : memref<224x128xf32, #tpu.memory_space<vmem>>, vector<16xf32>,
        tpu.vector_store %arg14[%swap3A_172, %swap3A_173], %get3A_171 {strides = array<i32>} : memref<224x128xf32, #tpu.memory_space<vmem>>, vector<16xf32>,
        %add3A_175 = arith.constant 5 : i32
        %add3A_176 = arith.addi %mul3A_72, %add3A_175 : i32
        %slice3A_177 = vector.extract_strided_slice %get3A_73 {offsets = [5], sizes = [1], strides = [1]} : vector<16xi32> to vector<1xi32>
        %squeeze3A_178 = vector.extract %slice3A_177[0] : i32 from vector<1xi32>
        %ne3A_179 = arith.constant 0 : i32
        %ne3A_180 = arith.cmpi ne, %squeeze3A_178, %ne3A_179 : i32
        %convert_element_type3A_181 = arith.extui %ne3A_180 : i1 to i32
        %cond3A_182 = arith.constant 0 : i32
        %cond3A_183 = arith.cmpi ne, %convert_element_type3A_181, %cond3A_182 : i32
        scf.if %cond3A_183 {
          %get3A_406 = arith.index_cast %add3A_176 : i32 to index
          %get3A_407 = arith.constant 64 : index
          %get3A_408 = tpu.vector_load %arg14[%get3A_406, %get3A_407] {strides = array<i32>} : memref<224x128xf32, #tpu.memory_space<vmem>>, vector<16xf32>,
          %swap3A_409 = arith.index_cast %add3A_176 : i32 to index
          %swap3A_410 = arith.constant 0 : index
          %swap3A_411 = tpu.vector_load %arg14[%swap3A_409, %swap3A_410] {strides = array<i32>} : memref<224x128xf32, #tpu.memory_space<vmem>>, vector<16xf32>,
          tpu.vector_store %arg14[%swap3A_409, %swap3A_410], %get3A_408 {strides = array<i32>} : memref<224x128xf32, #tpu.memory_space<vmem>>, vector<16xf32>,
          %get3A_412 = arith.index_cast %add3A_176 : i32 to index
          %get3A_413 = arith.constant 80 : index
          %get3A_414 = tpu.vector_load %arg14[%get3A_412, %get3A_413] {strides = array<i32>} : memref<224x128xf32, #tpu.memory_space<vmem>>, vector<16xf32>,
          %swap3A_415 = arith.index_cast %add3A_176 : i32 to index
          %swap3A_416 = arith.constant 16 : index
          %swap3A_417 = tpu.vector_load %arg14[%swap3A_415, %swap3A_416] {strides = array<i32>} : memref<224x128xf32, #tpu.memory_space<vmem>>, vector<16xf32>,
          tpu.vector_store %arg14[%swap3A_415, %swap3A_416], %get3A_414 {strides = array<i32>} : memref<224x128xf32, #tpu.memory_space<vmem>>, vector<16xf32>,
          %get3A_418 = arith.index_cast %add3A_176 : i32 to index
          %get3A_419 = arith.constant 96 : index
          %get3A_420 = tpu.vector_load %arg14[%get3A_418, %get3A_419] {strides = array<i32>} : memref<224x128xf32, #tpu.memory_space<vmem>>, vector<16xf32>,
          %swap3A_421 = arith.index_cast %add3A_176 : i32 to index
          %swap3A_422 = arith.constant 32 : index
          %swap3A_423 = tpu.vector_load %arg14[%swap3A_421, %swap3A_422] {strides = array<i32>} : memref<224x128xf32, #tpu.memory_space<vmem>>, vector<16xf32>,
          tpu.vector_store %arg14[%swap3A_421, %swap3A_422], %get3A_420 {strides = array<i32>} : memref<224x128xf32, #tpu.memory_space<vmem>>, vector<16xf32>,
          %get3A_424 = arith.index_cast %add3A_176 : i32 to index
          %get3A_425 = arith.constant 112 : index
          %get3A_426 = tpu.vector_load %arg14[%get3A_424, %get3A_425] {strides = array<i32>} : memref<224x128xf32, #tpu.memory_space<vmem>>, vector<16xf32>,
          %swap3A_427 = arith.index_cast %add3A_176 : i32 to index
          %swap3A_428 = arith.constant 48 : index
          %swap3A_429 = tpu.vector_load %arg14[%swap3A_427, %swap3A_428] {strides = array<i32>} : memref<224x128xf32, #tpu.memory_space<vmem>>, vector<16xf32>,
          tpu.vector_store %arg14[%swap3A_427, %swap3A_428], %get3A_426 {strides = array<i32>} : memref<224x128xf32, #tpu.memory_space<vmem>>, vector<16xf32>,
        } else {
        }
        %get3A_184 = arith.index_cast %add3A_176 : i32 to index
        %get3A_185 = arith.constant 0 : index
        %get3A_186 = tpu.vector_load %arg16[%get3A_184, %get3A_185] {strides = array<i32>} : memref<224x128xf32, #tpu.memory_space<vmem>>, vector<16xf32>,
        %swap3A_187 = arith.index_cast %add3A_176 : i32 to index
        %swap3A_188 = arith.constant 64 : index
        %swap3A_189 = tpu.vector_load %arg14[%swap3A_187, %swap3A_188] {strides = array<i32>} : memref<224x128xf32, #tpu.memory_space<vmem>>, vector<16xf32>,
        tpu.vector_store %arg14[%swap3A_187, %swap3A_188], %get3A_186 {strides = array<i32>} : memref<224x128xf32, #tpu.memory_space<vmem>>, vector<16xf32>,
        %get3A_190 = arith.index_cast %add3A_176 : i32 to index
        %get3A_191 = arith.constant 16 : index
        %get3A_192 = tpu.vector_load %arg16[%get3A_190, %get3A_191] {strides = array<i32>} : memref<224x128xf32, #tpu.memory_space<vmem>>, vector<16xf32>,
        %swap3A_193 = arith.index_cast %add3A_176 : i32 to index
        %swap3A_194 = arith.constant 80 : index
        %swap3A_195 = tpu.vector_load %arg14[%swap3A_193, %swap3A_194] {strides = array<i32>} : memref<224x128xf32, #tpu.memory_space<vmem>>, vector<16xf32>,
        tpu.vector_store %arg14[%swap3A_193, %swap3A_194], %get3A_192 {strides = array<i32>} : memref<224x128xf32, #tpu.memory_space<vmem>>, vector<16xf32>,
        %add3A_196 = arith.constant 6 : i32
        %add3A_197 = arith.addi %mul3A_72, %add3A_196 : i32
        %slice3A_198 = vector.extract_strided_slice %get3A_73 {offsets = [6], sizes = [1], strides = [1]} : vector<16xi32> to vector<1xi32>
        %squeeze3A_199 = vector.extract %slice3A_198[0] : i32 from vector<1xi32>
        %ne3A_200 = arith.constant 0 : i32
        %ne3A_201 = arith.cmpi ne, %squeeze3A_199, %ne3A_200 : i32
        %convert_element_type3A_202 = arith.extui %ne3A_201 : i1 to i32
        %cond3A_203 = arith.constant 0 : i32
        %cond3A_204 = arith.cmpi ne, %convert_element_type3A_202, %cond3A_203 : i32
        scf.if %cond3A_204 {
          %get3A_406 = arith.index_cast %add3A_197 : i32 to index
          %get3A_407 = arith.constant 64 : index
          %get3A_408 = tpu.vector_load %arg14[%get3A_406, %get3A_407] {strides = array<i32>} : memref<224x128xf32, #tpu.memory_space<vmem>>, vector<16xf32>,
          %swap3A_409 = arith.index_cast %add3A_197 : i32 to index
          %swap3A_410 = arith.constant 0 : index
          %swap3A_411 = tpu.vector_load %arg14[%swap3A_409, %swap3A_410] {strides = array<i32>} : memref<224x128xf32, #tpu.memory_space<vmem>>, vector<16xf32>,
          tpu.vector_store %arg14[%swap3A_409, %swap3A_410], %get3A_408 {strides = array<i32>} : memref<224x128xf32, #tpu.memory_space<vmem>>, vector<16xf32>,
          %get3A_412 = arith.index_cast %add3A_197 : i32 to index
          %get3A_413 = arith.constant 80 : index
          %get3A_414 = tpu.vector_load %arg14[%get3A_412, %get3A_413] {strides = array<i32>} : memref<224x128xf32, #tpu.memory_space<vmem>>, vector<16xf32>,
          %swap3A_415 = arith.index_cast %add3A_197 : i32 to index
          %swap3A_416 = arith.constant 16 : index
          %swap3A_417 = tpu.vector_load %arg14[%swap3A_415, %swap3A_416] {strides = array<i32>} : memref<224x128xf32, #tpu.memory_space<vmem>>, vector<16xf32>,
          tpu.vector_store %arg14[%swap3A_415, %swap3A_416], %get3A_414 {strides = array<i32>} : memref<224x128xf32, #tpu.memory_space<vmem>>, vector<16xf32>,
          %get3A_418 = arith.index_cast %add3A_197 : i32 to index
          %get3A_419 = arith.constant 96 : index
          %get3A_420 = tpu.vector_load %arg14[%get3A_418, %get3A_419] {strides = array<i32>} : memref<224x128xf32, #tpu.memory_space<vmem>>, vector<16xf32>,
          %swap3A_421 = arith.index_cast %add3A_197 : i32 to index
          %swap3A_422 = arith.constant 32 : index
          %swap3A_423 = tpu.vector_load %arg14[%swap3A_421, %swap3A_422] {strides = array<i32>} : memref<224x128xf32, #tpu.memory_space<vmem>>, vector<16xf32>,
          tpu.vector_store %arg14[%swap3A_421, %swap3A_422], %get3A_420 {strides = array<i32>} : memref<224x128xf32, #tpu.memory_space<vmem>>, vector<16xf32>,
          %get3A_424 = arith.index_cast %add3A_197 : i32 to index
          %get3A_425 = arith.constant 112 : index
          %get3A_426 = tpu.vector_load %arg14[%get3A_424, %get3A_425] {strides = array<i32>} : memref<224x128xf32, #tpu.memory_space<vmem>>, vector<16xf32>,
          %swap3A_427 = arith.index_cast %add3A_197 : i32 to index
          %swap3A_428 = arith.constant 48 : index
          %swap3A_429 = tpu.vector_load %arg14[%swap3A_427, %swap3A_428] {strides = array<i32>} : memref<224x128xf32, #tpu.memory_space<vmem>>, vector<16xf32>,
          tpu.vector_store %arg14[%swap3A_427, %swap3A_428], %get3A_426 {strides = array<i32>} : memref<224x128xf32, #tpu.memory_space<vmem>>, vector<16xf32>,
        } else {
        }
        %get3A_205 = arith.index_cast %add3A_197 : i32 to index
        %get3A_206 = arith.constant 0 : index
        %get3A_207 = tpu.vector_load %arg16[%get3A_205, %get3A_206] {strides = array<i32>} : memref<224x128xf32, #tpu.memory_space<vmem>>, vector<16xf32>,
        %swap3A_208 = arith.index_cast %add3A_197 : i32 to index
        %swap3A_209 = arith.constant 64 : index
        %swap3A_210 = tpu.vector_load %arg14[%swap3A_208, %swap3A_209] {strides = array<i32>} : memref<224x128xf32, #tpu.memory_space<vmem>>, vector<16xf32>,
        tpu.vector_store %arg14[%swap3A_208, %swap3A_209], %get3A_207 {strides = array<i32>} : memref<224x128xf32, #tpu.memory_space<vmem>>, vector<16xf32>,
        %get3A_211 = arith.index_cast %add3A_197 : i32 to index
        %get3A_212 = arith.constant 16 : index
        %get3A_213 = tpu.vector_load %arg16[%get3A_211, %get3A_212] {strides = array<i32>} : memref<224x128xf32, #tpu.memory_space<vmem>>, vector<16xf32>,
        %swap3A_214 = arith.index_cast %add3A_197 : i32 to index
        %swap3A_215 = arith.constant 80 : index
        %swap3A_216 = tpu.vector_load %arg14[%swap3A_214, %swap3A_215] {strides = array<i32>} : memref<224x128xf32, #tpu.memory_space<vmem>>, vector<16xf32>,
        tpu.vector_store %arg14[%swap3A_214, %swap3A_215], %get3A_213 {strides = array<i32>} : memref<224x128xf32, #tpu.memory_space<vmem>>, vector<16xf32>,
        %add3A_217 = arith.constant 7 : i32
        %add3A_218 = arith.addi %mul3A_72, %add3A_217 : i32
        %slice3A_219 = vector.extract_strided_slice %get3A_73 {offsets = [7], sizes = [1], strides = [1]} : vector<16xi32> to vector<1xi32>
        %squeeze3A_220 = vector.extract %slice3A_219[0] : i32 from vector<1xi32>
        %ne3A_221 = arith.constant 0 : i32
        %ne3A_222 = arith.cmpi ne, %squeeze3A_220, %ne3A_221 : i32
        %convert_element_type3A_223 = arith.extui %ne3A_222 : i1 to i32
        %cond3A_224 = arith.constant 0 : i32
        %cond3A_225 = arith.cmpi ne, %convert_element_type3A_223, %cond3A_224 : i32
        scf.if %cond3A_225 {
          %get3A_406 = arith.index_cast %add3A_218 : i32 to index
          %get3A_407 = arith.constant 64 : index
          %get3A_408 = tpu.vector_load %arg14[%get3A_406, %get3A_407] {strides = array<i32>} : memref<224x128xf32, #tpu.memory_space<vmem>>, vector<16xf32>,
          %swap3A_409 = arith.index_cast %add3A_218 : i32 to index
          %swap3A_410 = arith.constant 0 : index
          %swap3A_411 = tpu.vector_load %arg14[%swap3A_409, %swap3A_410] {strides = array<i32>} : memref<224x128xf32, #tpu.memory_space<vmem>>, vector<16xf32>,
          tpu.vector_store %arg14[%swap3A_409, %swap3A_410], %get3A_408 {strides = array<i32>} : memref<224x128xf32, #tpu.memory_space<vmem>>, vector<16xf32>,
          %get3A_412 = arith.index_cast %add3A_218 : i32 to index
          %get3A_413 = arith.constant 80 : index
          %get3A_414 = tpu.vector_load %arg14[%get3A_412, %get3A_413] {strides = array<i32>} : memref<224x128xf32, #tpu.memory_space<vmem>>, vector<16xf32>,
          %swap3A_415 = arith.index_cast %add3A_218 : i32 to index
          %swap3A_416 = arith.constant 16 : index
          %swap3A_417 = tpu.vector_load %arg14[%swap3A_415, %swap3A_416] {strides = array<i32>} : memref<224x128xf32, #tpu.memory_space<vmem>>, vector<16xf32>,
          tpu.vector_store %arg14[%swap3A_415, %swap3A_416], %get3A_414 {strides = array<i32>} : memref<224x128xf32, #tpu.memory_space<vmem>>, vector<16xf32>,
          %get3A_418 = arith.index_cast %add3A_218 : i32 to index
          %get3A_419 = arith.constant 96 : index
          %get3A_420 = tpu.vector_load %arg14[%get3A_418, %get3A_419] {strides = array<i32>} : memref<224x128xf32, #tpu.memory_space<vmem>>, vector<16xf32>,
          %swap3A_421 = arith.index_cast %add3A_218 : i32 to index
          %swap3A_422 = arith.constant 32 : index
          %swap3A_423 = tpu.vector_load %arg14[%swap3A_421, %swap3A_422] {strides = array<i32>} : memref<224x128xf32, #tpu.memory_space<vmem>>, vector<16xf32>,
          tpu.vector_store %arg14[%swap3A_421, %swap3A_422], %get3A_420 {strides = array<i32>} : memref<224x128xf32, #tpu.memory_space<vmem>>, vector<16xf32>,
          %get3A_424 = arith.index_cast %add3A_218 : i32 to index
          %get3A_425 = arith.constant 112 : index
          %get3A_426 = tpu.vector_load %arg14[%get3A_424, %get3A_425] {strides = array<i32>} : memref<224x128xf32, #tpu.memory_space<vmem>>, vector<16xf32>,
          %swap3A_427 = arith.index_cast %add3A_218 : i32 to index
          %swap3A_428 = arith.constant 48 : index
          %swap3A_429 = tpu.vector_load %arg14[%swap3A_427, %swap3A_428] {strides = array<i32>} : memref<224x128xf32, #tpu.memory_space<vmem>>, vector<16xf32>,
          tpu.vector_store %arg14[%swap3A_427, %swap3A_428], %get3A_426 {strides = array<i32>} : memref<224x128xf32, #tpu.memory_space<vmem>>, vector<16xf32>,
        } else {
        }
        %get3A_226 = arith.index_cast %add3A_218 : i32 to index
        %get3A_227 = arith.constant 0 : index
        %get3A_228 = tpu.vector_load %arg16[%get3A_226, %get3A_227] {strides = array<i32>} : memref<224x128xf32, #tpu.memory_space<vmem>>, vector<16xf32>,
        %swap3A_229 = arith.index_cast %add3A_218 : i32 to index
        %swap3A_230 = arith.constant 64 : index
        %swap3A_231 = tpu.vector_load %arg14[%swap3A_229, %swap3A_230] {strides = array<i32>} : memref<224x128xf32, #tpu.memory_space<vmem>>, vector<16xf32>,
        tpu.vector_store %arg14[%swap3A_229, %swap3A_230], %get3A_228 {strides = array<i32>} : memref<224x128xf32, #tpu.memory_space<vmem>>, vector<16xf32>,
        %get3A_232 = arith.index_cast %add3A_218 : i32 to index
        %get3A_233 = arith.constant 16 : index
        %get3A_234 = tpu.vector_load %arg16[%get3A_232, %get3A_233] {strides = array<i32>} : memref<224x128xf32, #tpu.memory_space<vmem>>, vector<16xf32>,
        %swap3A_235 = arith.index_cast %add3A_218 : i32 to index
        %swap3A_236 = arith.constant 80 : index
        %swap3A_237 = tpu.vector_load %arg14[%swap3A_235, %swap3A_236] {strides = array<i32>} : memref<224x128xf32, #tpu.memory_space<vmem>>, vector<16xf32>,
        tpu.vector_store %arg14[%swap3A_235, %swap3A_236], %get3A_234 {strides = array<i32>} : memref<224x128xf32, #tpu.memory_space<vmem>>, vector<16xf32>,
        %add3A_238 = arith.constant 8 : i32
        %add3A_239 = arith.addi %mul3A_72, %add3A_238 : i32
        %slice3A_240 = vector.extract_strided_slice %get3A_73 {offsets = [8], sizes = [1], strides = [1]} : vector<16xi32> to vector<1xi32>
        %squeeze3A_241 = vector.extract %slice3A_240[0] : i32 from vector<1xi32>
        %ne3A_242 = arith.constant 0 : i32
        %ne3A_243 = arith.cmpi ne, %squeeze3A_241, %ne3A_242 : i32
        %convert_element_type3A_244 = arith.extui %ne3A_243 : i1 to i32
        %cond3A_245 = arith.constant 0 : i32
        %cond3A_246 = arith.cmpi ne, %convert_element_type3A_244, %cond3A_245 : i32
        scf.if %cond3A_246 {
          %get3A_406 = arith.index_cast %add3A_239 : i32 to index
          %get3A_407 = arith.constant 64 : index
          %get3A_408 = tpu.vector_load %arg14[%get3A_406, %get3A_407] {strides = array<i32>} : memref<224x128xf32, #tpu.memory_space<vmem>>, vector<16xf32>,
          %swap3A_409 = arith.index_cast %add3A_239 : i32 to index
          %swap3A_410 = arith.constant 0 : index
          %swap3A_411 = tpu.vector_load %arg14[%swap3A_409, %swap3A_410] {strides = array<i32>} : memref<224x128xf32, #tpu.memory_space<vmem>>, vector<16xf32>,
          tpu.vector_store %arg14[%swap3A_409, %swap3A_410], %get3A_408 {strides = array<i32>} : memref<224x128xf32, #tpu.memory_space<vmem>>, vector<16xf32>,
          %get3A_412 = arith.index_cast %add3A_239 : i32 to index
          %get3A_413 = arith.constant 80 : index
          %get3A_414 = tpu.vector_load %arg14[%get3A_412, %get3A_413] {strides = array<i32>} : memref<224x128xf32, #tpu.memory_space<vmem>>, vector<16xf32>,
          %swap3A_415 = arith.index_cast %add3A_239 : i32 to index
          %swap3A_416 = arith.constant 16 : index
          %swap3A_417 = tpu.vector_load %arg14[%swap3A_415, %swap3A_416] {strides = array<i32>} : memref<224x128xf32, #tpu.memory_space<vmem>>, vector<16xf32>,
          tpu.vector_store %arg14[%swap3A_415, %swap3A_416], %get3A_414 {strides = array<i32>} : memref<224x128xf32, #tpu.memory_space<vmem>>, vector<16xf32>,
          %get3A_418 = arith.index_cast %add3A_239 : i32 to index
          %get3A_419 = arith.constant 96 : index
          %get3A_420 = tpu.vector_load %arg14[%get3A_418, %get3A_419] {strides = array<i32>} : memref<224x128xf32, #tpu.memory_space<vmem>>, vector<16xf32>,
          %swap3A_421 = arith.index_cast %add3A_239 : i32 to index
          %swap3A_422 = arith.constant 32 : index
          %swap3A_423 = tpu.vector_load %arg14[%swap3A_421, %swap3A_422] {strides = array<i32>} : memref<224x128xf32, #tpu.memory_space<vmem>>, vector<16xf32>,
          tpu.vector_store %arg14[%swap3A_421, %swap3A_422], %get3A_420 {strides = array<i32>} : memref<224x128xf32, #tpu.memory_space<vmem>>, vector<16xf32>,
          %get3A_424 = arith.index_cast %add3A_239 : i32 to index
          %get3A_425 = arith.constant 112 : index
          %get3A_426 = tpu.vector_load %arg14[%get3A_424, %get3A_425] {strides = array<i32>} : memref<224x128xf32, #tpu.memory_space<vmem>>, vector<16xf32>,
          %swap3A_427 = arith.index_cast %add3A_239 : i32 to index
          %swap3A_428 = arith.constant 48 : index
          %swap3A_429 = tpu.vector_load %arg14[%swap3A_427, %swap3A_428] {strides = array<i32>} : memref<224x128xf32, #tpu.memory_space<vmem>>, vector<16xf32>,
          tpu.vector_store %arg14[%swap3A_427, %swap3A_428], %get3A_426 {strides = array<i32>} : memref<224x128xf32, #tpu.memory_space<vmem>>, vector<16xf32>,
        } else {
        }
        %get3A_247 = arith.index_cast %add3A_239 : i32 to index
        %get3A_248 = arith.constant 0 : index
        %get3A_249 = tpu.vector_load %arg16[%get3A_247, %get3A_248] {strides = array<i32>} : memref<224x128xf32, #tpu.memory_space<vmem>>, vector<16xf32>,
        %swap3A_250 = arith.index_cast %add3A_239 : i32 to index
        %swap3A_251 = arith.constant 64 : index
        %swap3A_252 = tpu.vector_load %arg14[%swap3A_250, %swap3A_251] {strides = array<i32>} : memref<224x128xf32, #tpu.memory_space<vmem>>, vector<16xf32>,
        tpu.vector_store %arg14[%swap3A_250, %swap3A_251], %get3A_249 {strides = array<i32>} : memref<224x128xf32, #tpu.memory_space<vmem>>, vector<16xf32>,
        %get3A_253 = arith.index_cast %add3A_239 : i32 to index
        %get3A_254 = arith.constant 16 : index
        %get3A_255 = tpu.vector_load %arg16[%get3A_253, %get3A_254] {strides = array<i32>} : memref<224x128xf32, #tpu.memory_space<vmem>>, vector<16xf32>,
        %swap3A_256 = arith.index_cast %add3A_239 : i32 to index
        %swap3A_257 = arith.constant 80 : index
        %swap3A_258 = tpu.vector_load %arg14[%swap3A_256, %swap3A_257] {strides = array<i32>} : memref<224x128xf32, #tpu.memory_space<vmem>>, vector<16xf32>,
        tpu.vector_store %arg14[%swap3A_256, %swap3A_257], %get3A_255 {strides = array<i32>} : memref<224x128xf32, #tpu.memory_space<vmem>>, vector<16xf32>,
        %add3A_259 = arith.constant 9 : i32
        %add3A_260 = arith.addi %mul3A_72, %add3A_259 : i32
        %slice3A_261 = vector.extract_strided_slice %get3A_73 {offsets = [9], sizes = [1], strides = [1]} : vector<16xi32> to vector<1xi32>
        %squeeze3A_262 = vector.extract %slice3A_261[0] : i32 from vector<1xi32>
        %ne3A_263 = arith.constant 0 : i32
        %ne3A_264 = arith.cmpi ne, %squeeze3A_262, %ne3A_263 : i32
        %convert_element_type3A_265 = arith.extui %ne3A_264 : i1 to i32
        %cond3A_266 = arith.constant 0 : i32
        %cond3A_267 = arith.cmpi ne, %convert_element_type3A_265, %cond3A_266 : i32
        scf.if %cond3A_267 {
          %get3A_406 = arith.index_cast %add3A_260 : i32 to index
          %get3A_407 = arith.constant 64 : index
          %get3A_408 = tpu.vector_load %arg14[%get3A_406, %get3A_407] {strides = array<i32>} : memref<224x128xf32, #tpu.memory_space<vmem>>, vector<16xf32>,
          %swap3A_409 = arith.index_cast %add3A_260 : i32 to index
          %swap3A_410 = arith.constant 0 : index
          %swap3A_411 = tpu.vector_load %arg14[%swap3A_409, %swap3A_410] {strides = array<i32>} : memref<224x128xf32, #tpu.memory_space<vmem>>, vector<16xf32>,
          tpu.vector_store %arg14[%swap3A_409, %swap3A_410], %get3A_408 {strides = array<i32>} : memref<224x128xf32, #tpu.memory_space<vmem>>, vector<16xf32>,
          %get3A_412 = arith.index_cast %add3A_260 : i32 to index
          %get3A_413 = arith.constant 80 : index
          %get3A_414 = tpu.vector_load %arg14[%get3A_412, %get3A_413] {strides = array<i32>} : memref<224x128xf32, #tpu.memory_space<vmem>>, vector<16xf32>,
          %swap3A_415 = arith.index_cast %add3A_260 : i32 to index
          %swap3A_416 = arith.constant 16 : index
          %swap3A_417 = tpu.vector_load %arg14[%swap3A_415, %swap3A_416] {strides = array<i32>} : memref<224x128xf32, #tpu.memory_space<vmem>>, vector<16xf32>,
          tpu.vector_store %arg14[%swap3A_415, %swap3A_416], %get3A_414 {strides = array<i32>} : memref<224x128xf32, #tpu.memory_space<vmem>>, vector<16xf32>,
          %get3A_418 = arith.index_cast %add3A_260 : i32 to index
          %get3A_419 = arith.constant 96 : index
          %get3A_420 = tpu.vector_load %arg14[%get3A_418, %get3A_419] {strides = array<i32>} : memref<224x128xf32, #tpu.memory_space<vmem>>, vector<16xf32>,
          %swap3A_421 = arith.index_cast %add3A_260 : i32 to index
          %swap3A_422 = arith.constant 32 : index
          %swap3A_423 = tpu.vector_load %arg14[%swap3A_421, %swap3A_422] {strides = array<i32>} : memref<224x128xf32, #tpu.memory_space<vmem>>, vector<16xf32>,
          tpu.vector_store %arg14[%swap3A_421, %swap3A_422], %get3A_420 {strides = array<i32>} : memref<224x128xf32, #tpu.memory_space<vmem>>, vector<16xf32>,
          %get3A_424 = arith.index_cast %add3A_260 : i32 to index
          %get3A_425 = arith.constant 112 : index
          %get3A_426 = tpu.vector_load %arg14[%get3A_424, %get3A_425] {strides = array<i32>} : memref<224x128xf32, #tpu.memory_space<vmem>>, vector<16xf32>,
          %swap3A_427 = arith.index_cast %add3A_260 : i32 to index
          %swap3A_428 = arith.constant 48 : index
          %swap3A_429 = tpu.vector_load %arg14[%swap3A_427, %swap3A_428] {strides = array<i32>} : memref<224x128xf32, #tpu.memory_space<vmem>>, vector<16xf32>,
          tpu.vector_store %arg14[%swap3A_427, %swap3A_428], %get3A_426 {strides = array<i32>} : memref<224x128xf32, #tpu.memory_space<vmem>>, vector<16xf32>,
        } else {
        }
        %get3A_268 = arith.index_cast %add3A_260 : i32 to index
        %get3A_269 = arith.constant 0 : index
        %get3A_270 = tpu.vector_load %arg16[%get3A_268, %get3A_269] {strides = array<i32>} : memref<224x128xf32, #tpu.memory_space<vmem>>, vector<16xf32>,
        %swap3A_271 = arith.index_cast %add3A_260 : i32 to index
        %swap3A_272 = arith.constant 64 : index
        %swap3A_273 = tpu.vector_load %arg14[%swap3A_271, %swap3A_272] {strides = array<i32>} : memref<224x128xf32, #tpu.memory_space<vmem>>, vector<16xf32>,
        tpu.vector_store %arg14[%swap3A_271, %swap3A_272], %get3A_270 {strides = array<i32>} : memref<224x128xf32, #tpu.memory_space<vmem>>, vector<16xf32>,
        %get3A_274 = arith.index_cast %add3A_260 : i32 to index
        %get3A_275 = arith.constant 16 : index
        %get3A_276 = tpu.vector_load %arg16[%get3A_274, %get3A_275] {strides = array<i32>} : memref<224x128xf32, #tpu.memory_space<vmem>>, vector<16xf32>,
        %swap3A_277 = arith.index_cast %add3A_260 : i32 to index
        %swap3A_278 = arith.constant 80 : index
        %swap3A_279 = tpu.vector_load %arg14[%swap3A_277, %swap3A_278] {strides = array<i32>} : memref<224x128xf32, #tpu.memory_space<vmem>>, vector<16xf32>,
        tpu.vector_store %arg14[%swap3A_277, %swap3A_278], %get3A_276 {strides = array<i32>} : memref<224x128xf32, #tpu.memory_space<vmem>>, vector<16xf32>,
        %add3A_280 = arith.constant 10 : i32
        %add3A_281 = arith.addi %mul3A_72, %add3A_280 : i32
        %slice3A_282 = vector.extract_strided_slice %get3A_73 {offsets = [10], sizes = [1], strides = [1]} : vector<16xi32> to vector<1xi32>
        %squeeze3A_283 = vector.extract %slice3A_282[0] : i32 from vector<1xi32>
        %ne3A_284 = arith.constant 0 : i32
        %ne3A_285 = arith.cmpi ne, %squeeze3A_283, %ne3A_284 : i32
        %convert_element_type3A_286 = arith.extui %ne3A_285 : i1 to i32
        %cond3A_287 = arith.constant 0 : i32
        %cond3A_288 = arith.cmpi ne, %convert_element_type3A_286, %cond3A_287 : i32
        scf.if %cond3A_288 {
          %get3A_406 = arith.index_cast %add3A_281 : i32 to index
          %get3A_407 = arith.constant 64 : index
          %get3A_408 = tpu.vector_load %arg14[%get3A_406, %get3A_407] {strides = array<i32>} : memref<224x128xf32, #tpu.memory_space<vmem>>, vector<16xf32>,
          %swap3A_409 = arith.index_cast %add3A_281 : i32 to index
          %swap3A_410 = arith.constant 0 : index
          %swap3A_411 = tpu.vector_load %arg14[%swap3A_409, %swap3A_410] {strides = array<i32>} : memref<224x128xf32, #tpu.memory_space<vmem>>, vector<16xf32>,
          tpu.vector_store %arg14[%swap3A_409, %swap3A_410], %get3A_408 {strides = array<i32>} : memref<224x128xf32, #tpu.memory_space<vmem>>, vector<16xf32>,
          %get3A_412 = arith.index_cast %add3A_281 : i32 to index
          %get3A_413 = arith.constant 80 : index
          %get3A_414 = tpu.vector_load %arg14[%get3A_412, %get3A_413] {strides = array<i32>} : memref<224x128xf32, #tpu.memory_space<vmem>>, vector<16xf32>,
          %swap3A_415 = arith.index_cast %add3A_281 : i32 to index
          %swap3A_416 = arith.constant 16 : index
          %swap3A_417 = tpu.vector_load %arg14[%swap3A_415, %swap3A_416] {strides = array<i32>} : memref<224x128xf32, #tpu.memory_space<vmem>>, vector<16xf32>,
          tpu.vector_store %arg14[%swap3A_415, %swap3A_416], %get3A_414 {strides = array<i32>} : memref<224x128xf32, #tpu.memory_space<vmem>>, vector<16xf32>,
          %get3A_418 = arith.index_cast %add3A_281 : i32 to index
          %get3A_419 = arith.constant 96 : index
          %get3A_420 = tpu.vector_load %arg14[%get3A_418, %get3A_419] {strides = array<i32>} : memref<224x128xf32, #tpu.memory_space<vmem>>, vector<16xf32>,
          %swap3A_421 = arith.index_cast %add3A_281 : i32 to index
          %swap3A_422 = arith.constant 32 : index
          %swap3A_423 = tpu.vector_load %arg14[%swap3A_421, %swap3A_422] {strides = array<i32>} : memref<224x128xf32, #tpu.memory_space<vmem>>, vector<16xf32>,
          tpu.vector_store %arg14[%swap3A_421, %swap3A_422], %get3A_420 {strides = array<i32>} : memref<224x128xf32, #tpu.memory_space<vmem>>, vector<16xf32>,
          %get3A_424 = arith.index_cast %add3A_281 : i32 to index
          %get3A_425 = arith.constant 112 : index
          %get3A_426 = tpu.vector_load %arg14[%get3A_424, %get3A_425] {strides = array<i32>} : memref<224x128xf32, #tpu.memory_space<vmem>>, vector<16xf32>,
          %swap3A_427 = arith.index_cast %add3A_281 : i32 to index
          %swap3A_428 = arith.constant 48 : index
          %swap3A_429 = tpu.vector_load %arg14[%swap3A_427, %swap3A_428] {strides = array<i32>} : memref<224x128xf32, #tpu.memory_space<vmem>>, vector<16xf32>,
          tpu.vector_store %arg14[%swap3A_427, %swap3A_428], %get3A_426 {strides = array<i32>} : memref<224x128xf32, #tpu.memory_space<vmem>>, vector<16xf32>,
        } else {
        }
        %get3A_289 = arith.index_cast %add3A_281 : i32 to index
        %get3A_290 = arith.constant 0 : index
        %get3A_291 = tpu.vector_load %arg16[%get3A_289, %get3A_290] {strides = array<i32>} : memref<224x128xf32, #tpu.memory_space<vmem>>, vector<16xf32>,
        %swap3A_292 = arith.index_cast %add3A_281 : i32 to index
        %swap3A_293 = arith.constant 64 : index
        %swap3A_294 = tpu.vector_load %arg14[%swap3A_292, %swap3A_293] {strides = array<i32>} : memref<224x128xf32, #tpu.memory_space<vmem>>, vector<16xf32>,
        tpu.vector_store %arg14[%swap3A_292, %swap3A_293], %get3A_291 {strides = array<i32>} : memref<224x128xf32, #tpu.memory_space<vmem>>, vector<16xf32>,
        %get3A_295 = arith.index_cast %add3A_281 : i32 to index
        %get3A_296 = arith.constant 16 : index
        %get3A_297 = tpu.vector_load %arg16[%get3A_295, %get3A_296] {strides = array<i32>} : memref<224x128xf32, #tpu.memory_space<vmem>>, vector<16xf32>,
        %swap3A_298 = arith.index_cast %add3A_281 : i32 to index
        %swap3A_299 = arith.constant 80 : index
        %swap3A_300 = tpu.vector_load %arg14[%swap3A_298, %swap3A_299] {strides = array<i32>} : memref<224x128xf32, #tpu.memory_space<vmem>>, vector<16xf32>,
        tpu.vector_store %arg14[%swap3A_298, %swap3A_299], %get3A_297 {strides = array<i32>} : memref<224x128xf32, #tpu.memory_space<vmem>>, vector<16xf32>,
        %add3A_301 = arith.constant 11 : i32
        %add3A_302 = arith.addi %mul3A_72, %add3A_301 : i32
        %slice3A_303 = vector.extract_strided_slice %get3A_73 {offsets = [11], sizes = [1], strides = [1]} : vector<16xi32> to vector<1xi32>
        %squeeze3A_304 = vector.extract %slice3A_303[0] : i32 from vector<1xi32>
        %ne3A_305 = arith.constant 0 : i32
        %ne3A_306 = arith.cmpi ne, %squeeze3A_304, %ne3A_305 : i32
        %convert_element_type3A_307 = arith.extui %ne3A_306 : i1 to i32
        %cond3A_308 = arith.constant 0 : i32
        %cond3A_309 = arith.cmpi ne, %convert_element_type3A_307, %cond3A_308 : i32
        scf.if %cond3A_309 {
          %get3A_406 = arith.index_cast %add3A_302 : i32 to index
          %get3A_407 = arith.constant 64 : index
          %get3A_408 = tpu.vector_load %arg14[%get3A_406, %get3A_407] {strides = array<i32>} : memref<224x128xf32, #tpu.memory_space<vmem>>, vector<16xf32>,
          %swap3A_409 = arith.index_cast %add3A_302 : i32 to index
          %swap3A_410 = arith.constant 0 : index
          %swap3A_411 = tpu.vector_load %arg14[%swap3A_409, %swap3A_410] {strides = array<i32>} : memref<224x128xf32, #tpu.memory_space<vmem>>, vector<16xf32>,
          tpu.vector_store %arg14[%swap3A_409, %swap3A_410], %get3A_408 {strides = array<i32>} : memref<224x128xf32, #tpu.memory_space<vmem>>, vector<16xf32>,
          %get3A_412 = arith.index_cast %add3A_302 : i32 to index
          %get3A_413 = arith.constant 80 : index
          %get3A_414 = tpu.vector_load %arg14[%get3A_412, %get3A_413] {strides = array<i32>} : memref<224x128xf32, #tpu.memory_space<vmem>>, vector<16xf32>,
          %swap3A_415 = arith.index_cast %add3A_302 : i32 to index
          %swap3A_416 = arith.constant 16 : index
          %swap3A_417 = tpu.vector_load %arg14[%swap3A_415, %swap3A_416] {strides = array<i32>} : memref<224x128xf32, #tpu.memory_space<vmem>>, vector<16xf32>,
          tpu.vector_store %arg14[%swap3A_415, %swap3A_416], %get3A_414 {strides = array<i32>} : memref<224x128xf32, #tpu.memory_space<vmem>>, vector<16xf32>,
          %get3A_418 = arith.index_cast %add3A_302 : i32 to index
          %get3A_419 = arith.constant 96 : index
          %get3A_420 = tpu.vector_load %arg14[%get3A_418, %get3A_419] {strides = array<i32>} : memref<224x128xf32, #tpu.memory_space<vmem>>, vector<16xf32>,
          %swap3A_421 = arith.index_cast %add3A_302 : i32 to index
          %swap3A_422 = arith.constant 32 : index
          %swap3A_423 = tpu.vector_load %arg14[%swap3A_421, %swap3A_422] {strides = array<i32>} : memref<224x128xf32, #tpu.memory_space<vmem>>, vector<16xf32>,
          tpu.vector_store %arg14[%swap3A_421, %swap3A_422], %get3A_420 {strides = array<i32>} : memref<224x128xf32, #tpu.memory_space<vmem>>, vector<16xf32>,
          %get3A_424 = arith.index_cast %add3A_302 : i32 to index
          %get3A_425 = arith.constant 112 : index
          %get3A_426 = tpu.vector_load %arg14[%get3A_424, %get3A_425] {strides = array<i32>} : memref<224x128xf32, #tpu.memory_space<vmem>>, vector<16xf32>,
          %swap3A_427 = arith.index_cast %add3A_302 : i32 to index
          %swap3A_428 = arith.constant 48 : index
          %swap3A_429 = tpu.vector_load %arg14[%swap3A_427, %swap3A_428] {strides = array<i32>} : memref<224x128xf32, #tpu.memory_space<vmem>>, vector<16xf32>,
          tpu.vector_store %arg14[%swap3A_427, %swap3A_428], %get3A_426 {strides = array<i32>} : memref<224x128xf32, #tpu.memory_space<vmem>>, vector<16xf32>,
        } else {
        }
        %get3A_310 = arith.index_cast %add3A_302 : i32 to index
        %get3A_311 = arith.constant 0 : index
        %get3A_312 = tpu.vector_load %arg16[%get3A_310, %get3A_311] {strides = array<i32>} : memref<224x128xf32, #tpu.memory_space<vmem>>, vector<16xf32>,
        %swap3A_313 = arith.index_cast %add3A_302 : i32 to index
        %swap3A_314 = arith.constant 64 : index
        %swap3A_315 = tpu.vector_load %arg14[%swap3A_313, %swap3A_314] {strides = array<i32>} : memref<224x128xf32, #tpu.memory_space<vmem>>, vector<16xf32>,
        tpu.vector_store %arg14[%swap3A_313, %swap3A_314], %get3A_312 {strides = array<i32>} : memref<224x128xf32, #tpu.memory_space<vmem>>, vector<16xf32>,
        %get3A_316 = arith.index_cast %add3A_302 : i32 to index
        %get3A_317 = arith.constant 16 : index
        %get3A_318 = tpu.vector_load %arg16[%get3A_316, %get3A_317] {strides = array<i32>} : memref<224x128xf32, #tpu.memory_space<vmem>>, vector<16xf32>,
        %swap3A_319 = arith.index_cast %add3A_302 : i32 to index
        %swap3A_320 = arith.constant 80 : index
        %swap3A_321 = tpu.vector_load %arg14[%swap3A_319, %swap3A_320] {strides = array<i32>} : memref<224x128xf32, #tpu.memory_space<vmem>>, vector<16xf32>,
        tpu.vector_store %arg14[%swap3A_319, %swap3A_320], %get3A_318 {strides = array<i32>} : memref<224x128xf32, #tpu.memory_space<vmem>>, vector<16xf32>,
        %add3A_322 = arith.constant 12 : i32
        %add3A_323 = arith.addi %mul3A_72, %add3A_322 : i32
        %slice3A_324 = vector.extract_strided_slice %get3A_73 {offsets = [12], sizes = [1], strides = [1]} : vector<16xi32> to vector<1xi32>
        %squeeze3A_325 = vector.extract %slice3A_324[0] : i32 from vector<1xi32>
        %ne3A_326 = arith.constant 0 : i32
        %ne3A_327 = arith.cmpi ne, %squeeze3A_325, %ne3A_326 : i32
        %convert_element_type3A_328 = arith.extui %ne3A_327 : i1 to i32
        %cond3A_329 = arith.constant 0 : i32
        %cond3A_330 = arith.cmpi ne, %convert_element_type3A_328, %cond3A_329 : i32
        scf.if %cond3A_330 {
          %get3A_406 = arith.index_cast %add3A_323 : i32 to index
          %get3A_407 = arith.constant 64 : index
          %get3A_408 = tpu.vector_load %arg14[%get3A_406, %get3A_407] {strides = array<i32>} : memref<224x128xf32, #tpu.memory_space<vmem>>, vector<16xf32>,
          %swap3A_409 = arith.index_cast %add3A_323 : i32 to index
          %swap3A_410 = arith.constant 0 : index
          %swap3A_411 = tpu.vector_load %arg14[%swap3A_409, %swap3A_410] {strides = array<i32>} : memref<224x128xf32, #tpu.memory_space<vmem>>, vector<16xf32>,
          tpu.vector_store %arg14[%swap3A_409, %swap3A_410], %get3A_408 {strides = array<i32>} : memref<224x128xf32, #tpu.memory_space<vmem>>, vector<16xf32>,
          %get3A_412 = arith.index_cast %add3A_323 : i32 to index
          %get3A_413 = arith.constant 80 : index
          %get3A_414 = tpu.vector_load %arg14[%get3A_412, %get3A_413] {strides = array<i32>} : memref<224x128xf32, #tpu.memory_space<vmem>>, vector<16xf32>,
          %swap3A_415 = arith.index_cast %add3A_323 : i32 to index
          %swap3A_416 = arith.constant 16 : index
          %swap3A_417 = tpu.vector_load %arg14[%swap3A_415, %swap3A_416] {strides = array<i32>} : memref<224x128xf32, #tpu.memory_space<vmem>>, vector<16xf32>,
          tpu.vector_store %arg14[%swap3A_415, %swap3A_416], %get3A_414 {strides = array<i32>} : memref<224x128xf32, #tpu.memory_space<vmem>>, vector<16xf32>,
          %get3A_418 = arith.index_cast %add3A_323 : i32 to index
          %get3A_419 = arith.constant 96 : index
          %get3A_420 = tpu.vector_load %arg14[%get3A_418, %get3A_419] {strides = array<i32>} : memref<224x128xf32, #tpu.memory_space<vmem>>, vector<16xf32>,
          %swap3A_421 = arith.index_cast %add3A_323 : i32 to index
          %swap3A_422 = arith.constant 32 : index
          %swap3A_423 = tpu.vector_load %arg14[%swap3A_421, %swap3A_422] {strides = array<i32>} : memref<224x128xf32, #tpu.memory_space<vmem>>, vector<16xf32>,
          tpu.vector_store %arg14[%swap3A_421, %swap3A_422], %get3A_420 {strides = array<i32>} : memref<224x128xf32, #tpu.memory_space<vmem>>, vector<16xf32>,
          %get3A_424 = arith.index_cast %add3A_323 : i32 to index
          %get3A_425 = arith.constant 112 : index
          %get3A_426 = tpu.vector_load %arg14[%get3A_424, %get3A_425] {strides = array<i32>} : memref<224x128xf32, #tpu.memory_space<vmem>>, vector<16xf32>,
          %swap3A_427 = arith.index_cast %add3A_323 : i32 to index
          %swap3A_428 = arith.constant 48 : index
          %swap3A_429 = tpu.vector_load %arg14[%swap3A_427, %swap3A_428] {strides = array<i32>} : memref<224x128xf32, #tpu.memory_space<vmem>>, vector<16xf32>,
          tpu.vector_store %arg14[%swap3A_427, %swap3A_428], %get3A_426 {strides = array<i32>} : memref<224x128xf32, #tpu.memory_space<vmem>>, vector<16xf32>,
        } else {
        }
        %get3A_331 = arith.index_cast %add3A_323 : i32 to index
        %get3A_332 = arith.constant 0 : index
        %get3A_333 = tpu.vector_load %arg16[%get3A_331, %get3A_332] {strides = array<i32>} : memref<224x128xf32, #tpu.memory_space<vmem>>, vector<16xf32>,
        %swap3A_334 = arith.index_cast %add3A_323 : i32 to index
        %swap3A_335 = arith.constant 64 : index
        %swap3A_336 = tpu.vector_load %arg14[%swap3A_334, %swap3A_335] {strides = array<i32>} : memref<224x128xf32, #tpu.memory_space<vmem>>, vector<16xf32>,
        tpu.vector_store %arg14[%swap3A_334, %swap3A_335], %get3A_333 {strides = array<i32>} : memref<224x128xf32, #tpu.memory_space<vmem>>, vector<16xf32>,
        %get3A_337 = arith.index_cast %add3A_323 : i32 to index
        %get3A_338 = arith.constant 16 : index
        %get3A_339 = tpu.vector_load %arg16[%get3A_337, %get3A_338] {strides = array<i32>} : memref<224x128xf32, #tpu.memory_space<vmem>>, vector<16xf32>,
        %swap3A_340 = arith.index_cast %add3A_323 : i32 to index
        %swap3A_341 = arith.constant 80 : index
        %swap3A_342 = tpu.vector_load %arg14[%swap3A_340, %swap3A_341] {strides = array<i32>} : memref<224x128xf32, #tpu.memory_space<vmem>>, vector<16xf32>,
        tpu.vector_store %arg14[%swap3A_340, %swap3A_341], %get3A_339 {strides = array<i32>} : memref<224x128xf32, #tpu.memory_space<vmem>>, vector<16xf32>,
        %add3A_343 = arith.constant 13 : i32
        %add3A_344 = arith.addi %mul3A_72, %add3A_343 : i32
        %slice3A_345 = vector.extract_strided_slice %get3A_73 {offsets = [13], sizes = [1], strides = [1]} : vector<16xi32> to vector<1xi32>
        %squeeze3A_346 = vector.extract %slice3A_345[0] : i32 from vector<1xi32>
        %ne3A_347 = arith.constant 0 : i32
        %ne3A_348 = arith.cmpi ne, %squeeze3A_346, %ne3A_347 : i32
        %convert_element_type3A_349 = arith.extui %ne3A_348 : i1 to i32
        %cond3A_350 = arith.constant 0 : i32
        %cond3A_351 = arith.cmpi ne, %convert_element_type3A_349, %cond3A_350 : i32
        scf.if %cond3A_351 {
          %get3A_406 = arith.index_cast %add3A_344 : i32 to index
          %get3A_407 = arith.constant 64 : index
          %get3A_408 = tpu.vector_load %arg14[%get3A_406, %get3A_407] {strides = array<i32>} : memref<224x128xf32, #tpu.memory_space<vmem>>, vector<16xf32>,
          %swap3A_409 = arith.index_cast %add3A_344 : i32 to index
          %swap3A_410 = arith.constant 0 : index
          %swap3A_411 = tpu.vector_load %arg14[%swap3A_409, %swap3A_410] {strides = array<i32>} : memref<224x128xf32, #tpu.memory_space<vmem>>, vector<16xf32>,
          tpu.vector_store %arg14[%swap3A_409, %swap3A_410], %get3A_408 {strides = array<i32>} : memref<224x128xf32, #tpu.memory_space<vmem>>, vector<16xf32>,
          %get3A_412 = arith.index_cast %add3A_344 : i32 to index
          %get3A_413 = arith.constant 80 : index
          %get3A_414 = tpu.vector_load %arg14[%get3A_412, %get3A_413] {strides = array<i32>} : memref<224x128xf32, #tpu.memory_space<vmem>>, vector<16xf32>,
          %swap3A_415 = arith.index_cast %add3A_344 : i32 to index
          %swap3A_416 = arith.constant 16 : index
          %swap3A_417 = tpu.vector_load %arg14[%swap3A_415, %swap3A_416] {strides = array<i32>} : memref<224x128xf32, #tpu.memory_space<vmem>>, vector<16xf32>,
          tpu.vector_store %arg14[%swap3A_415, %swap3A_416], %get3A_414 {strides = array<i32>} : memref<224x128xf32, #tpu.memory_space<vmem>>, vector<16xf32>,
          %get3A_418 = arith.index_cast %add3A_344 : i32 to index
          %get3A_419 = arith.constant 96 : index
          %get3A_420 = tpu.vector_load %arg14[%get3A_418, %get3A_419] {strides = array<i32>} : memref<224x128xf32, #tpu.memory_space<vmem>>, vector<16xf32>,
          %swap3A_421 = arith.index_cast %add3A_344 : i32 to index
          %swap3A_422 = arith.constant 32 : index
          %swap3A_423 = tpu.vector_load %arg14[%swap3A_421, %swap3A_422] {strides = array<i32>} : memref<224x128xf32, #tpu.memory_space<vmem>>, vector<16xf32>,
          tpu.vector_store %arg14[%swap3A_421, %swap3A_422], %get3A_420 {strides = array<i32>} : memref<224x128xf32, #tpu.memory_space<vmem>>, vector<16xf32>,
          %get3A_424 = arith.index_cast %add3A_344 : i32 to index
          %get3A_425 = arith.constant 112 : index
          %get3A_426 = tpu.vector_load %arg14[%get3A_424, %get3A_425] {strides = array<i32>} : memref<224x128xf32, #tpu.memory_space<vmem>>, vector<16xf32>,
          %swap3A_427 = arith.index_cast %add3A_344 : i32 to index
          %swap3A_428 = arith.constant 48 : index
          %swap3A_429 = tpu.vector_load %arg14[%swap3A_427, %swap3A_428] {strides = array<i32>} : memref<224x128xf32, #tpu.memory_space<vmem>>, vector<16xf32>,
          tpu.vector_store %arg14[%swap3A_427, %swap3A_428], %get3A_426 {strides = array<i32>} : memref<224x128xf32, #tpu.memory_space<vmem>>, vector<16xf32>,
        } else {
        }
        %get3A_352 = arith.index_cast %add3A_344 : i32 to index
        %get3A_353 = arith.constant 0 : index
        %get3A_354 = tpu.vector_load %arg16[%get3A_352, %get3A_353] {strides = array<i32>} : memref<224x128xf32, #tpu.memory_space<vmem>>, vector<16xf32>,
        %swap3A_355 = arith.index_cast %add3A_344 : i32 to index
        %swap3A_356 = arith.constant 64 : index
        %swap3A_357 = tpu.vector_load %arg14[%swap3A_355, %swap3A_356] {strides = array<i32>} : memref<224x128xf32, #tpu.memory_space<vmem>>, vector<16xf32>,
        tpu.vector_store %arg14[%swap3A_355, %swap3A_356], %get3A_354 {strides = array<i32>} : memref<224x128xf32, #tpu.memory_space<vmem>>, vector<16xf32>,
        %get3A_358 = arith.index_cast %add3A_344 : i32 to index
        %get3A_359 = arith.constant 16 : index
        %get3A_360 = tpu.vector_load %arg16[%get3A_358, %get3A_359] {strides = array<i32>} : memref<224x128xf32, #tpu.memory_space<vmem>>, vector<16xf32>,
        %swap3A_361 = arith.index_cast %add3A_344 : i32 to index
        %swap3A_362 = arith.constant 80 : index
        %swap3A_363 = tpu.vector_load %arg14[%swap3A_361, %swap3A_362] {strides = array<i32>} : memref<224x128xf32, #tpu.memory_space<vmem>>, vector<16xf32>,
        tpu.vector_store %arg14[%swap3A_361, %swap3A_362], %get3A_360 {strides = array<i32>} : memref<224x128xf32, #tpu.memory_space<vmem>>, vector<16xf32>,
        %add3A_364 = arith.constant 14 : i32
        %add3A_365 = arith.addi %mul3A_72, %add3A_364 : i32
        %slice3A_366 = vector.extract_strided_slice %get3A_73 {offsets = [14], sizes = [1], strides = [1]} : vector<16xi32> to vector<1xi32>
        %squeeze3A_367 = vector.extract %slice3A_366[0] : i32 from vector<1xi32>
        %ne3A_368 = arith.constant 0 : i32
        %ne3A_369 = arith.cmpi ne, %squeeze3A_367, %ne3A_368 : i32
        %convert_element_type3A_370 = arith.extui %ne3A_369 : i1 to i32
        %cond3A_371 = arith.constant 0 : i32
        %cond3A_372 = arith.cmpi ne, %convert_element_type3A_370, %cond3A_371 : i32
        scf.if %cond3A_372 {
          %get3A_406 = arith.index_cast %add3A_365 : i32 to index
          %get3A_407 = arith.constant 64 : index
          %get3A_408 = tpu.vector_load %arg14[%get3A_406, %get3A_407] {strides = array<i32>} : memref<224x128xf32, #tpu.memory_space<vmem>>, vector<16xf32>,
          %swap3A_409 = arith.index_cast %add3A_365 : i32 to index
          %swap3A_410 = arith.constant 0 : index
          %swap3A_411 = tpu.vector_load %arg14[%swap3A_409, %swap3A_410] {strides = array<i32>} : memref<224x128xf32, #tpu.memory_space<vmem>>, vector<16xf32>,
          tpu.vector_store %arg14[%swap3A_409, %swap3A_410], %get3A_408 {strides = array<i32>} : memref<224x128xf32, #tpu.memory_space<vmem>>, vector<16xf32>,
          %get3A_412 = arith.index_cast %add3A_365 : i32 to index
          %get3A_413 = arith.constant 80 : index
          %get3A_414 = tpu.vector_load %arg14[%get3A_412, %get3A_413] {strides = array<i32>} : memref<224x128xf32, #tpu.memory_space<vmem>>, vector<16xf32>,
          %swap3A_415 = arith.index_cast %add3A_365 : i32 to index
          %swap3A_416 = arith.constant 16 : index
          %swap3A_417 = tpu.vector_load %arg14[%swap3A_415, %swap3A_416] {strides = array<i32>} : memref<224x128xf32, #tpu.memory_space<vmem>>, vector<16xf32>,
          tpu.vector_store %arg14[%swap3A_415, %swap3A_416], %get3A_414 {strides = array<i32>} : memref<224x128xf32, #tpu.memory_space<vmem>>, vector<16xf32>,
          %get3A_418 = arith.index_cast %add3A_365 : i32 to index
          %get3A_419 = arith.constant 96 : index
          %get3A_420 = tpu.vector_load %arg14[%get3A_418, %get3A_419] {strides = array<i32>} : memref<224x128xf32, #tpu.memory_space<vmem>>, vector<16xf32>,
          %swap3A_421 = arith.index_cast %add3A_365 : i32 to index
          %swap3A_422 = arith.constant 32 : index
          %swap3A_423 = tpu.vector_load %arg14[%swap3A_421, %swap3A_422] {strides = array<i32>} : memref<224x128xf32, #tpu.memory_space<vmem>>, vector<16xf32>,
          tpu.vector_store %arg14[%swap3A_421, %swap3A_422], %get3A_420 {strides = array<i32>} : memref<224x128xf32, #tpu.memory_space<vmem>>, vector<16xf32>,
          %get3A_424 = arith.index_cast %add3A_365 : i32 to index
          %get3A_425 = arith.constant 112 : index
          %get3A_426 = tpu.vector_load %arg14[%get3A_424, %get3A_425] {strides = array<i32>} : memref<224x128xf32, #tpu.memory_space<vmem>>, vector<16xf32>,
          %swap3A_427 = arith.index_cast %add3A_365 : i32 to index
          %swap3A_428 = arith.constant 48 : index
          %swap3A_429 = tpu.vector_load %arg14[%swap3A_427, %swap3A_428] {strides = array<i32>} : memref<224x128xf32, #tpu.memory_space<vmem>>, vector<16xf32>,
          tpu.vector_store %arg14[%swap3A_427, %swap3A_428], %get3A_426 {strides = array<i32>} : memref<224x128xf32, #tpu.memory_space<vmem>>, vector<16xf32>,
        } else {
        }
        %get3A_373 = arith.index_cast %add3A_365 : i32 to index
        %get3A_374 = arith.constant 0 : index
        %get3A_375 = tpu.vector_load %arg16[%get3A_373, %get3A_374] {strides = array<i32>} : memref<224x128xf32, #tpu.memory_space<vmem>>, vector<16xf32>,
        %swap3A_376 = arith.index_cast %add3A_365 : i32 to index
        %swap3A_377 = arith.constant 64 : index
        %swap3A_378 = tpu.vector_load %arg14[%swap3A_376, %swap3A_377] {strides = array<i32>} : memref<224x128xf32, #tpu.memory_space<vmem>>, vector<16xf32>,
        tpu.vector_store %arg14[%swap3A_376, %swap3A_377], %get3A_375 {strides = array<i32>} : memref<224x128xf32, #tpu.memory_space<vmem>>, vector<16xf32>,
        %get3A_379 = arith.index_cast %add3A_365 : i32 to index
        %get3A_380 = arith.constant 16 : index
        %get3A_381 = tpu.vector_load %arg16[%get3A_379, %get3A_380] {strides = array<i32>} : memref<224x128xf32, #tpu.memory_space<vmem>>, vector<16xf32>,
        %swap3A_382 = arith.index_cast %add3A_365 : i32 to index
        %swap3A_383 = arith.constant 80 : index
        %swap3A_384 = tpu.vector_load %arg14[%swap3A_382, %swap3A_383] {strides = array<i32>} : memref<224x128xf32, #tpu.memory_space<vmem>>, vector<16xf32>,
        tpu.vector_store %arg14[%swap3A_382, %swap3A_383], %get3A_381 {strides = array<i32>} : memref<224x128xf32, #tpu.memory_space<vmem>>, vector<16xf32>,
        %add3A_385 = arith.constant 15 : i32
        %add3A_386 = arith.addi %mul3A_72, %add3A_385 : i32
        %slice3A_387 = vector.extract_strided_slice %get3A_73 {offsets = [15], sizes = [1], strides = [1]} : vector<16xi32> to vector<1xi32>
        %squeeze3A_388 = vector.extract %slice3A_387[0] : i32 from vector<1xi32>
        %ne3A_389 = arith.constant 0 : i32
        %ne3A_390 = arith.cmpi ne, %squeeze3A_388, %ne3A_389 : i32
        %convert_element_type3A_391 = arith.extui %ne3A_390 : i1 to i32
        %cond3A_392 = arith.constant 0 : i32
        %cond3A_393 = arith.cmpi ne, %convert_element_type3A_391, %cond3A_392 : i32
        scf.if %cond3A_393 {
          %get3A_406 = arith.index_cast %add3A_386 : i32 to index
          %get3A_407 = arith.constant 64 : index
          %get3A_408 = tpu.vector_load %arg14[%get3A_406, %get3A_407] {strides = array<i32>} : memref<224x128xf32, #tpu.memory_space<vmem>>, vector<16xf32>,
          %swap3A_409 = arith.index_cast %add3A_386 : i32 to index
          %swap3A_410 = arith.constant 0 : index
          %swap3A_411 = tpu.vector_load %arg14[%swap3A_409, %swap3A_410] {strides = array<i32>} : memref<224x128xf32, #tpu.memory_space<vmem>>, vector<16xf32>,
          tpu.vector_store %arg14[%swap3A_409, %swap3A_410], %get3A_408 {strides = array<i32>} : memref<224x128xf32, #tpu.memory_space<vmem>>, vector<16xf32>,
          %get3A_412 = arith.index_cast %add3A_386 : i32 to index
          %get3A_413 = arith.constant 80 : index
          %get3A_414 = tpu.vector_load %arg14[%get3A_412, %get3A_413] {strides = array<i32>} : memref<224x128xf32, #tpu.memory_space<vmem>>, vector<16xf32>,
          %swap3A_415 = arith.index_cast %add3A_386 : i32 to index
          %swap3A_416 = arith.constant 16 : index
          %swap3A_417 = tpu.vector_load %arg14[%swap3A_415, %swap3A_416] {strides = array<i32>} : memref<224x128xf32, #tpu.memory_space<vmem>>, vector<16xf32>,
          tpu.vector_store %arg14[%swap3A_415, %swap3A_416], %get3A_414 {strides = array<i32>} : memref<224x128xf32, #tpu.memory_space<vmem>>, vector<16xf32>,
          %get3A_418 = arith.index_cast %add3A_386 : i32 to index
          %get3A_419 = arith.constant 96 : index
          %get3A_420 = tpu.vector_load %arg14[%get3A_418, %get3A_419] {strides = array<i32>} : memref<224x128xf32, #tpu.memory_space<vmem>>, vector<16xf32>,
          %swap3A_421 = arith.index_cast %add3A_386 : i32 to index
          %swap3A_422 = arith.constant 32 : index
          %swap3A_423 = tpu.vector_load %arg14[%swap3A_421, %swap3A_422] {strides = array<i32>} : memref<224x128xf32, #tpu.memory_space<vmem>>, vector<16xf32>,
          tpu.vector_store %arg14[%swap3A_421, %swap3A_422], %get3A_420 {strides = array<i32>} : memref<224x128xf32, #tpu.memory_space<vmem>>, vector<16xf32>,
          %get3A_424 = arith.index_cast %add3A_386 : i32 to index
          %get3A_425 = arith.constant 112 : index
          %get3A_426 = tpu.vector_load %arg14[%get3A_424, %get3A_425] {strides = array<i32>} : memref<224x128xf32, #tpu.memory_space<vmem>>, vector<16xf32>,
          %swap3A_427 = arith.index_cast %add3A_386 : i32 to index
          %swap3A_428 = arith.constant 48 : index
          %swap3A_429 = tpu.vector_load %arg14[%swap3A_427, %swap3A_428] {strides = array<i32>} : memref<224x128xf32, #tpu.memory_space<vmem>>, vector<16xf32>,
          tpu.vector_store %arg14[%swap3A_427, %swap3A_428], %get3A_426 {strides = array<i32>} : memref<224x128xf32, #tpu.memory_space<vmem>>, vector<16xf32>,
        } else {
        }
        %get3A_394 = arith.index_cast %add3A_386 : i32 to index
        %get3A_395 = arith.constant 0 : index
        %get3A_396 = tpu.vector_load %arg16[%get3A_394, %get3A_395] {strides = array<i32>} : memref<224x128xf32, #tpu.memory_space<vmem>>, vector<16xf32>,
        %swap3A_397 = arith.index_cast %add3A_386 : i32 to index
        %swap3A_398 = arith.constant 64 : index
        %swap3A_399 = tpu.vector_load %arg14[%swap3A_397, %swap3A_398] {strides = array<i32>} : memref<224x128xf32, #tpu.memory_space<vmem>>, vector<16xf32>,
        tpu.vector_store %arg14[%swap3A_397, %swap3A_398], %get3A_396 {strides = array<i32>} : memref<224x128xf32, #tpu.memory_space<vmem>>, vector<16xf32>,
        %get3A_400 = arith.index_cast %add3A_386 : i32 to index
        %get3A_401 = arith.constant 16 : index
        %get3A_402 = tpu.vector_load %arg16[%get3A_400, %get3A_401] {strides = array<i32>} : memref<224x128xf32, #tpu.memory_space<vmem>>, vector<16xf32>,
        %swap3A_403 = arith.index_cast %add3A_386 : i32 to index
        %swap3A_404 = arith.constant 80 : index
        %swap3A_405 = tpu.vector_load %arg14[%swap3A_403, %swap3A_404] {strides = array<i32>} : memref<224x128xf32, #tpu.memory_space<vmem>>, vector<16xf32>,
        tpu.vector_store %arg14[%swap3A_403, %swap3A_404], %get3A_402 {strides = array<i32>} : memref<224x128xf32, #tpu.memory_space<vmem>>, vector<16xf32>,
      }
      %scan3A_66 = arith.constant 14 : i32
      %mul3A_67 = arith.constant 224 : i32
      %mul3A_68 = arith.muli %add3A_47, %mul3A_67 : i32
      %add3A_69 = arith.addi %mul3A_2, %mul3A_68 : i32
      "tpu.region"() ({
        %run_scoped3A = tpu.sem_alloc : memref<!tpu.dma_semaphore, #tpu.memory_space<semaphore_mem>>
        %dma_start3A_70 = arith.constant 0 : i32
        %dma_start3A_71 = tpu.memref_slice %arg6[%add3A_69, %dma_start3A_70] : memref<100352x128xf32, #tpu.memory_space<hbm>> -> memref<224x128xf32, #tpu.memory_space<hbm>>
        %dma_start3A_72 = arith.constant 0 : i32
        %dma_start3A_73 = tpu.memref_slice %arg6[%add3A_69, %dma_start3A_72] : memref<100352x128xf32, #tpu.memory_space<hbm>> -> memref<224x128xf32, #tpu.memory_space<hbm>>
        tpu.enqueue_dma source(%arg14 : memref<224x128xf32, #tpu.memory_space<vmem>>) target(%dma_start3A_73 : memref<224x128xf32, #tpu.memory_space<hbm>>) target_semaphore(%run_scoped3A : memref<!tpu.dma_semaphore, #tpu.memory_space<semaphore_mem>>)
        %dma_wait3A_74 = arith.constant 0 : i32
        %dma_wait3A_75 = tpu.memref_slice %arg6[%add3A_69, %dma_wait3A_74] : memref<100352x128xf32, #tpu.memory_space<hbm>> -> memref<224x128xf32, #tpu.memory_space<hbm>>
        %dma_wait3A_76 = arith.constant 0 : i32
        %dma_wait3A_77 = tpu.memref_slice %arg6[%add3A_69, %dma_wait3A_76] : memref<100352x128xf32, #tpu.memory_space<hbm>> -> memref<224x128xf32, #tpu.memory_space<hbm>>
        tpu.wait_dma2 semaphore(%run_scoped3A : memref<!tpu.dma_semaphore, #tpu.memory_space<semaphore_mem>>) src(%arg14 : memref<224x128xf32, #tpu.memory_space<vmem>>) dst(%dma_wait3A_77 : memref<224x128xf32, #tpu.memory_space<hbm>>)
        tpu.yield
      }) : () -> ()
    }
    %scan3A_20 = arith.constant 7 : i32
    return
  }
}

module attributes {stable_mosaic.version = 14 : i64} {
  func.func @body(%arg0: i32, %arg1: memref<64x16384xf32, #tpu.memory_space<vmem>>, %arg2: memref<64x16384xf32, #tpu.memory_space<vmem>>, %arg3: memref<16384x128xf32, #tpu.memory_space<vmem>>) attributes {dimension_semantics = [#tpu.dimension_semantics<arbitrary>], iteration_bounds = array<i64: 32>, scalar_prefetch = 0 : i64, scratch_operands = 0 : i64, tpu.core_type = #tpu.core_type<tc>, window_params = [{transform_indices = @transform_0, window_bounds = array<i64: 64, 16384>}, {transform_indices = @transform_1, window_bounds = array<i64: 64, 16384>}, {transform_indices = @transform_2, window_bounds = array<i64: 16384, 128>}]} {
    %get3A = arith.constant 0 : index
    %get3A_0 = arith.constant 0 : index
    %get3A_1 = vector.load %arg1[%get3A, %get3A_0] : memref<64x16384xf32, #tpu.memory_space<vmem>>, vector<64x16384xf32>
    %transpose3A = tpu.transpose %get3A_1, [1, 0] : vector<64x16384xf32> -> vector<16384x64xf32>
    %get3A_2 = arith.constant 0 : index
    %get3A_3 = arith.constant 0 : index
    %get3A_4 = vector.load %arg2[%get3A_2, %get3A_3] : memref<64x16384xf32, #tpu.memory_space<vmem>>, vector<64x16384xf32>
    %transpose3A_5 = tpu.transpose %get3A_4, [1, 0] : vector<64x16384xf32> -> vector<16384x64xf32>
    %concatenate3A = tpu.concatenate %transpose3A, %transpose3A_5 in 1 : vector<16384x64xf32>, vector<16384x64xf32> -> vector<16384x128xf32>
    %swap3A = arith.constant 0 : index
    %swap3A_6 = arith.constant 0 : index
    %swap3A_7 = vector.load %arg3[%swap3A, %swap3A_6] : memref<16384x128xf32, #tpu.memory_space<vmem>>, vector<16384x128xf32>
    tpu.vector_store %arg3[%swap3A, %swap3A_6], %concatenate3A {strides = array<i32>} : memref<16384x128xf32, #tpu.memory_space<vmem>>, vector<16384x128xf32>,
    return
  }
  func.func @transform_0(%arg0: i32) -> (i32, i32) {
    %lt3A = arith.constant 30 : i32
    %lt3A_0 = arith.cmpi slt, %arg0, %lt3A : i32
    %add3A = arith.constant 30 : i32
    %add3A_1 = arith.addi %arg0, %add3A : i32
    %select_n3A = arith.select %lt3A_0, %arg0, %add3A_1 : i32
    %c0_i32 = arith.constant 0 : i32
    %c0_i32_2 = arith.constant 0 : i32
    return %c0_i32, %select_n3A : i32, i32
  }
  func.func @transform_1(%arg0: i32) -> (i32, i32) {
    %lt3A = arith.constant 30 : i32
    %lt3A_0 = arith.cmpi slt, %arg0, %lt3A : i32
    %add3A = arith.constant 30 : i32
    %add3A_1 = arith.addi %arg0, %add3A : i32
    %add3A_2 = arith.constant 30 : i32
    %add3A_3 = arith.addi %arg0, %add3A_2 : i32
    %select_n3A = arith.select %lt3A_0, %add3A_1, %add3A_3 : i32
    %c0_i32 = arith.constant 0 : i32
    %c0_i32_4 = arith.constant 0 : i32
    return %c0_i32, %select_n3A : i32, i32
  }
  func.func @transform_2(%arg0: i32) -> (i32, i32) {
    %c0_i32 = arith.constant 0 : i32
    %c0_i32_0 = arith.constant 0 : i32
    return %arg0, %c0_i32 : i32, i32
  }
}

module attributes {stable_mosaic.version = 14 : i64} {
  func.func @body(%arg0: i32, %arg1: memref<16384x128xf32, #tpu.memory_space<vmem>>, %arg2: memref<16x16384xf32, #tpu.memory_space<vmem>>, %arg3: memref<112x16384xf32, #tpu.memory_space<vmem>>) attributes {dimension_semantics = [#tpu.dimension_semantics<arbitrary>], iteration_bounds = array<i64: 7>, scalar_prefetch = 0 : i64, scratch_operands = 0 : i64, tpu.core_type = #tpu.core_type<tc>, window_params = [{transform_indices = @transform_0, window_bounds = array<i64: 16384, 128>}, {transform_indices = @transform_1, window_bounds = array<i64: 16, 16384>}, {transform_indices = @transform_2, window_bounds = array<i64: 112, 16384>}]} {
    %get3A = arith.constant 0 : index
    %get3A_0 = arith.constant 0 : index
    %get3A_1 = vector.load %arg1[%get3A, %get3A_0] : memref<16384x128xf32, #tpu.memory_space<vmem>>, vector<16384x128xf32>
    %transpose3A = tpu.transpose %get3A_1, [1, 0] : vector<16384x128xf32> -> vector<128x16384xf32>
    %slice3A = vector.extract_strided_slice %transpose3A {offsets = [0, 0], sizes = [96, 16384], strides = [1, 1]} : vector<128x16384xf32> to vector<96x16384xf32>
    %swap3A = arith.constant 0 : index
    %swap3A_2 = arith.constant 0 : index
    %swap3A_3 = vector.load %arg3[%swap3A, %swap3A_2] : memref<112x16384xf32, #tpu.memory_space<vmem>>, vector<96x16384xf32>
    tpu.vector_store %arg3[%swap3A, %swap3A_2], %slice3A {strides = array<i32>} : memref<112x16384xf32, #tpu.memory_space<vmem>>, vector<96x16384xf32>,
    %get3A_4 = arith.constant 0 : index
    %get3A_5 = arith.constant 0 : index
    %get3A_6 = vector.load %arg2[%get3A_4, %get3A_5] : memref<16x16384xf32, #tpu.memory_space<vmem>>, vector<16x16384xf32>
    %swap3A_7 = arith.constant 96 : index
    %swap3A_8 = arith.constant 0 : index
    %swap3A_9 = vector.load %arg3[%swap3A_7, %swap3A_8] : memref<112x16384xf32, #tpu.memory_space<vmem>>, vector<16x16384xf32>
    tpu.vector_store %arg3[%swap3A_7, %swap3A_8], %get3A_6 {strides = array<i32>} : memref<112x16384xf32, #tpu.memory_space<vmem>>, vector<16x16384xf32>,
    return
  }
  func.func @transform_0(%arg0: i32) -> (i32, i32) {
    %c0_i32 = arith.constant 0 : i32
    %c0_i32_0 = arith.constant 0 : i32
    return %arg0, %c0_i32 : i32, i32
  }
  func.func @transform_1(%arg0: i32) -> (i32, i32) {
    %c0_i32 = arith.constant 0 : i32
    %c0_i32_0 = arith.constant 0 : i32
    return %c0_i32, %arg0 : i32, i32
  }
  func.func @transform_2(%arg0: i32) -> (i32, i32) {
    %c0_i32 = arith.constant 0 : i32
    %c0_i32_0 = arith.constant 0 : i32
    return %c0_i32, %arg0 : i32, i32
  }
}

</mosaic_0001>

<sc_bundles>
// kernel: kernel.6.cloned.1.call-start
scs
__scs_entry_jumppad:
0x0: {  	(pc) =	sbr.rel $0x88, $3  }
0x1: {  	(tag) =	ssettag $0x0;
	lr =	simm.s32 $0x1  }
0x2: {  	[smem:$0x3F9C] =	sst lr;
	_ =	strace $0xD0000000  }
0x3: {  	_ = 	snop  }
0x4: {  	_ = 	snop  }
0x5: {  	_ = 	snop  }
0x6: {  	_ = 	snop  }
0x7: {  	_ = 	snop  }
__scs_overlays_trampoline_lowered:
0x8: {  	[smem:$0x3FAB] =	sst s0  }
0x9: {  	[smem:$0x3FAC] =	sst s1  }
0xa: {  	[smem:$0x3FAD] =	sst s2  }
0xb: {  	[smem:$0x3FAE] =	sst s3  }
0xc: {  	[smem:$0x3FAF] =	sst s4  }
0xd: {  	[smem:$0x3FB0] =	sst s5  }
0xe: {  	[smem:$0x3FB1] =	sst s6  }
0xf: {  	[smem:$0x3FB2] =	sst s7  }
0x10: {  	[smem:$0x3FB3] =	sst s8  }
0x11: {  	[smem:$0x3FB4] =	sst s9;
	s0 =	simm.s32 @!p0 $0x0  }
0x12: {  	s1 =	sld [smem:$0x3F9A];
	s0 =	simm.s32 @p0 $0x1  }
0x13: {  	[smem:$0x3FB5] =	sst s0;
	s0 =	simm.s32 @!p1 $0x0  }
0x14: {  	s2 =	sld [smem:$0x3F99];
	s0 =	simm.s32 @p1 $0x1  }
0x15: {  	[smem:$0x3FB6] =	sst s0;
	s0 =	simm.s32 @!p2 $0x0  }
0x16: {  	s3 =	sld [smem:$0x3FDB];
	s0 =	simm.s32 @p2 $0x1  }
0x17: {  	s4 =	simm.s32 $0x1BF5;
	[smem:$0x3FB8] =	sst s0  }
0x18: {  	s0 =	sld [smem:$0x3F9B];
	_ =	swait.ge [sflag:s4], $0x0  }
0x19: {  	s7 =	sld [smem:$0x3F9C]  }
0x1a: {  	s8 =	sadd.s32 $0xFFFFE003, lr  }
0x1b: {  	s9 =	sadd.s32 $0xFFFFFEF7, lr;
	s5 =	simm.s32 $0xFFFFFFFF;
	p2 =	slt.u32 s8, $0xFFFFF086  }
0x1c: {  	p1 =	slt.u32 s9, $0xF7A;
	s5 =	simm.s32 @!p2 $0x0  }
0x1d: {  	s5 =	simm.s32 @p1 $0x1;
	p0 =	seq.s32 s7, s2  }
0x1e: {  	s7 =	smul.u32 @!p0 $0xF7A, s2;
	p2 =	seq.s32 @!p0 s5, $0x0  }
0x1f: {  	s9 =	smul.u32 $0xF7A, s1;
	s8 =	simm.s32 @!p0 $0x1BF5;
	p2 =	por !p2, p0  }
0x20: {  	[sflag:s8] =	ssyncset.s32 @!p0 $0xFFFFF086;
	s6 =	sadd.s32 @!p0 s3, s7;
	s7 =	simm.s32 @!p0 $0x108  }
0x21: {  	s3 =	sadd.s32 s3, s9;
	s6 =	sadd.s32 @!p0 $0x88, s6;
	s7 =	simm.s32 @p2 $0x1082  }
0x22: {  	[simem:s7], [sflag:s8] =	dma.local @!p0 [hbm:s6], $0xF7A  }
0x23: {  	s9 =	sor.u32 $0xD0000000, s2;
	s6 =	simm.s32 $0x108;
	_ =	swait.ge @!p0 [sflag:s8], $0x0  }
0x24: {  	s3 =	sadd.s32 $0x88, s3;
	s6 =	simm.s32 @!p1 $0x1082;
	[sflag:s4] =	ssyncset.s32 $0xFFFFF086  }
0x25: {  	[simem:s6], [sflag:s4] =	dma.local [hbm:s3], $0xF7A  }
0x26: {  	[smem:$0x3F9C] =	sst s1;
	(tag) =	ssettag s2;
	_ =	strace s9  }
0x27: {  	s1 =	sld [smem:$0x3FAC]  }
0x28: {  	s2 =	sld [smem:$0x3FAD]  }
0x29: {  	s4 =	sld [smem:$0x3FAF]  }
0x2a: {  	p0 =	seq.s32 s5, $0x0;
	s5 =	sld [smem:$0x3FB0]  }
0x2b: {  	s6 =	sld [smem:$0x3FB1]  }
0x2c: {  	s7 =	sld [smem:$0x3FB2]  }
0x2d: {  	s3 =	simm.s32 $0x108;
	s8 =	sld [smem:$0x3FB3]  }
0x2e: {  	s3 =	simm.s32 @!p0 $0x1082;
	s9 =	sld [smem:$0x3FB4]  }
0x2f: {  	lr =	sadd.s32 s0, s3;
	s0 =	sld [smem:$0x3FAB]  }
0x30: {  	s3 =	sld [smem:$0x3FAE]  }
0x31: {  	[smem:$0x3FB7] =	sst s10  }
0x32: {  	s10 =	sld [smem:$0x3FB5];
	_ =	sdelay $0x3  }
0x33: {  	p0 =	seq.s32 s10, $0x1;
	s10 =	sld [smem:$0x3FB7];
	_ =	sdelay $0x3  }
0x34: {  	[smem:$0x3FB7] =	sst s10  }
0x35: {  	s10 =	sld [smem:$0x3FB6];
	_ =	sdelay $0x3  }
0x36: {  	p1 =	seq.s32 s10, $0x1;
	s10 =	sld [smem:$0x3FB7];
	_ =	sdelay $0x3  }
0x37: {  	[smem:$0x3FB7] =	sst s10  }
0x38: {  	s10 =	sld [smem:$0x3FB8]  }
0x39: {  	_ = 	snop;
	(pc) =	sbr.ind lr, $3  }
0x3a: {  	_ = 	snop  }
0x3b: {  	_ = 	snop  }
0x3c: {  	p2 =	seq.s32 s10, $0x1;
	s10 =	sld [smem:$0x3FB7]  }
0x3d: {  	_ =	shalt  }
0x3e: {  	_ =	shalt  }
0x3f: {  	_ =	shalt  }
0x40: {  	_ =	shalt  }
0x41: {  	_ =	shalt  }
0x42: {  	_ =	shalt  }
0x43: {  	_ =	shalt  }
0x44: {  	_ =	shalt  }
0x45: {  	_ =	shalt  }
0x46: {  	_ =	shalt  }
0x47: {  	_ =	shalt  }
0x48: {  	_ =	shalt  }
0x49: {  	_ =	shalt  }
0x4a: {  	_ =	shalt  }
0x4b: {  	_ =	shalt  }
0x4c: {  	_ =	shalt  }
0x4d: {  	_ =	shalt  }
0x4e: {  	_ =	shalt  }
0x4f: {  	_ =	shalt  }
0x50: {  	_ =	shalt  }
0x51: {  	_ =	shalt  }
0x52: {  	_ =	shalt  }
0x53: {  	_ =	shalt  }
0x54: {  	_ =	shalt  }
0x55: {  	_ =	shalt  }
0x56: {  	_ =	shalt  }
0x57: {  	_ =	shalt  }
0x58: {  	_ =	shalt  }
0x59: {  	_ =	shalt  }
0x5a: {  	_ =	shalt  }
0x5b: {  	_ =	shalt  }
0x5c: {  	_ =	shalt  }
0x5d: {  	_ =	shalt  }
0x5e: {  	_ =	shalt  }
0x5f: {  	_ =	shalt  }
0x60: {  	_ =	shalt  }
0x61: {  	_ =	shalt  }
0x62: {  	_ =	shalt  }
0x63: {  	_ =	shalt  }
0x64: {  	_ =	shalt  }
0x65: {  	_ =	shalt  }
0x66: {  	_ =	shalt  }
0x67: {  	_ =	shalt  }
0x68: {  	_ =	shalt  }
0x69: {  	_ =	shalt  }
0x6a: {  	_ =	shalt  }
0x6b: {  	_ =	shalt  }
0x6c: {  	_ =	shalt  }
0x6d: {  	_ =	shalt  }
0x6e: {  	_ =	shalt  }
0x6f: {  	_ =	shalt  }
0x70: {  	_ =	shalt  }
0x71: {  	_ =	shalt  }
0x72: {  	_ =	shalt  }
0x73: {  	_ =	shalt  }
0x74: {  	_ =	shalt  }
0x75: {  	_ =	shalt  }
0x76: {  	_ =	shalt  }
0x77: {  	_ =	shalt  }
0x78: {  	_ =	shalt  }
0x79: {  	_ =	shalt  }
0x7a: {  	_ =	shalt  }
0x7b: {  	_ =	shalt  }
0x7c: {  	_ =	shalt  }
0x7d: {  	_ =	shalt  }
0x7e: {  	_ =	shalt  }
0x7f: {  	_ =	shalt  }
0x80: {  	_ =	shalt  }
0x81: {  	_ =	shalt  }
0x82: {  	_ =	shalt  }
0x83: {  	_ =	shalt  }
0x84: {  	_ =	shalt  }
0x85: {  	_ =	shalt  }
0x86: {  	_ =	shalt  }
0x87: {  	_ =	shalt  }
.Lfunc_end0:
.L_simem_size_0:
called_computation_lowered:
.L_overlay_start_0:
0x88: {  	s2 =	sld [smem:$0x3FD9]  }
0x89: {  	s3 =	sld [smem:$0x3FFE];
	_ =	sdelay $0x1  }
0x8a: {  	s1 =	srdreg.scid  }
0x8b: {  	s0 =	sand.u32 $0x1, s1  }
0x8c: {  	s17 =	sshll.u32 s0, $0xA;
	s2 =	sadd.s32 s3, s2  }
0x8d: {  	s2 =	sadd.s32 s2, s17  }
0x8e: {  	[smem:$0x3FC3] =	sst s2  }
0x8f: {  	_ = 	snop  }
0x90: {  	s2 =	sld [smem:$0x3FD0];
	(tm) =	ssettm $0x1  }
0x91: {  	s18 =	sld [smem:$0x3FFB];
	_ =	sdelay $0x3  }
0x92: {  	_ =	strace s18  }
0x93: {  	s3 =	sld [smem:$0x3FFC];
	_ =	sdelay $0x3  }
0x94: {  	_ =	strace s3  }
0x95: {  	s3 =	sld [smem:$0x3FFD];
	_ =	sdelay $0x3  }
0x96: {  	_ =	strace s3  }
0x97: {  	_ =	strace $0x8FFFFFFF  }
0x98: {  	s19 =	sld [smem:$0x3FDB];
	_ =	sdelay $0x1  }
0x99: {  	s4 =	simm.s32 $_scs_section_size  }
0x9a: {  	s5 =	simm.s32 $_size__tile_overlayer_lowered;
	s6 =	simm.s32 $_tile_overlayer_lowered  }
0x9b: {  	s22 =	simm.s32 $0x1BFF;
	s21 =	sshll.u32 s6, $0x1;
	s3 =	sadd.s32 s4, s19  }
0x9c: {  	s7 =	simm.s32 $0x0;
	s20 =	sshll.u32 s5, $0x1;
	s5 =	sadd.s32 s21, s3  }
0x9d: {  	[timem:s7], [sflag:s22] =	dma.local [hbm:s5], s20  }
0x9e: {  	_ =	swait.ge [sflag:s22], s20  }
0x9f: {  	s4 =	ssub.s32 $0x0, s20;
	[sflag:s22] =	ssyncset.done $0x0  }
0xa0: {  	[sflag:s22] =	ssyncadd.s32 s4;
	_ =	sdelay $0x1  }
0xa1: {  	s23 =	simm.s32 $0x1B8B  }
0xa2: {  	_ =	swait.ge [sflag:s23], $0x1  }
0xa3: {  	[sflag:s23] =	ssyncset.done $0x0  }
0xa4: {  	s25 =	simm.s32 $0x1B8E;
	s24 =	sld [smem:$0x3FFE];
	[sflag:s23] =	ssyncadd.s32 $0xFFFFFFFF  }
0xa5: {  	s26 =	simm.s32 $execute0_lowered;
	[smem:$0x3FD2] =	sst s25  }
0xa6: {  	s5 =	sshll.u32 s26, $0x1;
	_ =	strace $0x80000046;
	[dreg:$0x1] =	wrdreg $0xFFFFFFFF  }
0xa7: {  	s28 =	simm.s32 $_size_execute0_lowered;
	s3 =	sadd.s32 s3, s5;
	[dreg:$0x0] =	wrdreg $0x0  }
0xa8: {  	s5 =	sshll.u32 s28, $0x1;
	[dreg:$0x2] =	wrdreg s3  }
0xa9: {  	[dreg:$0x3] =	wrdreg s5  }
0xaa: {  	[dreg:$0x4] =	wrdreg $0xC0  }
0xab: {  	_ =	task [dreg:s7], $0x5FFFF  }
0xac: {  	[dreg:$0x1] =	wrdreg $0xFFFFFFFF  }
0xad: {  	[dreg:$0x0] =	wrdreg $0x60  }
0xae: {  	[dreg:$0x2] =	wrdreg s2  }
0xaf: {  	[dreg:$0x3] =	wrdreg s24  }
0xb0: {  	[dreg:$0x4] =	wrdreg $0x9  }
0xb1: {  	_ =	task.clear_ibuf [dreg:s7], $0x5FFFF;
	_ =	strace $0x90000046  }
0xb2: {  	s29 =	simm.s32 $0x9;
	_ =	strace $0x80000048  }
0xb3: {  	_ =	swait.ge [sflag:s29], $0x1  }
0xb4: {  	[sflag:s29] =	ssyncadd.s32 $0xFFFFFFFF  }
0xb5: {  	_ =	strace $0x90000048  }
0xb6: {  	_ =	sfence  }
0xb7: {  	s30 =	sld [smem:$0x0];
	_ =	sdelay $0x2  }
0xb8: {  	s31 =	sshll.u32 s1, $0xD;
	s1 =	sshrl.u32 s1, $0x2  }
0xb9: {  	s3 =	sand.u32 $0x4000, s31;
	s1 =	sadd.s32 s1, s30  }
0xba: {  	s0 =	sor.u32 s3, s0;
	s1 =	sshll.u32 s1, $0x11  }
0xbb: {  	s0 =	sor.u32 s1, s0  }
0xbc: {  	s0 =	sadd.s32 $0x8F2B, s0  }
0xbd: {  	[sflag:s0] =	ssyncadd.remote.s32 $0x1  }
0xbe: {  	_ =	sfence.sel $0xFFFF  }
0xbf: {  	[dreg:$0x0] =	wrdreg $0xFFFFFFFF;
	(pc) =	sbr.abs _section_cstart, $3  }
0xc0: {  	[dreg:$0x1] =	wrdreg $0xFFFFFFFF  }
0xc1: {  	_ =	task.clear_ibuf [dreg:s7], $0x2FFFF;
	_ =	strace $0x9FFFFFFF  }
0xc2: {  	(tm) =	ssettm $0x7FFFFFFF  }
0xc3: {  	_ =	shalt  }
tec
execute0_lowered:
.L_overlay_start_1:
0x0: {  	(tag) =	ssettag $0x1  }
0x1: {  	v0 =	vimm.s32 $0x1780;
	vm0 =	vcmask $0x300;
	v1 =	vimm.s32 $0x3F80  }
0x2: {  	vm1 =	vcmask $0x704;
	v0 =	vsel vm0, $0x0, v0;
	v1 =	vsel vm0, $0x2800, v1  }
0x3: {  	vm15 =	vcmask $0xB08;
	v0 =	vsel vm1, $0x80, v0;
	v1 =	vsel vm1, $0x2880, v1  }
0x4: {  	vm4 =	vcmask $0xF0C;
	v0 =	vsel vm15, $0x100, v0;
	v1 =	vsel vm15, $0x2900, v1  }
0x5: {  	vm5 =	vcmask $0x1310;
	v0 =	vsel vm4, $0x180, v0;
	v1 =	vsel vm4, $0x2980, v1  }
0x6: {  	vm6 =	vcmask $0x1714;
	v0 =	vsel vm5, $0x200, v0;
	v1 =	vsel vm5, $0x2A00, v1  }
0x7: {  	vm7 =	vcmask $0x1B18;
	v0 =	vsel vm6, $0x280, v0;
	v1 =	vsel vm6, $0x2A80, v1  }
0x8: {  	s0 =	rddreg [dreg:$0x0];
	vm8 =	vcmask $0x1F1C;
	v0 =	vsel vm7, $0x300, v0;
	v1 =	vsel vm7, $0x2B00, v1  }
0x9: {  	s4 =	rddreg [dreg:$0x1];
	vm9 =	vcmask $0x2320;
	v0 =	vsel vm8, $0x380, v0;
	v1 =	vsel vm8, $0x2B80, v1  }
0xa: {  	s1 =	rddreg [dreg:$0x2];
	s5 =	srdreg.scid;
	vm10 =	vcmask $0x2724;
	v0 =	vsel vm9, $0x1400, v0;
	v1 =	vsel vm9, $0x3C00, v1  }
0xb: {  	s3 =	simm.s32 $0x0;
	s2 =	stileid.u32;
	vm11 =	vcmask $0x2B28;
	s9 =	simm.s32 $0x1;
	v0 =	vsel vm10, $0x1480, v0;
	v1 =	vsel vm10, $0x3C80, v1  }
0xc: {  	vm12 =	vcmask $0x2F2C;
	s10 =	simm.s32 $0x5000;
	s11 =	simm.s32 $0x0;
	s5 =	sand.u32 $0x1, s5;
	v0 =	vsel vm11, $0x1500, v0;
	v1 =	vsel vm11, $0x3D00, v1  }
0xd: {  	vm13 =	vcmask $0x3330;
	[smem:$0x7FF] =	sst s3;
	s7 =	sshll.u32 s2, $0x1;
	s6 =	ssub.s32 $0x2, s5;
	v0 =	vsel vm12, $0x1580, v0;
	v1 =	vsel vm12, $0x3D80, v1  }
0xe: {  	vm14 =	vcmask $0x3734;
	s4 =	sadd.s32 $0xC00, s4;
	_ =	strace $0x80000047;
	s8 =	sshrl.u32 s6, $0x1;
	v0 =	vsel vm13, $0x1600, v0;
	v1 =	vsel vm13, $0x3E00, v1  }
0xf: {  	s5 =	sor.u32 s5, s7;
	s7 =	simm.s32 $0x1400;
	vm15 =	vcmask $0x3B38;
	s6 =	ssub.s32 s6, s8;
	v0 =	vsel vm14, $0x1680, v0;
	v1 =	vsel vm14, $0x3E80, v1  }
0x10: {  	s5 =	smul.u32 $0xC80, s5;
	s8 =	simm.s32 $0xC8000;
	s6 =	smax.u32 s6, $0x1;
	v0 =	vsel vm15, $0x1700, v0;
	v1 =	vsel vm15, $0x3F00, v1  }
.LBB2_1:
0x11: {  	s12 =	simm.s32 $0x0  }
.LBB2_2:
0x12: {  	s14 =	simm.s32 $0x0  }
0x13: {  	v2 =	vmov s14  }
0x14: {  	s13 =	smul.u32 $0x280, s12;
	v3 =	vshll.u32 v2, $0x3  }
0x15: {  	v2 =	vand.u32 $0x7F, v2;
	v3 =	vand.u32 $0x1C00, v3  }
0x16: {  	s13 =	sadd.s32 s5, s13;
	v2 =	vor.u32 v2, v3  }
0x17: {  	s15 =	sadd.s32 s0, s13;
	v3 =	vadd.s32 v0, v2  }
0x18: {  	[tilespmem:s14], [sflag:$0x1] =	stream.strided.gather [hbm4b:s15+s7], $0x5000, s8, s7, $0x38;
	v2 =	vadd.s32 v1, v2;
	[tilespmem:$0x19000] =	vst v63  }
0x19: {  	s31 =	simm.s32 $0x1;
	_ =	swait.ge [sflag:s9], $0x5000  }
0x1a: {  	v4 =	vmov s31;
	[sflag:s9] =	ssyncset.done $0x0  }
0x1b: {  	v5 =	vshll.u32 v4, $0x3;
	[sflag:s9] =	ssyncadd.s32 $0xFFFFB000  }
0x1c: {  	v4 =	vand.u32 $0x7F, v4;
	v5 =	vand.u32 $0x1C00, v5;
	v3 =	vld.idx.msk [tilespmem:v3+s3+$0x0], $0xffff  }
0x1d: {  	v6 =	vor.u32 v4, v5;
	v4 =	vld.idx.msk [tilespmem:v2+s3+$0x0], $0xffff  }
0x1e: {  	s16 =	simm.s32 $0x2;
	s14 =	simm.s32 $0x5010;
	s15 =	simm.s32 $0x5010;
	v5 =	vadd.s32 v0, v6;
	v2 =	vadd.s32 v1, v6  }
.LBB2_3:
0x1f: {  	_ = 	snop  }
0x20: {  	p0 =	sne.s32 s16, $0x27F  }
0x21: {  	s15 =	sadd.s32 $0x80, s15;
	s17 =	smov.u32 s16;
	s16 =	sadd.s32 $0x1, s16;
	[tilespmem:s14+$0xFFFFFFF0] =	vst v3  }
.Ltmp0:
0x22: {  	v6 =	vmov s17;
	[tilespmem:s14+$0x0] =	vst v4;
	s14 =	smov.u32 s15;
	(pc) =	sbr.rel @p0 .LBB2_3-.Ltmp0, $4  }
0x23: {  	v4 =	vshll.u32 v6, $0x3;
	v3 =	vld.idx.msk [tilespmem:v5+s3+$0x0], $0xffff  }
0x24: {  	v5 =	vand.u32 $0x7F, v6;
	v6 =	vand.u32 $0x1C00, v4;
	v4 =	vld.idx.msk [tilespmem:v2+s3+$0x0], $0xffff  }
0x25: {  	v2 =	vor.u32 v5, v6  }
0x26: {  	v5 =	vadd.s32 v0, v2;
	v2 =	vadd.s32 v1, v2  }
0x27: {  	_ =	sdelay $0x1  }
0x28: {  	[tilespmem:s14+$0xFFFFFFF0] =	vst v3  }
0x29: {  	[tilespmem:s14+$0x0] =	vst v4  }
0x2a: {  	v3 =	vld.idx.msk [tilespmem:v5+s3+$0x0], $0xffff  }
0x2b: {  	v2 =	vld.idx.msk [tilespmem:v2+s3+$0x0], $0xffff;
	_ =	sdelay $0x2  }
0x2c: {  	s31 =	sadd.s32 $0x80, s15;
	s12 =	sadd.s32 $0x1, s12  }
0x2d: {  	s13 =	sshll.u32 s13, $0x4;
	p0 =	sne.s32 s12, $0x5;
	[tilespmem:s31+$0xFFFFFFF0] =	vst v3  }
.Ltmp1:
0x2e: {  	s13 =	sadd.s32 s4, s13;
	[tilespmem:s31+$0x0] =	vst v2;
	(pc) =	sbr.rel @p0 .LBB2_2-.Ltmp1, $4  }
0x2f: {  	[hbm4b:s13+s3] =	stream.linear.scatter [tilespmem:s10], [sflag:$0x1], $0x14000, $0x38;
	[tilespmem:$0x19000] =	vst v63  }
0x30: {  	_ =	swait.ge [sflag:s9], $0x14000  }
0x31: {  	[sflag:s9] =	ssyncset.done $0x0  }
0x32: {  	[sflag:s9] =	ssyncadd.s32 $0xFFFEC000  }
0x33: {  	s11 =	sadd.s32 $0x1, s11  }
0x34: {  	p0 =	sne.s32 s11, s6  }
.Ltmp2:
0x35: {  	_ = 	snop;
	(pc) =	sbr.rel @p0 .LBB2_1-.Ltmp2, $1  }
0x36: {  	_ =	sdelay $0x3  }
0x37: {  	_ =	sfence.sel $0x180000  }
0x38: {  	[bflag:$0x0] =	sbarrier.arrive $0xFFFF  }
0x39: {  	p0 =	sne.s32 s2, $0x0;
	_ =	strace $0x90000047  }
0x3a: {  	s0 =	sadd.s32 @!p0 $0x100000, s1;
	[bflag:$0x2] =	sbarrier.arrive $0xFFFF  }
0x3b: {  	[sflag:s0] =	ssyncadd.tile.s32 @!p0 $0x1;
	_ =	shalt  }
.Lfunc_end2:
_tile_overlayer_lowered:
.L_overlay_start_2:
0x3c: {  	(tag) =	ssettag $0x2  }
0x3d: {  	s0 =	rddreg [dreg:$0x0];
	s2 =	stileid.u32  }
0x3e: {  	s1 =	rddreg [dreg:$0x1];
	p0 =	sne.s32 s2, $0x0  }
0x3f: {  	s3 =	rddreg [dreg:$0x2];
	[bflag:$0x3] =	sbarrier.arrive $0xFFFF;
	s2 =	simm.s32 @!p0 $0x1C01  }
0x40: {  	[timem:s3], [sflag:s2] =	dma.local @!p0 [hbm:s0], s1  }
0x41: {  	s0 =	simm.s32 @!p0 $0x1  }
0x42: {  	_ =	swait.ge @!p0 [sflag:s0], s1  }
0x43: {  	s1 =	ssub.s32 @!p0 $0x0, s1;
	[sflag:s0] =	ssyncset.done @!p0 $0x0  }
0x44: {  	[sflag:s0] =	ssyncadd.s32 @!p0 s1  }
0x45: {  	[bflag:$0x3] =	sbarrier.arrive $0xFFFF  }
0x46: {  	_ =	shalt  }

// kernel: kernel.9.cloned.1.call-start
scs
__scs_entry_jumppad:
0x0: {  	(pc) =	sbr.rel $0x88, $3  }
0x1: {  	(tag) =	ssettag $0x0;
	lr =	simm.s32 $0x1  }
0x2: {  	[smem:$0x3F9C] =	sst lr;
	_ =	strace $0xD0000000  }
0x3: {  	_ = 	snop  }
0x4: {  	_ = 	snop  }
0x5: {  	_ = 	snop  }
0x6: {  	_ = 	snop  }
0x7: {  	_ = 	snop  }
__scs_overlays_trampoline_lowered:
0x8: {  	[smem:$0x3FAB] =	sst s0  }
0x9: {  	[smem:$0x3FAC] =	sst s1  }
0xa: {  	[smem:$0x3FAD] =	sst s2  }
0xb: {  	[smem:$0x3FAE] =	sst s3  }
0xc: {  	[smem:$0x3FAF] =	sst s4  }
0xd: {  	[smem:$0x3FB0] =	sst s5  }
0xe: {  	[smem:$0x3FB1] =	sst s6  }
0xf: {  	[smem:$0x3FB2] =	sst s7  }
0x10: {  	[smem:$0x3FB3] =	sst s8  }
0x11: {  	[smem:$0x3FB4] =	sst s9;
	s0 =	simm.s32 @!p0 $0x0  }
0x12: {  	s1 =	sld [smem:$0x3F9A];
	s0 =	simm.s32 @p0 $0x1  }
0x13: {  	[smem:$0x3FB5] =	sst s0;
	s0 =	simm.s32 @!p1 $0x0  }
0x14: {  	s2 =	sld [smem:$0x3F99];
	s0 =	simm.s32 @p1 $0x1  }
0x15: {  	[smem:$0x3FB6] =	sst s0;
	s0 =	simm.s32 @!p2 $0x0  }
0x16: {  	s3 =	sld [smem:$0x3FDB];
	s0 =	simm.s32 @p2 $0x1  }
0x17: {  	s4 =	simm.s32 $0x1BF5;
	[smem:$0x3FB8] =	sst s0  }
0x18: {  	s0 =	sld [smem:$0x3F9B];
	_ =	swait.ge [sflag:s4], $0x0  }
0x19: {  	s7 =	sld [smem:$0x3F9C]  }
0x1a: {  	s8 =	sadd.s32 $0xFFFFE003, lr  }
0x1b: {  	s9 =	sadd.s32 $0xFFFFFEF7, lr;
	s5 =	simm.s32 $0xFFFFFFFF;
	p2 =	slt.u32 s8, $0xFFFFF086  }
0x1c: {  	p1 =	slt.u32 s9, $0xF7A;
	s5 =	simm.s32 @!p2 $0x0  }
0x1d: {  	s5 =	simm.s32 @p1 $0x1;
	p0 =	seq.s32 s7, s2  }
0x1e: {  	s7 =	smul.u32 @!p0 $0xF7A, s2;
	p2 =	seq.s32 @!p0 s5, $0x0  }
0x1f: {  	s9 =	smul.u32 $0xF7A, s1;
	s8 =	simm.s32 @!p0 $0x1BF5;
	p2 =	por !p2, p0  }
0x20: {  	[sflag:s8] =	ssyncset.s32 @!p0 $0xFFFFF086;
	s6 =	sadd.s32 @!p0 s3, s7;
	s7 =	simm.s32 @!p0 $0x108  }
0x21: {  	s3 =	sadd.s32 s3, s9;
	s6 =	sadd.s32 @!p0 $0x88, s6;
	s7 =	simm.s32 @p2 $0x1082  }
0x22: {  	[simem:s7], [sflag:s8] =	dma.local @!p0 [hbm:s6], $0xF7A  }
0x23: {  	s9 =	sor.u32 $0xD0000000, s2;
	s6 =	simm.s32 $0x108;
	_ =	swait.ge @!p0 [sflag:s8], $0x0  }
0x24: {  	s3 =	sadd.s32 $0x88, s3;
	s6 =	simm.s32 @!p1 $0x1082;
	[sflag:s4] =	ssyncset.s32 $0xFFFFF086  }
0x25: {  	[simem:s6], [sflag:s4] =	dma.local [hbm:s3], $0xF7A  }
0x26: {  	[smem:$0x3F9C] =	sst s1;
	(tag) =	ssettag s2;
	_ =	strace s9  }
0x27: {  	s1 =	sld [smem:$0x3FAC]  }
0x28: {  	s2 =	sld [smem:$0x3FAD]  }
0x29: {  	s4 =	sld [smem:$0x3FAF]  }
0x2a: {  	p0 =	seq.s32 s5, $0x0;
	s5 =	sld [smem:$0x3FB0]  }
0x2b: {  	s6 =	sld [smem:$0x3FB1]  }
0x2c: {  	s7 =	sld [smem:$0x3FB2]  }
0x2d: {  	s3 =	simm.s32 $0x108;
	s8 =	sld [smem:$0x3FB3]  }
0x2e: {  	s3 =	simm.s32 @!p0 $0x1082;
	s9 =	sld [smem:$0x3FB4]  }
0x2f: {  	lr =	sadd.s32 s0, s3;
	s0 =	sld [smem:$0x3FAB]  }
0x30: {  	s3 =	sld [smem:$0x3FAE]  }
0x31: {  	[smem:$0x3FB7] =	sst s10  }
0x32: {  	s10 =	sld [smem:$0x3FB5];
	_ =	sdelay $0x3  }
0x33: {  	p0 =	seq.s32 s10, $0x1;
	s10 =	sld [smem:$0x3FB7];
	_ =	sdelay $0x3  }
0x34: {  	[smem:$0x3FB7] =	sst s10  }
0x35: {  	s10 =	sld [smem:$0x3FB6];
	_ =	sdelay $0x3  }
0x36: {  	p1 =	seq.s32 s10, $0x1;
	s10 =	sld [smem:$0x3FB7];
	_ =	sdelay $0x3  }
0x37: {  	[smem:$0x3FB7] =	sst s10  }
0x38: {  	s10 =	sld [smem:$0x3FB8]  }
0x39: {  	_ = 	snop;
	(pc) =	sbr.ind lr, $3  }
0x3a: {  	_ = 	snop  }
0x3b: {  	_ = 	snop  }
0x3c: {  	p2 =	seq.s32 s10, $0x1;
	s10 =	sld [smem:$0x3FB7]  }
0x3d: {  	_ =	shalt  }
0x3e: {  	_ =	shalt  }
0x3f: {  	_ =	shalt  }
0x40: {  	_ =	shalt  }
0x41: {  	_ =	shalt  }
0x42: {  	_ =	shalt  }
0x43: {  	_ =	shalt  }
0x44: {  	_ =	shalt  }
0x45: {  	_ =	shalt  }
0x46: {  	_ =	shalt  }
0x47: {  	_ =	shalt  }
0x48: {  	_ =	shalt  }
0x49: {  	_ =	shalt  }
0x4a: {  	_ =	shalt  }
0x4b: {  	_ =	shalt  }
0x4c: {  	_ =	shalt  }
0x4d: {  	_ =	shalt  }
0x4e: {  	_ =	shalt  }
0x4f: {  	_ =	shalt  }
0x50: {  	_ =	shalt  }
0x51: {  	_ =	shalt  }
0x52: {  	_ =	shalt  }
0x53: {  	_ =	shalt  }
0x54: {  	_ =	shalt  }
0x55: {  	_ =	shalt  }
0x56: {  	_ =	shalt  }
0x57: {  	_ =	shalt  }
0x58: {  	_ =	shalt  }
0x59: {  	_ =	shalt  }
0x5a: {  	_ =	shalt  }
0x5b: {  	_ =	shalt  }
0x5c: {  	_ =	shalt  }
0x5d: {  	_ =	shalt  }
0x5e: {  	_ =	shalt  }
0x5f: {  	_ =	shalt  }
0x60: {  	_ =	shalt  }
0x61: {  	_ =	shalt  }
0x62: {  	_ =	shalt  }
0x63: {  	_ =	shalt  }
0x64: {  	_ =	shalt  }
0x65: {  	_ =	shalt  }
0x66: {  	_ =	shalt  }
0x67: {  	_ =	shalt  }
0x68: {  	_ =	shalt  }
0x69: {  	_ =	shalt  }
0x6a: {  	_ =	shalt  }
0x6b: {  	_ =	shalt  }
0x6c: {  	_ =	shalt  }
0x6d: {  	_ =	shalt  }
0x6e: {  	_ =	shalt  }
0x6f: {  	_ =	shalt  }
0x70: {  	_ =	shalt  }
0x71: {  	_ =	shalt  }
0x72: {  	_ =	shalt  }
0x73: {  	_ =	shalt  }
0x74: {  	_ =	shalt  }
0x75: {  	_ =	shalt  }
0x76: {  	_ =	shalt  }
0x77: {  	_ =	shalt  }
0x78: {  	_ =	shalt  }
0x79: {  	_ =	shalt  }
0x7a: {  	_ =	shalt  }
0x7b: {  	_ =	shalt  }
0x7c: {  	_ =	shalt  }
0x7d: {  	_ =	shalt  }
0x7e: {  	_ =	shalt  }
0x7f: {  	_ =	shalt  }
0x80: {  	_ =	shalt  }
0x81: {  	_ =	shalt  }
0x82: {  	_ =	shalt  }
0x83: {  	_ =	shalt  }
0x84: {  	_ =	shalt  }
0x85: {  	_ =	shalt  }
0x86: {  	_ =	shalt  }
0x87: {  	_ =	shalt  }
.Lfunc_end0:
.L_simem_size_0:
called_computation.1_lowered:
.L_overlay_start_0:
0x88: {  	s2 =	sld [smem:$0x3FD9]  }
0x89: {  	s3 =	sld [smem:$0x3FFE];
	_ =	sdelay $0x1  }
0x8a: {  	s1 =	srdreg.scid  }
0x8b: {  	s0 =	sand.u32 $0x1, s1  }
0x8c: {  	s16 =	sshll.u32 s0, $0xA;
	s2 =	sadd.s32 s3, s2  }
0x8d: {  	s2 =	sadd.s32 s2, s16  }
0x8e: {  	[smem:$0x3FC3] =	sst s2  }
0x8f: {  	_ = 	snop  }
0x90: {  	(tm) =	ssettm $0x1  }
0x91: {  	s17 =	sld [smem:$0x3FFB];
	_ =	sdelay $0x3  }
0x92: {  	_ =	strace s17  }
0x93: {  	s2 =	sld [smem:$0x3FFC];
	_ =	sdelay $0x3  }
0x94: {  	_ =	strace s2  }
0x95: {  	s2 =	sld [smem:$0x3FFD];
	_ =	sdelay $0x3  }
0x96: {  	_ =	strace s2  }
0x97: {  	_ =	strace $0x8FFFFFFF  }
0x98: {  	s18 =	sld [smem:$0x3FDB];
	_ =	sdelay $0x1  }
0x99: {  	s19 =	simm.s32 $_scs_section_size  }
0x9a: {  	s4 =	simm.s32 $_size__tile_overlayer_lowered;
	s5 =	simm.s32 $_tile_overlayer_lowered  }
0x9b: {  	s22 =	simm.s32 $0x1BFF;
	s21 =	sshll.u32 s5, $0x1;
	s2 =	sadd.s32 s19, s18  }
0x9c: {  	s6 =	simm.s32 $0x0;
	s20 =	sshll.u32 s4, $0x1;
	s4 =	sadd.s32 s21, s2  }
0x9d: {  	[timem:s6], [sflag:s22] =	dma.local [hbm:s4], s20  }
0x9e: {  	_ =	swait.ge [sflag:s22], s20  }
0x9f: {  	s3 =	ssub.s32 $0x0, s20;
	[sflag:s22] =	ssyncset.done $0x0  }
0xa0: {  	[sflag:s22] =	ssyncadd.s32 s3;
	_ =	sdelay $0x1  }
0xa1: {  	s23 =	simm.s32 $0x1B8B  }
0xa2: {  	_ =	swait.ge [sflag:s23], $0x1  }
0xa3: {  	[sflag:s23] =	ssyncset.done $0x0  }
0xa4: {  	s25 =	simm.s32 $0x1B8E;
	s24 =	sld [smem:$0x3FFE];
	[sflag:s23] =	ssyncadd.s32 $0xFFFFFFFF  }
0xa5: {  	s26 =	simm.s32 $execute0_lowered;
	[smem:$0x3FD2] =	sst s25  }
0xa6: {  	s4 =	sshll.u32 s26, $0x1;
	_ =	strace $0x80000049;
	[dreg:$0x1] =	wrdreg $0xFFFFFFFF  }
0xa7: {  	s28 =	simm.s32 $_size_execute0_lowered;
	s2 =	sadd.s32 s2, s4;
	[dreg:$0x0] =	wrdreg $0x0  }
0xa8: {  	s4 =	sshll.u32 s28, $0x1;
	[dreg:$0x2] =	wrdreg s2  }
0xa9: {  	[dreg:$0x3] =	wrdreg s4  }
0xaa: {  	[dreg:$0x4] =	wrdreg $0xC0  }
0xab: {  	_ =	task [dreg:s6], $0x5FFFF  }
0xac: {  	[dreg:$0x1] =	wrdreg $0xFFFFFFFF  }
0xad: {  	[dreg:$0x0] =	wrdreg $0x60  }
0xae: {  	[dreg:$0x2] =	wrdreg s24  }
0xaf: {  	[dreg:$0x3] =	wrdreg $0x9  }
0xb0: {  	_ =	task.clear_ibuf [dreg:s6], $0x4FFFF;
	_ =	strace $0x90000049  }
0xb1: {  	s29 =	simm.s32 $0x9;
	_ =	strace $0x8000004B  }
0xb2: {  	_ =	swait.ge [sflag:s29], $0x1  }
0xb3: {  	[sflag:s29] =	ssyncadd.s32 $0xFFFFFFFF  }
0xb4: {  	_ =	strace $0x9000004B  }
0xb5: {  	_ =	sfence  }
0xb6: {  	s30 =	sld [smem:$0x0];
	_ =	sdelay $0x2  }
0xb7: {  	s31 =	sshll.u32 s1, $0xD;
	s1 =	sshrl.u32 s1, $0x2  }
0xb8: {  	s3 =	sand.u32 $0x4000, s31;
	s1 =	sadd.s32 s1, s30  }
0xb9: {  	s0 =	sor.u32 s3, s0;
	s1 =	sshll.u32 s1, $0x11  }
0xba: {  	s0 =	sor.u32 s1, s0  }
0xbb: {  	s0 =	sadd.s32 $0x8F2B, s0  }
0xbc: {  	[sflag:s0] =	ssyncadd.remote.s32 $0x1  }
0xbd: {  	_ =	sfence.sel $0xFFFF  }
0xbe: {  	[dreg:$0x0] =	wrdreg $0xFFFFFFFF;
	(pc) =	sbr.abs _section_cstart, $3  }
0xbf: {  	[dreg:$0x1] =	wrdreg $0xFFFFFFFF  }
0xc0: {  	_ =	task.clear_ibuf [dreg:s6], $0x2FFFF;
	_ =	strace $0x9FFFFFFF  }
0xc1: {  	(tm) =	ssettm $0x7FFFFFFF  }
tec
execute0_lowered:
.L_overlay_start_1:
0x0: {  	(tag) =	ssettag $0x1  }
0x1: {  	s0 =	rddreg [dreg:$0x0];
	s29 =	simm.s32 $0x0  }
0x2: {  	s1 =	srdreg.scid;
	s2 =	stileid.u32;
	s14 =	simm.s32 $0x5  }
0x3: {  	s16 =	simm.s32 $0xE0;
	[smem:$0x7FF] =	sst s29;
	s1 =	sand.u32 $0x1, s1  }
0x4: {  	s2 =	sshll.u32 s2, $0x1;
	s4 =	sadd.s32 $0x190C00, s0;
	s9 =	sadd.s32 $0x193E00, s0  }
0x5: {  	s6 =	sadd.s32 $0x197000, s0;
	s7 =	sadd.s32 $0xC00, s0;
	s8 =	sadd.s32 $0x997000, s0  }
0x6: {  	_ =	strace $0x8000004A;
	s2 =	sor.u32 s1, s2;
	s1 =	ssub.s32 $0x2, s1  }
0x7: {  	s23 =	smov.u32 s4;
	s5 =	smul.u32 $0xC40, s2;
	s24 =	sshrl.u32 s1, $0x1  }
0x8: {  	s25 =	ssub.s32 s1, s24;
	s24 =	smov.u32 s9;
	s1 =	simm.s32 $0x0  }
0x9: {  	s3 =	sshrl.u32 s5, $0x3;
	s30 =	sadd.s32 $0xE0, s5;
	[dreg:$0x2] =	wrdreg s5  }
0xa: {  	s31 =	sadd.s32 $0x1C0, s5;
	s0 =	smax.u32 s25, $0x1;
	[dreg:$0x5] =	wrdreg s30  }
0xb: {  	s5 =	simm.s32 $0x500;
	s25 =	simm.s32 $0x2;
	[dreg:$0x6] =	wrdreg s31  }
0xc: {  	s26 =	sadd.s32 s4, s3;
	s28 =	sadd.s32 s9, s3;
	[dreg:$0x7] =	wrdreg s0  }
0xd: {  	s3 =	simm.s32 $0x400;
	s4 =	simm.s32 $0x100;
	[dreg:$0x3] =	wrdreg s26  }
0xe: {  	v0 =	vimm.s32 $0x0;
	s9 =	simm.s32 $0x7600;
	[dreg:$0x4] =	wrdreg s28;
	s26 =	simm.s32 $0x4  }
.LBB2_1:
0xf: {  	[dreg:$0x8] =	wrdreg s1  }
0x10: {  	s0 =	rddreg [dreg:$0x3]  }
0x11: {  	[tilespmem:s29], [sflag:$0x5] =	stream.linear.gather [hbm4b:s0+s29], $0xE0, $0x38;
	[tilespmem:$0x1C600] =	vst v63  }
0x12: {  	_ =	swait.ge [sflag:s14], $0xE0  }
0x13: {  	[sflag:s14] =	ssyncset.done $0x0  }
0x14: {  	s31 =	rddreg [dreg:$0x4];
	[sflag:s14] =	ssyncadd.s32 $0xFFFFFF20  }
0x15: {  	[tilespmem:s3], [sflag:$0x5] =	stream.linear.gather [hbm4b:s31+s29], $0xE0, $0x38;
	[tilespmem:$0x1C600] =	vst v63  }
0x16: {  	_ =	swait.ge [sflag:s14], $0xE0  }
0x17: {  	[sflag:s14] =	ssyncset.done $0x0  }
0x18: {  	s0 =	simm.s32 $0x0;
	[sflag:s14] =	ssyncadd.s32 $0xFFFFFF20  }
0x19: {  	v1 =	vld [tilespmem:s0+$0x0];
	_ =	sdelay $0x4  }
0x1a: {  	vm0 =	vgt.s32 v1, $0x77FFF  }
0x1b: {  	v2 =	vadd.s32 $0xFFF88000, v1;
	v3 =	vsel vm0, $0xFFF88000, v0  }
0x1c: {  	vm15 =	vlt.u32 v2, $0x78000;
	v2 =	vadd.s32 v1, v3  }
0x1d: {  	s2 =	simm.s32 $0x10;
	s1 =	simm.s32 $0x80;
	v1 =	vsel vm15, $0x40, v0;
	[tilespmem:s0+$0x0] =	vst v2  }
.LBB2_2:
0x1e: {  	p0 =	sne.s32 s1, $0x340;
	v2 =	vld [tilespmem:s2+$0x0];
	[tilespmem:s0+$0x200] =	vst v1;
	s0 =	smov.u32 s2;
	_ =	sdelay $0x3  }
.Ltmp0:
0x1f: {  	(pc) =	sbr.rel @p0 .LBB2_2-.Ltmp0, $4  }
0x20: {  	vm0 =	vgt.s32 v2, $0x77FFF;
	v1 =	vadd.s32 $0xFFF88000, v2  }
0x21: {  	v3 =	vsel vm0, $0xFFF88000, v0;
	vm0 =	vlt.u32 v1, $0x78000  }
0x22: {  	v2 =	vadd.s32 v2, v3;
	v1 =	vsel vm0, $0x40, v0  }
0x23: {  	s2 =	sshra.s32 s1, $0x2;
	s1 =	sadd.s32 $0x40, s1;
	[tilespmem:s0+$0x0] =	vst v2  }
0x24: {  	v2 =	vld [tilespmem:s2+$0x0];
	_ =	sdelay $0x4  }
0x25: {  	vm0 =	vgt.s32 v2, $0x77FFF  }
0x26: {  	v3 =	vadd.s32 $0xFFF88000, v2;
	v4 =	vsel vm0, $0xFFF88000, v0  }
0x27: {  	[tilespmem:s0+$0x200] =	vst v1;
	vm15 =	vlt.u32 v3, $0x78000;
	v1 =	vadd.s32 v2, v4  }
0x28: {  	v2 =	vsel vm15, $0x40, v0;
	[tilespmem:s2+$0x0] =	vst v1  }
0x29: {  	s1 =	simm.s32 $0x0;
	s29 =	simm.s32 $0x600;
	[tilespmem:s2+$0x200] =	vst v2  }
0x2a: {  	[tilespmem:s29], [sflag:$0x1] =	stream.indirect.gather [hbm4b:s6+s16], $0x80, s1, s16, $0xb8;
	[tilespmem:$0x1C600] =	vst v63  }
0x2b: {  	s31 =	simm.s32 $0xE600;
	s30 =	simm.s32 $0x0  }
0x2c: {  	[tilespmem:s31], [sflag:$0x3] =	stream.indirect.gather [hbm4b:s7+s16], $0x80, s3, s16, $0xb8;
	[tilespmem:$0x1C600] =	vst v63  }
.LBB2_4:
0x2d: {  	s0 =	smul.u32 $0x1C0, s30  }
0x2e: {  	s1 =	rddreg [dreg:$0x5]  }
0x2f: {  	s31 =	sadd.s32 s0, s1  }
0x30: {  	s1 =	sshrl.u32 s31, $0x3  }
0x31: {  	s3 =	simm.s32 $0x0;
	s2 =	sadd.s32 s23, s1  }
0x32: {  	[tilespmem:s4], [sflag:$0x5] =	stream.linear.gather [hbm4b:s2+s3], $0xE0, $0x38;
	[tilespmem:$0x1C600] =	vst v63  }
0x33: {  	_ =	swait.ge [sflag:s14], $0xE0  }
0x34: {  	[sflag:s14] =	ssyncset.done $0x0  }
0x35: {  	s1 =	sadd.s32 s24, s1;
	[sflag:s14] =	ssyncadd.s32 $0xFFFFFF20  }
0x36: {  	[tilespmem:s5], [sflag:$0x5] =	stream.linear.gather [hbm4b:s1+s3], $0xE0, $0x38;
	[tilespmem:$0x1C600] =	vst v63  }
0x37: {  	_ =	swait.ge [sflag:s14], $0xE0  }
0x38: {  	[sflag:s14] =	ssyncset.done $0x0  }
0x39: {  	s1 =	simm.s32 $0x0;
	[sflag:s14] =	ssyncadd.s32 $0xFFFFFF20  }
0x3a: {  	v1 =	vld [tilespmem:s1+$0x100];
	_ =	sdelay $0x4  }
0x3b: {  	vm0 =	vgt.s32 v1, $0x77FFF  }
0x3c: {  	v2 =	vadd.s32 $0xFFF88000, v1;
	v3 =	vsel vm0, $0xFFF88000, v0  }
0x3d: {  	vm15 =	vlt.u32 v2, $0x78000;
	v2 =	vadd.s32 v1, v3  }
0x3e: {  	s2 =	simm.s32 $0x80;
	s3 =	simm.s32 $0x10;
	v1 =	vsel vm15, $0x40, v0;
	[tilespmem:s1+$0x100] =	vst v2  }
.LBB2_5:
0x3f: {  	p0 =	sne.s32 s2, $0x340;
	v2 =	vld [tilespmem:s3+$0x100];
	[tilespmem:s1+$0x300] =	vst v1;
	s1 =	smov.u32 s3;
	_ =	sdelay $0x3  }
.Ltmp1:
0x40: {  	(pc) =	sbr.rel @p0 .LBB2_5-.Ltmp1, $4  }
0x41: {  	vm0 =	vgt.s32 v2, $0x77FFF;
	v1 =	vadd.s32 $0xFFF88000, v2  }
0x42: {  	v3 =	vsel vm0, $0xFFF88000, v0;
	vm0 =	vlt.u32 v1, $0x78000  }
0x43: {  	v2 =	vadd.s32 v2, v3;
	v1 =	vsel vm0, $0x40, v0  }
0x44: {  	s3 =	sshra.s32 s2, $0x2;
	s2 =	sadd.s32 $0x40, s2;
	[tilespmem:s1+$0x100] =	vst v2  }
0x45: {  	v2 =	vld [tilespmem:s3+$0x100];
	_ =	sdelay $0x4  }
0x46: {  	vm0 =	vgt.s32 v2, $0x77FFF  }
0x47: {  	v3 =	vadd.s32 $0xFFF88000, v2;
	v4 =	vsel vm0, $0xFFF88000, v0  }
0x48: {  	[tilespmem:s1+$0x300] =	vst v1;
	vm15 =	vlt.u32 v3, $0x78000;
	v1 =	vadd.s32 v2, v4  }
0x49: {  	v2 =	vsel vm15, $0x40, v0;
	[tilespmem:s3+$0x100] =	vst v1  }
0x4a: {  	[tilespmem:s3+$0x300] =	vst v2  }
0x4b: {  	[tilespmem:s9], [sflag:$0x2] =	stream.indirect.gather [hbm4b:s6+s16], $0x80, s4, s16, $0xb8;
	[tilespmem:$0x1C600] =	vst v63  }
0x4c: {  	s4 =	simm.s32 $0x15600  }
0x4d: {  	[tilespmem:s4], [sflag:$0x4] =	stream.indirect.gather [hbm4b:s7+s16], $0x80, s5, s16, $0xb8;
	[tilespmem:$0x1C600] =	vst v63  }
0x4e: {  	s5 =	simm.s32 $0x1  }
0x4f: {  	_ =	swait.ge [sflag:s5], $0x7000  }
0x50: {  	[sflag:s5] =	ssyncset.done $0x0  }
0x51: {  	s9 =	simm.s32 $0x3;
	[sflag:s5] =	ssyncadd.s32 $0xFFFF9000  }
0x52: {  	_ =	swait.ge [sflag:s9], $0x7000  }
0x53: {  	[sflag:s9] =	ssyncset.done $0x0  }
0x54: {  	s1 =	simm.s32 $0x200;
	[sflag:s9] =	ssyncadd.s32 $0xFFFF9000  }
0x55: {  	v1 =	vld [tilespmem:s1+$0x0];
	_ =	sdelay $0x4  }
0x56: {  	(v2sf) =	vpush v1, $0x0;
	_ =	sdelay $0xe  }
0x57: {  	s2 =	spop (v2sf)  }
0x58: {  	(v2sf) =	vpush v1, $0x1;
	p0 =	seq.s32 s2, $0x0  }
0x59: {  	s2 =	simm.s32 @!p0 $0x0  }
0x5a: {  	v2 =	vld @!p0 [tilespmem:s2+$0x670]  }
0x5b: {  	v3 =	vld @!p0 [tilespmem:s2+$0x640]  }
0x5c: {  	v4 =	vld @!p0 [tilespmem:s2+$0x660]  }
0x5d: {  	v5 =	vld @!p0 [tilespmem:s2+$0x650];
	_ =	sdelay $0x1  }
0x5e: {  	[tilespmem:s2+$0x630] =	vst @!p0 v2  }
0x5f: {  	[tilespmem:s2+$0x600] =	vst @!p0 v3  }
0x60: {  	[tilespmem:s2+$0x620] =	vst @!p0 v4  }
0x61: {  	s9 =	simm.s32 $0x0;
	[tilespmem:s2+$0x610] =	vst @!p0 v5  }
0x62: {  	v2 =	vld [tilespmem:s9+$0xE600]  }
0x63: {  	v3 =	vld [tilespmem:s9+$0xE610];
	_ =	sdelay $0x2  }
0x64: {  	s10 =	spop (v2sf)  }
0x65: {  	(v2sf) =	vpush v1, $0x2;
	p0 =	seq.s32 s10, $0x0;
	[tilespmem:s9+$0x640] =	vst v2  }
0x66: {  	s2 =	simm.s32 @!p0 $0x0;
	[tilespmem:s9+$0x650] =	vst v3  }
0x67: {  	v2 =	vld @!p0 [tilespmem:s2+$0x6D0]  }
0x68: {  	v3 =	vld @!p0 [tilespmem:s2+$0x6C0]  }
0x69: {  	v4 =	vld @!p0 [tilespmem:s2+$0x6E0]  }
0x6a: {  	v5 =	vld @!p0 [tilespmem:s2+$0x6F0];
	_ =	sdelay $0x1  }
0x6b: {  	[tilespmem:s2+$0x690] =	vst @!p0 v2  }
0x6c: {  	[tilespmem:s2+$0x680] =	vst @!p0 v3  }
0x6d: {  	[tilespmem:s2+$0x6A0] =	vst @!p0 v4  }
0x6e: {  	[tilespmem:s2+$0x6B0] =	vst @!p0 v5  }
0x6f: {  	v2 =	vld [tilespmem:s9+$0xE680]  }
0x70: {  	v3 =	vld [tilespmem:s9+$0xE690];
	_ =	sdelay $0x2  }
0x71: {  	s11 =	spop (v2sf)  }
0x72: {  	(v2sf) =	vpush v1, $0x3;
	p0 =	seq.s32 s11, $0x0;
	[tilespmem:s9+$0x6C0] =	vst v2  }
0x73: {  	s2 =	simm.s32 @!p0 $0x0;
	[tilespmem:s9+$0x6D0] =	vst v3  }
0x74: {  	v2 =	vld @!p0 [tilespmem:s2+$0x740]  }
0x75: {  	v3 =	vld @!p0 [tilespmem:s2+$0x750]  }
0x76: {  	v4 =	vld @!p0 [tilespmem:s2+$0x760]  }
0x77: {  	v5 =	vld @!p0 [tilespmem:s2+$0x770];
	_ =	sdelay $0x1  }
0x78: {  	[tilespmem:s2+$0x700] =	vst @!p0 v2  }
0x79: {  	[tilespmem:s2+$0x710] =	vst @!p0 v3  }
0x7a: {  	[tilespmem:s2+$0x720] =	vst @!p0 v4  }
0x7b: {  	[tilespmem:s2+$0x730] =	vst @!p0 v5  }
0x7c: {  	v2 =	vld [tilespmem:s9+$0xE700]  }
0x7d: {  	v3 =	vld [tilespmem:s9+$0xE710];
	_ =	sdelay $0x2  }
0x7e: {  	s12 =	spop (v2sf)  }
0x7f: {  	(v2sf) =	vpush v1, $0x4;
	p0 =	seq.s32 s12, $0x0;
	[tilespmem:s9+$0x740] =	vst v2  }
0x80: {  	s2 =	simm.s32 @!p0 $0x0;
	[tilespmem:s9+$0x750] =	vst v3  }
0x81: {  	v2 =	vld @!p0 [tilespmem:s2+$0x7F0]  }
0x82: {  	v3 =	vld @!p0 [tilespmem:s2+$0x7E0]  }
0x83: {  	v4 =	vld @!p0 [tilespmem:s2+$0x7C0]  }
0x84: {  	v5 =	vld @!p0 [tilespmem:s2+$0x7D0];
	_ =	sdelay $0x1  }
0x85: {  	[tilespmem:s2+$0x7B0] =	vst @!p0 v2  }
0x86: {  	[tilespmem:s2+$0x7A0] =	vst @!p0 v3  }
0x87: {  	[tilespmem:s2+$0x780] =	vst @!p0 v4  }
0x88: {  	[tilespmem:s2+$0x790] =	vst @!p0 v5  }
0x89: {  	v2 =	vld [tilespmem:s9+$0xE780]  }
0x8a: {  	v3 =	vld [tilespmem:s9+$0xE790];
	_ =	sdelay $0x2  }
0x8b: {  	s13 =	spop (v2sf)  }
0x8c: {  	(v2sf) =	vpush v1, $0x5;
	p0 =	seq.s32 s13, $0x0;
	[tilespmem:s9+$0x7C0] =	vst v2  }
0x8d: {  	s2 =	simm.s32 @!p0 $0x0;
	[tilespmem:s9+$0x7D0] =	vst v3  }
0x8e: {  	v2 =	vld @!p0 [tilespmem:s2+$0x860]  }
0x8f: {  	v3 =	vld @!p0 [tilespmem:s2+$0x840]  }
0x90: {  	v4 =	vld @!p0 [tilespmem:s2+$0x870]  }
0x91: {  	v5 =	vld @!p0 [tilespmem:s2+$0x850];
	_ =	sdelay $0x1  }
0x92: {  	[tilespmem:s2+$0x820] =	vst @!p0 v2  }
0x93: {  	[tilespmem:s2+$0x800] =	vst @!p0 v3  }
0x94: {  	[tilespmem:s2+$0x830] =	vst @!p0 v4  }
0x95: {  	[tilespmem:s2+$0x810] =	vst @!p0 v5  }
0x96: {  	v2 =	vld [tilespmem:s9+$0xE800]  }
0x97: {  	v3 =	vld [tilespmem:s9+$0xE810];
	_ =	sdelay $0x2  }
0x98: {  	s15 =	spop (v2sf)  }
0x99: {  	(v2sf) =	vpush v1, $0x6;
	p0 =	seq.s32 s15, $0x0;
	[tilespmem:s9+$0x840] =	vst v2  }
0x9a: {  	s2 =	simm.s32 @!p0 $0x0;
	[tilespmem:s9+$0x850] =	vst v3  }
0x9b: {  	v2 =	vld @!p0 [tilespmem:s2+$0x8F0]  }
0x9c: {  	v3 =	vld @!p0 [tilespmem:s2+$0x8C0]  }
0x9d: {  	v4 =	vld @!p0 [tilespmem:s2+$0x8D0]  }
0x9e: {  	v5 =	vld @!p0 [tilespmem:s2+$0x8E0];
	_ =	sdelay $0x1  }
0x9f: {  	[tilespmem:s2+$0x8B0] =	vst @!p0 v2  }
0xa0: {  	[tilespmem:s2+$0x880] =	vst @!p0 v3  }
0xa1: {  	[tilespmem:s2+$0x890] =	vst @!p0 v4  }
0xa2: {  	[tilespmem:s2+$0x8A0] =	vst @!p0 v5  }
0xa3: {  	v2 =	vld [tilespmem:s9+$0xE880]  }
0xa4: {  	v3 =	vld [tilespmem:s9+$0xE890];
	_ =	sdelay $0x2  }
0xa5: {  	s17 =	spop (v2sf)  }
0xa6: {  	(v2sf) =	vpush v1, $0x7;
	p0 =	seq.s32 s17, $0x0;
	[tilespmem:s9+$0x8C0] =	vst v2  }
0xa7: {  	s2 =	simm.s32 @!p0 $0x0;
	[tilespmem:s9+$0x8D0] =	vst v3  }
0xa8: {  	v2 =	vld @!p0 [tilespmem:s2+$0x940]  }
0xa9: {  	v3 =	vld @!p0 [tilespmem:s2+$0x950]  }
0xaa: {  	v4 =	vld @!p0 [tilespmem:s2+$0x960]  }
0xab: {  	v5 =	vld @!p0 [tilespmem:s2+$0x970];
	_ =	sdelay $0x1  }
0xac: {  	[tilespmem:s2+$0x900] =	vst @!p0 v2  }
0xad: {  	[tilespmem:s2+$0x910] =	vst @!p0 v3  }
0xae: {  	[tilespmem:s2+$0x920] =	vst @!p0 v4  }
0xaf: {  	[tilespmem:s2+$0x930] =	vst @!p0 v5  }
0xb0: {  	v2 =	vld [tilespmem:s9+$0xE900]  }
0xb1: {  	v3 =	vld [tilespmem:s9+$0xE910];
	_ =	sdelay $0x2  }
0xb2: {  	s18 =	spop (v2sf)  }
0xb3: {  	(v2sf) =	vpush v1, $0x8;
	p0 =	seq.s32 s18, $0x0;
	[tilespmem:s9+$0x940] =	vst v2  }
0xb4: {  	s2 =	simm.s32 @!p0 $0x0;
	[tilespmem:s9+$0x950] =	vst v3  }
0xb5: {  	v2 =	vld @!p0 [tilespmem:s2+$0x9F0]  }
0xb6: {  	v3 =	vld @!p0 [tilespmem:s2+$0x9E0]  }
0xb7: {  	v4 =	vld @!p0 [tilespmem:s2+$0x9C0]  }
0xb8: {  	v5 =	vld @!p0 [tilespmem:s2+$0x9D0];
	_ =	sdelay $0x1  }
0xb9: {  	[tilespmem:s2+$0x9B0] =	vst @!p0 v2  }
0xba: {  	[tilespmem:s2+$0x9A0] =	vst @!p0 v3  }
0xbb: {  	[tilespmem:s2+$0x980] =	vst @!p0 v4  }
0xbc: {  	[tilespmem:s2+$0x990] =	vst @!p0 v5  }
0xbd: {  	v2 =	vld [tilespmem:s9+$0xE980]  }
0xbe: {  	v3 =	vld [tilespmem:s9+$0xE990];
	_ =	sdelay $0x2  }
0xbf: {  	s19 =	spop (v2sf)  }
0xc0: {  	(v2sf) =	vpush v1, $0x9;
	p0 =	seq.s32 s19, $0x0;
	[tilespmem:s9+$0x9C0] =	vst v2  }
0xc1: {  	s2 =	simm.s32 @!p0 $0x0;
	[tilespmem:s9+$0x9D0] =	vst v3  }
0xc2: {  	v2 =	vld @!p0 [tilespmem:s2+$0xA40]  }
0xc3: {  	v3 =	vld @!p0 [tilespmem:s2+$0xA70]  }
0xc4: {  	v4 =	vld @!p0 [tilespmem:s2+$0xA50]  }
0xc5: {  	v5 =	vld @!p0 [tilespmem:s2+$0xA60];
	_ =	sdelay $0x1  }
0xc6: {  	[tilespmem:s2+$0xA00] =	vst @!p0 v2  }
0xc7: {  	[tilespmem:s2+$0xA30] =	vst @!p0 v3  }
0xc8: {  	[tilespmem:s2+$0xA10] =	vst @!p0 v4  }
0xc9: {  	[tilespmem:s2+$0xA20] =	vst @!p0 v5  }
0xca: {  	v2 =	vld [tilespmem:s9+$0xEA00]  }
0xcb: {  	v3 =	vld [tilespmem:s9+$0xEA10];
	_ =	sdelay $0x2  }
0xcc: {  	s20 =	spop (v2sf)  }
0xcd: {  	(v2sf) =	vpush v1, $0xA;
	p0 =	seq.s32 s20, $0x0;
	[tilespmem:s9+$0xA40] =	vst v2  }
0xce: {  	s2 =	simm.s32 @!p0 $0x0;
	[tilespmem:s9+$0xA50] =	vst v3  }
0xcf: {  	v2 =	vld @!p0 [tilespmem:s2+$0xAF0]  }
0xd0: {  	v3 =	vld @!p0 [tilespmem:s2+$0xAC0]  }
0xd1: {  	v4 =	vld @!p0 [tilespmem:s2+$0xAD0]  }
0xd2: {  	v5 =	vld @!p0 [tilespmem:s2+$0xAE0];
	_ =	sdelay $0x1  }
0xd3: {  	[tilespmem:s2+$0xAB0] =	vst @!p0 v2  }
0xd4: {  	[tilespmem:s2+$0xA80] =	vst @!p0 v3  }
0xd5: {  	[tilespmem:s2+$0xA90] =	vst @!p0 v4  }
0xd6: {  	[tilespmem:s2+$0xAA0] =	vst @!p0 v5  }
0xd7: {  	v2 =	vld [tilespmem:s9+$0xEA80]  }
0xd8: {  	v3 =	vld [tilespmem:s9+$0xEA90];
	_ =	sdelay $0x2  }
0xd9: {  	s21 =	spop (v2sf)  }
0xda: {  	(v2sf) =	vpush v1, $0xB;
	p0 =	seq.s32 s21, $0x0;
	[tilespmem:s9+$0xAC0] =	vst v2  }
0xdb: {  	s2 =	simm.s32 @!p0 $0x0;
	[tilespmem:s9+$0xAD0] =	vst v3  }
0xdc: {  	v2 =	vld @!p0 [tilespmem:s2+$0xB70]  }
0xdd: {  	v3 =	vld @!p0 [tilespmem:s2+$0xB40]  }
0xde: {  	v4 =	vld @!p0 [tilespmem:s2+$0xB50]  }
0xdf: {  	v5 =	vld @!p0 [tilespmem:s2+$0xB60];
	_ =	sdelay $0x1  }
0xe0: {  	[tilespmem:s2+$0xB30] =	vst @!p0 v2  }
0xe1: {  	[tilespmem:s2+$0xB00] =	vst @!p0 v3  }
0xe2: {  	[tilespmem:s2+$0xB10] =	vst @!p0 v4  }
0xe3: {  	[tilespmem:s2+$0xB20] =	vst @!p0 v5  }
0xe4: {  	v2 =	vld [tilespmem:s9+$0xEB00]  }
0xe5: {  	v3 =	vld [tilespmem:s9+$0xEB10];
	_ =	sdelay $0x1  }
0xe6: {  	(v2sf) =	vpush v1, $0xC  }
0xe7: {  	(v2sf) =	vpush v1, $0xD;
	s22 =	spop (v2sf)  }
0xe8: {  	(v2sf) =	vpush v1, $0xE;
	p0 =	seq.s32 s22, $0x0;
	[tilespmem:s9+$0xB40] =	vst v2  }
0xe9: {  	(v2sf) =	vpush v1, $0xF;
	s2 =	simm.s32 @!p0 $0x0;
	[tilespmem:s9+$0xB50] =	vst v3  }
0xea: {  	v1 =	vld @!p0 [tilespmem:s2+$0xBE0]  }
0xeb: {  	v2 =	vld @!p0 [tilespmem:s2+$0xBF0]  }
0xec: {  	v3 =	vld @!p0 [tilespmem:s2+$0xBC0]  }
0xed: {  	v4 =	vld @!p0 [tilespmem:s2+$0xBD0];
	_ =	sdelay $0x1  }
0xee: {  	[tilespmem:s2+$0xBA0] =	vst @!p0 v1  }
0xef: {  	[tilespmem:s2+$0xBB0] =	vst @!p0 v2  }
0xf0: {  	[tilespmem:s2+$0xB80] =	vst @!p0 v3  }
0xf1: {  	[tilespmem:s2+$0xB90] =	vst @!p0 v4  }
0xf2: {  	v2 =	vld [tilespmem:s9+$0xEB80];
	_ =	sdelay $0x1  }
0xf3: {  	s29 =	spop (v2sf);
	v1 =	vld [tilespmem:s9+$0xEB90]  }
0xf4: {  	s12 =	spop (v2sf)  }
0xf5: {  	s10 =	simm.s32 $0x0;
	s18 =	spop (v2sf)  }
0xf6: {  	s13 =	simm.s32 $0x2000;
	p1 =	seq.s32 s29, $0x0;
	s28 =	spop (v2sf);
	[tilespmem:s9+$0xBC0] =	vst v2  }
.LBB2_7:
0xf7: {  	s3 =	sshra.s32 @!p1 s10, $0x2  }
0xf8: {  	[tilespmem:s9+$0xBD0] =	vst v1;
	s1 =	sadd.s32 $0x10, s1;
	s2 =	smov.u32 s13;
	s13 =	sadd.s32 $0x2000, s13  }
0xf9: {  	p0 =	sne.s32 s13, $0x1C000;
	v1 =	vld @!p1 [tilespmem:s3+$0xC50]  }
0xfa: {  	v2 =	vld @!p1 [tilespmem:s3+$0xC70]  }
0xfb: {  	v3 =	vld @!p1 [tilespmem:s3+$0xC60]  }
0xfc: {  	v4 =	vld @!p1 [tilespmem:s3+$0xC40];
	_ =	sdelay $0x1  }
0xfd: {  	[tilespmem:s3+$0xC10] =	vst @!p1 v1  }
0xfe: {  	[tilespmem:s3+$0xC30] =	vst @!p1 v2  }
0xff: {  	[tilespmem:s3+$0xC20] =	vst @!p1 v3  }
0x100: {  	[tilespmem:s3+$0xC00] =	vst @!p1 v4  }
0x101: {  	v1 =	vld [tilespmem:s9+$0xEC00]  }
0x102: {  	v2 =	vld [tilespmem:s9+$0xEC10];
	_ =	sdelay $0x3  }
0x103: {  	p1 =	seq.s32 s12, $0x0;
	[tilespmem:s9+$0xC40] =	vst v1  }
0x104: {  	s3 =	sshra.s32 @!p1 s10, $0x2;
	[tilespmem:s9+$0xC50] =	vst v2  }
0x105: {  	v1 =	vld @!p1 [tilespmem:s3+$0xCD0]  }
0x106: {  	v2 =	vld @!p1 [tilespmem:s3+$0xCC0]  }
0x107: {  	v3 =	vld @!p1 [tilespmem:s3+$0xCF0];
	_ =	sdelay $0x2  }
0x108: {  	[tilespmem:s3+$0xC90] =	vst @!p1 v1  }
0x109: {  	[tilespmem:s3+$0xC80] =	vst @!p1 v2;
	v1 =	vld @!p1 [tilespmem:s3+$0xCE0]  }
0x10a: {  	[tilespmem:s3+$0xCB0] =	vst @!p1 v3;
	_ =	sdelay $0x3  }
0x10b: {  	[tilespmem:s3+$0xCA0] =	vst @!p1 v1  }
0x10c: {  	v1 =	vld [tilespmem:s9+$0xEC80]  }
0x10d: {  	v2 =	vld [tilespmem:s9+$0xEC90];
	_ =	sdelay $0x3  }
0x10e: {  	p1 =	seq.s32 s18, $0x0;
	[tilespmem:s9+$0xCC0] =	vst v1  }
0x10f: {  	s3 =	sshra.s32 @!p1 s10, $0x2;
	[tilespmem:s9+$0xCD0] =	vst v2  }
0x110: {  	v1 =	vld @!p1 [tilespmem:s3+$0xD70]  }
0x111: {  	v2 =	vld @!p1 [tilespmem:s3+$0xD50]  }
0x112: {  	v3 =	vld @!p1 [tilespmem:s3+$0xD40]  }
0x113: {  	v4 =	vld @!p1 [tilespmem:s3+$0xD60];
	_ =	sdelay $0x1  }
0x114: {  	[tilespmem:s3+$0xD30] =	vst @!p1 v1  }
0x115: {  	[tilespmem:s3+$0xD10] =	vst @!p1 v2  }
0x116: {  	[tilespmem:s3+$0xD00] =	vst @!p1 v3  }
0x117: {  	[tilespmem:s3+$0xD20] =	vst @!p1 v4  }
0x118: {  	v1 =	vld [tilespmem:s9+$0xED00]  }
0x119: {  	v2 =	vld [tilespmem:s9+$0xED10];
	_ =	sdelay $0x3  }
0x11a: {  	p1 =	seq.s32 s28, $0x0;
	[tilespmem:s9+$0xD40] =	vst v1  }
0x11b: {  	s3 =	sshra.s32 @!p1 s10, $0x2;
	s10 =	smov.u32 s2;
	[tilespmem:s9+$0xD50] =	vst v2  }
0x11c: {  	v1 =	vld @!p1 [tilespmem:s3+$0xDC0]  }
0x11d: {  	v2 =	vld @!p1 [tilespmem:s3+$0xDE0]  }
0x11e: {  	v3 =	vld @!p1 [tilespmem:s3+$0xDF0]  }
0x11f: {  	v4 =	vld @!p1 [tilespmem:s3+$0xDD0];
	_ =	sdelay $0x1  }
0x120: {  	[tilespmem:s3+$0xD80] =	vst @!p1 v1  }
0x121: {  	[tilespmem:s3+$0xDA0] =	vst @!p1 v2  }
0x122: {  	[tilespmem:s3+$0xDB0] =	vst @!p1 v3  }
0x123: {  	[tilespmem:s3+$0xD90] =	vst @!p1 v4  }
0x124: {  	v1 =	vld [tilespmem:s9+$0xED80]  }
0x125: {  	v2 =	vld [tilespmem:s9+$0xED90];
	_ =	sdelay $0x3  }
0x126: {  	[tilespmem:s9+$0xDC0] =	vst v1  }
0x127: {  	[tilespmem:s9+$0xDD0] =	vst v2  }
0x128: {  	v1 =	vld [tilespmem:s1+$0x0];
	_ =	sdelay $0x4  }
0x129: {  	(v2sf) =	vpush v1, $0x0  }
0x12a: {  	(v2sf) =	vpush v1, $0x1  }
0x12b: {  	(v2sf) =	vpush v1, $0x2  }
0x12c: {  	(v2sf) =	vpush v1, $0x3  }
0x12d: {  	(v2sf) =	vpush v1, $0x4  }
0x12e: {  	(v2sf) =	vpush v1, $0x5  }
0x12f: {  	(v2sf) =	vpush v1, $0x6  }
0x130: {  	(v2sf) =	vpush v1, $0x7  }
0x131: {  	(v2sf) =	vpush v1, $0x8  }
0x132: {  	(v2sf) =	vpush v1, $0x9  }
0x133: {  	(v2sf) =	vpush v1, $0xA  }
0x134: {  	(v2sf) =	vpush v1, $0xB  }
0x135: {  	(v2sf) =	vpush v1, $0xC  }
0x136: {  	(v2sf) =	vpush v1, $0xD  }
0x137: {  	(v2sf) =	vpush v1, $0xE  }
0x138: {  	s2 =	spop (v2sf);
	(v2sf) =	vpush v1, $0xF  }
0x139: {  	p1 =	seq.s32 s2, $0x0;
	s5 =	spop (v2sf)  }
0x13a: {  	s9 =	sshra.s32 @!p1 s10, $0x2;
	s3 =	spop (v2sf)  }
0x13b: {  	v1 =	vld @!p1 [tilespmem:s9+$0x670];
	s2 =	spop (v2sf)  }
0x13c: {  	v2 =	vld @!p1 [tilespmem:s9+$0x640];
	s29 =	spop (v2sf)  }
0x13d: {  	v3 =	vld @!p1 [tilespmem:s9+$0x660];
	s21 =	spop (v2sf)  }
0x13e: {  	v4 =	vld @!p1 [tilespmem:s9+$0x650];
	s20 =	spop (v2sf)  }
0x13f: {  	s19 =	spop (v2sf)  }
0x140: {  	[tilespmem:s9+$0x630] =	vst @!p1 v1;
	s11 =	spop (v2sf)  }
0x141: {  	[tilespmem:s9+$0x600] =	vst @!p1 v2;
	s4 =	spop (v2sf)  }
0x142: {  	[tilespmem:s9+$0x620] =	vst @!p1 v3;
	s17 =	spop (v2sf)  }
0x143: {  	[tilespmem:s9+$0x610] =	vst @!p1 v4;
	s9 =	sshra.s32 s10, $0x2;
	s15 =	spop (v2sf)  }
0x144: {  	v1 =	vld [tilespmem:s9+$0xE600];
	s22 =	spop (v2sf)  }
0x145: {  	v2 =	vld [tilespmem:s9+$0xE610];
	s12 =	spop (v2sf)  }
0x146: {  	s18 =	spop (v2sf)  }
0x147: {  	s28 =	spop (v2sf);
	_ =	sdelay $0x1  }
0x148: {  	p1 =	seq.s32 s5, $0x0;
	[tilespmem:s9+$0x640] =	vst v1  }
0x149: {  	s5 =	sshra.s32 @!p1 s10, $0x2;
	[tilespmem:s9+$0x650] =	vst v2  }
0x14a: {  	v1 =	vld @!p1 [tilespmem:s5+$0x6D0]  }
0x14b: {  	v2 =	vld @!p1 [tilespmem:s5+$0x6C0]  }
0x14c: {  	v3 =	vld @!p1 [tilespmem:s5+$0x6E0]  }
0x14d: {  	v4 =	vld @!p1 [tilespmem:s5+$0x6F0];
	_ =	sdelay $0x1  }
0x14e: {  	[tilespmem:s5+$0x690] =	vst @!p1 v1  }
0x14f: {  	[tilespmem:s5+$0x680] =	vst @!p1 v2  }
0x150: {  	[tilespmem:s5+$0x6A0] =	vst @!p1 v3  }
0x151: {  	[tilespmem:s5+$0x6B0] =	vst @!p1 v4  }
0x152: {  	v1 =	vld [tilespmem:s9+$0xE680]  }
0x153: {  	v2 =	vld [tilespmem:s9+$0xE690];
	_ =	sdelay $0x3  }
0x154: {  	p1 =	seq.s32 s3, $0x0;
	[tilespmem:s9+$0x6C0] =	vst v1  }
0x155: {  	s3 =	sshra.s32 @!p1 s10, $0x2;
	[tilespmem:s9+$0x6D0] =	vst v2  }
0x156: {  	v1 =	vld @!p1 [tilespmem:s3+$0x740]  }
0x157: {  	v2 =	vld @!p1 [tilespmem:s3+$0x750]  }
0x158: {  	v3 =	vld @!p1 [tilespmem:s3+$0x760]  }
0x159: {  	v4 =	vld @!p1 [tilespmem:s3+$0x770];
	_ =	sdelay $0x1  }
0x15a: {  	[tilespmem:s3+$0x700] =	vst @!p1 v1  }
0x15b: {  	[tilespmem:s3+$0x710] =	vst @!p1 v2  }
0x15c: {  	[tilespmem:s3+$0x720] =	vst @!p1 v3  }
0x15d: {  	[tilespmem:s3+$0x730] =	vst @!p1 v4  }
0x15e: {  	v1 =	vld [tilespmem:s9+$0xE700]  }
0x15f: {  	v2 =	vld [tilespmem:s9+$0xE710];
	_ =	sdelay $0x3  }
0x160: {  	p1 =	seq.s32 s2, $0x0;
	[tilespmem:s9+$0x740] =	vst v1  }
0x161: {  	s2 =	sshra.s32 @!p1 s10, $0x2;
	[tilespmem:s9+$0x750] =	vst v2  }
0x162: {  	v1 =	vld @!p1 [tilespmem:s2+$0x7F0]  }
0x163: {  	v2 =	vld @!p1 [tilespmem:s2+$0x7E0]  }
0x164: {  	v3 =	vld @!p1 [tilespmem:s2+$0x7C0]  }
0x165: {  	v4 =	vld @!p1 [tilespmem:s2+$0x7D0];
	_ =	sdelay $0x1  }
0x166: {  	[tilespmem:s2+$0x7B0] =	vst @!p1 v1  }
0x167: {  	[tilespmem:s2+$0x7A0] =	vst @!p1 v2  }
0x168: {  	[tilespmem:s2+$0x780] =	vst @!p1 v3  }
0x169: {  	[tilespmem:s2+$0x790] =	vst @!p1 v4  }
0x16a: {  	v1 =	vld [tilespmem:s9+$0xE780]  }
0x16b: {  	v2 =	vld [tilespmem:s9+$0xE790];
	_ =	sdelay $0x3  }
0x16c: {  	p1 =	seq.s32 s29, $0x0;
	[tilespmem:s9+$0x7C0] =	vst v1  }
0x16d: {  	s2 =	sshra.s32 @!p1 s10, $0x2;
	[tilespmem:s9+$0x7D0] =	vst v2  }
0x16e: {  	v1 =	vld @!p1 [tilespmem:s2+$0x860]  }
0x16f: {  	v2 =	vld @!p1 [tilespmem:s2+$0x840]  }
0x170: {  	v3 =	vld @!p1 [tilespmem:s2+$0x870]  }
0x171: {  	v4 =	vld @!p1 [tilespmem:s2+$0x850];
	_ =	sdelay $0x1  }
0x172: {  	[tilespmem:s2+$0x820] =	vst @!p1 v1  }
0x173: {  	[tilespmem:s2+$0x800] =	vst @!p1 v2  }
0x174: {  	[tilespmem:s2+$0x830] =	vst @!p1 v3  }
0x175: {  	[tilespmem:s2+$0x810] =	vst @!p1 v4  }
0x176: {  	v1 =	vld [tilespmem:s9+$0xE800]  }
0x177: {  	v2 =	vld [tilespmem:s9+$0xE810];
	_ =	sdelay $0x3  }
0x178: {  	p1 =	seq.s32 s21, $0x0;
	[tilespmem:s9+$0x840] =	vst v1  }
0x179: {  	s2 =	sshra.s32 @!p1 s10, $0x2;
	[tilespmem:s9+$0x850] =	vst v2  }
0x17a: {  	v1 =	vld @!p1 [tilespmem:s2+$0x8F0]  }
0x17b: {  	v2 =	vld @!p1 [tilespmem:s2+$0x8C0]  }
0x17c: {  	v3 =	vld @!p1 [tilespmem:s2+$0x8D0]  }
0x17d: {  	v4 =	vld @!p1 [tilespmem:s2+$0x8E0];
	_ =	sdelay $0x1  }
0x17e: {  	[tilespmem:s2+$0x8B0] =	vst @!p1 v1  }
0x17f: {  	[tilespmem:s2+$0x880] =	vst @!p1 v2  }
0x180: {  	[tilespmem:s2+$0x890] =	vst @!p1 v3  }
0x181: {  	[tilespmem:s2+$0x8A0] =	vst @!p1 v4  }
0x182: {  	v1 =	vld [tilespmem:s9+$0xE880]  }
0x183: {  	v2 =	vld [tilespmem:s9+$0xE890];
	_ =	sdelay $0x3  }
0x184: {  	p1 =	seq.s32 s20, $0x0;
	[tilespmem:s9+$0x8C0] =	vst v1  }
0x185: {  	s2 =	sshra.s32 @!p1 s10, $0x2;
	[tilespmem:s9+$0x8D0] =	vst v2  }
0x186: {  	v1 =	vld @!p1 [tilespmem:s2+$0x940]  }
0x187: {  	v2 =	vld @!p1 [tilespmem:s2+$0x950]  }
0x188: {  	v3 =	vld @!p1 [tilespmem:s2+$0x960]  }
0x189: {  	v4 =	vld @!p1 [tilespmem:s2+$0x970];
	_ =	sdelay $0x1  }
0x18a: {  	[tilespmem:s2+$0x900] =	vst @!p1 v1  }
0x18b: {  	[tilespmem:s2+$0x910] =	vst @!p1 v2  }
0x18c: {  	[tilespmem:s2+$0x920] =	vst @!p1 v3  }
0x18d: {  	[tilespmem:s2+$0x930] =	vst @!p1 v4  }
0x18e: {  	v1 =	vld [tilespmem:s9+$0xE900]  }
0x18f: {  	v2 =	vld [tilespmem:s9+$0xE910];
	_ =	sdelay $0x3  }
0x190: {  	p1 =	seq.s32 s19, $0x0;
	[tilespmem:s9+$0x940] =	vst v1  }
0x191: {  	s2 =	sshra.s32 @!p1 s10, $0x2;
	[tilespmem:s9+$0x950] =	vst v2  }
0x192: {  	v1 =	vld @!p1 [tilespmem:s2+$0x9F0]  }
0x193: {  	v2 =	vld @!p1 [tilespmem:s2+$0x9E0]  }
0x194: {  	v3 =	vld @!p1 [tilespmem:s2+$0x9C0]  }
0x195: {  	v4 =	vld @!p1 [tilespmem:s2+$0x9D0];
	_ =	sdelay $0x1  }
0x196: {  	[tilespmem:s2+$0x9B0] =	vst @!p1 v1  }
0x197: {  	[tilespmem:s2+$0x9A0] =	vst @!p1 v2  }
0x198: {  	[tilespmem:s2+$0x980] =	vst @!p1 v3  }
0x199: {  	[tilespmem:s2+$0x990] =	vst @!p1 v4  }
0x19a: {  	v1 =	vld [tilespmem:s9+$0xE980]  }
0x19b: {  	v2 =	vld [tilespmem:s9+$0xE990];
	_ =	sdelay $0x3  }
0x19c: {  	p1 =	seq.s32 s11, $0x0;
	[tilespmem:s9+$0x9C0] =	vst v1  }
0x19d: {  	s2 =	sshra.s32 @!p1 s10, $0x2;
	[tilespmem:s9+$0x9D0] =	vst v2  }
0x19e: {  	v1 =	vld @!p1 [tilespmem:s2+$0xA40]  }
0x19f: {  	v2 =	vld @!p1 [tilespmem:s2+$0xA70]  }
0x1a0: {  	v3 =	vld @!p1 [tilespmem:s2+$0xA50]  }
0x1a1: {  	v4 =	vld @!p1 [tilespmem:s2+$0xA60];
	_ =	sdelay $0x1  }
0x1a2: {  	[tilespmem:s2+$0xA00] =	vst @!p1 v1  }
0x1a3: {  	[tilespmem:s2+$0xA30] =	vst @!p1 v2  }
0x1a4: {  	[tilespmem:s2+$0xA10] =	vst @!p1 v3  }
0x1a5: {  	[tilespmem:s2+$0xA20] =	vst @!p1 v4  }
0x1a6: {  	v1 =	vld [tilespmem:s9+$0xEA00]  }
0x1a7: {  	v2 =	vld [tilespmem:s9+$0xEA10];
	_ =	sdelay $0x3  }
0x1a8: {  	p1 =	seq.s32 s4, $0x0;
	[tilespmem:s9+$0xA40] =	vst v1  }
0x1a9: {  	s2 =	sshra.s32 @!p1 s10, $0x2;
	[tilespmem:s9+$0xA50] =	vst v2  }
0x1aa: {  	v1 =	vld @!p1 [tilespmem:s2+$0xAF0]  }
0x1ab: {  	v2 =	vld @!p1 [tilespmem:s2+$0xAC0]  }
0x1ac: {  	v3 =	vld @!p1 [tilespmem:s2+$0xAD0]  }
0x1ad: {  	v4 =	vld @!p1 [tilespmem:s2+$0xAE0];
	_ =	sdelay $0x1  }
0x1ae: {  	[tilespmem:s2+$0xAB0] =	vst @!p1 v1  }
0x1af: {  	[tilespmem:s2+$0xA80] =	vst @!p1 v2  }
0x1b0: {  	[tilespmem:s2+$0xA90] =	vst @!p1 v3  }
0x1b1: {  	[tilespmem:s2+$0xAA0] =	vst @!p1 v4  }
0x1b2: {  	v1 =	vld [tilespmem:s9+$0xEA80]  }
0x1b3: {  	v2 =	vld [tilespmem:s9+$0xEA90];
	_ =	sdelay $0x3  }
0x1b4: {  	p1 =	seq.s32 s17, $0x0;
	[tilespmem:s9+$0xAC0] =	vst v1  }
0x1b5: {  	s2 =	sshra.s32 @!p1 s10, $0x2;
	[tilespmem:s9+$0xAD0] =	vst v2  }
0x1b6: {  	v1 =	vld @!p1 [tilespmem:s2+$0xB70]  }
0x1b7: {  	v2 =	vld @!p1 [tilespmem:s2+$0xB40]  }
0x1b8: {  	v3 =	vld @!p1 [tilespmem:s2+$0xB50]  }
0x1b9: {  	v4 =	vld @!p1 [tilespmem:s2+$0xB60];
	_ =	sdelay $0x1  }
0x1ba: {  	[tilespmem:s2+$0xB30] =	vst @!p1 v1  }
0x1bb: {  	[tilespmem:s2+$0xB00] =	vst @!p1 v2  }
0x1bc: {  	[tilespmem:s2+$0xB10] =	vst @!p1 v3  }
0x1bd: {  	[tilespmem:s2+$0xB20] =	vst @!p1 v4  }
0x1be: {  	v1 =	vld [tilespmem:s9+$0xEB00]  }
0x1bf: {  	v2 =	vld [tilespmem:s9+$0xEB10];
	_ =	sdelay $0x3  }
0x1c0: {  	p1 =	seq.s32 s15, $0x0;
	[tilespmem:s9+$0xB40] =	vst v1  }
0x1c1: {  	s2 =	sshra.s32 @!p1 s10, $0x2;
	[tilespmem:s9+$0xB50] =	vst v2  }
0x1c2: {  	v1 =	vld @!p1 [tilespmem:s2+$0xBE0]  }
0x1c3: {  	v2 =	vld @!p1 [tilespmem:s2+$0xBF0]  }
0x1c4: {  	v3 =	vld @!p1 [tilespmem:s2+$0xBC0]  }
0x1c5: {  	v4 =	vld @!p1 [tilespmem:s2+$0xBD0];
	_ =	sdelay $0x1  }
0x1c6: {  	[tilespmem:s2+$0xBA0] =	vst @!p1 v1  }
0x1c7: {  	[tilespmem:s2+$0xBB0] =	vst @!p1 v2  }
0x1c8: {  	[tilespmem:s2+$0xB80] =	vst @!p1 v3  }
0x1c9: {  	[tilespmem:s2+$0xB90] =	vst @!p1 v4  }
0x1ca: {  	v2 =	vld [tilespmem:s9+$0xEB80]  }
.Ltmp2:
0x1cb: {  	v1 =	vld [tilespmem:s9+$0xEB90];
	(pc) =	sbr.rel @p0 .LBB2_7-.Ltmp2, $2  }
0x1cc: {  	_ =	sdelay $0x2  }
0x1cd: {  	p1 =	seq.s32 s22, $0x0;
	[tilespmem:s9+$0xBC0] =	vst v2  }
0x1ce: {  	[tilespmem:s9+$0xBD0] =	vst v1;
	s1 =	sshra.s32 @!p1 s10, $0x2  }
0x1cf: {  	v1 =	vld @!p1 [tilespmem:s1+$0xC50]  }
0x1d0: {  	v2 =	vld @!p1 [tilespmem:s1+$0xC70]  }
0x1d1: {  	v3 =	vld @!p1 [tilespmem:s1+$0xC60]  }
0x1d2: {  	v4 =	vld @!p1 [tilespmem:s1+$0xC40];
	_ =	sdelay $0x1  }
0x1d3: {  	[tilespmem:s1+$0xC10] =	vst @!p1 v1  }
0x1d4: {  	[tilespmem:s1+$0xC30] =	vst @!p1 v2  }
0x1d5: {  	[tilespmem:s1+$0xC20] =	vst @!p1 v3  }
0x1d6: {  	[tilespmem:s1+$0xC00] =	vst @!p1 v4  }
0x1d7: {  	v1 =	vld [tilespmem:s9+$0xEC00]  }
0x1d8: {  	v2 =	vld [tilespmem:s9+$0xEC10];
	_ =	sdelay $0x3  }
0x1d9: {  	p0 =	seq.s32 s12, $0x0;
	[tilespmem:s9+$0xC40] =	vst v1  }
0x1da: {  	s1 =	sshra.s32 @!p0 s10, $0x2;
	[tilespmem:s9+$0xC50] =	vst v2  }
0x1db: {  	v1 =	vld @!p0 [tilespmem:s1+$0xCD0]  }
0x1dc: {  	v2 =	vld @!p0 [tilespmem:s1+$0xCC0]  }
0x1dd: {  	v3 =	vld @!p0 [tilespmem:s1+$0xCF0]  }
0x1de: {  	v4 =	vld @!p0 [tilespmem:s1+$0xCE0];
	_ =	sdelay $0x1  }
0x1df: {  	[tilespmem:s1+$0xC90] =	vst @!p0 v1  }
0x1e0: {  	[tilespmem:s1+$0xC80] =	vst @!p0 v2  }
0x1e1: {  	[tilespmem:s1+$0xCB0] =	vst @!p0 v3  }
0x1e2: {  	[tilespmem:s1+$0xCA0] =	vst @!p0 v4  }
0x1e3: {  	v1 =	vld [tilespmem:s9+$0xEC80]  }
0x1e4: {  	v2 =	vld [tilespmem:s9+$0xEC90];
	_ =	sdelay $0x3  }
0x1e5: {  	p0 =	seq.s32 s18, $0x0;
	[tilespmem:s9+$0xCC0] =	vst v1  }
0x1e6: {  	s1 =	sshra.s32 @!p0 s10, $0x2;
	[tilespmem:s9+$0xCD0] =	vst v2  }
0x1e7: {  	v1 =	vld @!p0 [tilespmem:s1+$0xD70]  }
0x1e8: {  	v2 =	vld @!p0 [tilespmem:s1+$0xD50]  }
0x1e9: {  	v3 =	vld @!p0 [tilespmem:s1+$0xD40]  }
0x1ea: {  	v4 =	vld @!p0 [tilespmem:s1+$0xD60];
	_ =	sdelay $0x1  }
0x1eb: {  	[tilespmem:s1+$0xD30] =	vst @!p0 v1  }
0x1ec: {  	[tilespmem:s1+$0xD10] =	vst @!p0 v2  }
0x1ed: {  	[tilespmem:s1+$0xD00] =	vst @!p0 v3  }
0x1ee: {  	[tilespmem:s1+$0xD20] =	vst @!p0 v4  }
0x1ef: {  	v1 =	vld [tilespmem:s9+$0xED00]  }
0x1f0: {  	v2 =	vld [tilespmem:s9+$0xED10];
	_ =	sdelay $0x3  }
0x1f1: {  	p0 =	seq.s32 s28, $0x0;
	[tilespmem:s9+$0xD40] =	vst v1  }
0x1f2: {  	s1 =	sshra.s32 @!p0 s10, $0x2;
	[tilespmem:s9+$0xD50] =	vst v2  }
0x1f3: {  	v1 =	vld @!p0 [tilespmem:s1+$0xDC0]  }
0x1f4: {  	v2 =	vld @!p0 [tilespmem:s1+$0xDE0]  }
0x1f5: {  	v3 =	vld @!p0 [tilespmem:s1+$0xDF0]  }
0x1f6: {  	v4 =	vld @!p0 [tilespmem:s1+$0xDD0];
	_ =	sdelay $0x1  }
0x1f7: {  	[tilespmem:s1+$0xD80] =	vst @!p0 v1  }
0x1f8: {  	[tilespmem:s1+$0xDA0] =	vst @!p0 v2  }
0x1f9: {  	[tilespmem:s1+$0xDB0] =	vst @!p0 v3  }
0x1fa: {  	[tilespmem:s1+$0xD90] =	vst @!p0 v4  }
0x1fb: {  	v1 =	vld [tilespmem:s9+$0xED80]  }
0x1fc: {  	v2 =	vld [tilespmem:s9+$0xED90];
	_ =	sdelay $0x1  }
0x1fd: {  	s28 =	rddreg [dreg:$0x2]  }
0x1fe: {  	s1 =	sadd.s32 s28, s0  }
0x1ff: {  	s29 =	simm.s32 $0x0;
	p0 =	seq.s32 s30, $0x6;
	s1 =	sshll.u32 s1, $0x4;
	[tilespmem:s9+$0xDC0] =	vst v1  }
.Ltmp3:
0x200: {  	s2 =	simm.s32 $0x600;
	s1 =	sadd.s32 s8, s1;
	[tilespmem:s9+$0xDD0] =	vst v2;
	(pc) =	sbr.rel @p0 .LBB2_12-.Ltmp3, $4  }
0x201: {  	[hbm4b:s1+s29] =	stream.linear.scatter [tilespmem:s2], [sflag:$0x5], $0x7000, $0x38;
	[tilespmem:$0x1C600] =	vst v63  }
0x202: {  	_ =	swait.ge [sflag:s14], $0x7000  }
0x203: {  	[sflag:s14] =	ssyncset.done $0x0  }
0x204: {  	[sflag:s14] =	ssyncadd.s32 $0xFFFF9000  }
0x205: {  	s1 =	rddreg [dreg:$0x6]  }
0x206: {  	s0 =	sadd.s32 s0, s1  }
0x207: {  	s0 =	sshrl.u32 s0, $0x3  }
0x208: {  	s2 =	simm.s32 $0x0;
	s28 =	sadd.s32 s23, s0  }
0x209: {  	[tilespmem:s2], [sflag:$0x5] =	stream.linear.gather [hbm4b:s28+s2], $0xE0, $0x38;
	[tilespmem:$0x1C600] =	vst v63  }
0x20a: {  	_ =	swait.ge [sflag:s14], $0xE0  }
0x20b: {  	[sflag:s14] =	ssyncset.done $0x0  }
0x20c: {  	s3 =	simm.s32 $0x400;
	s0 =	sadd.s32 s24, s0;
	[sflag:s14] =	ssyncadd.s32 $0xFFFFFF20  }
0x20d: {  	[tilespmem:s3], [sflag:$0x5] =	stream.linear.gather [hbm4b:s0+s2], $0xE0, $0x38;
	[tilespmem:$0x1C600] =	vst v63  }
0x20e: {  	_ =	swait.ge [sflag:s14], $0xE0  }
0x20f: {  	[sflag:s14] =	ssyncset.done $0x0  }
0x210: {  	s0 =	simm.s32 $0x0;
	[sflag:s14] =	ssyncadd.s32 $0xFFFFFF20  }
0x211: {  	v1 =	vld [tilespmem:s0+$0x0];
	_ =	sdelay $0x4  }
0x212: {  	vm0 =	vgt.s32 v1, $0x77FFF  }
0x213: {  	v2 =	vadd.s32 $0xFFF88000, v1;
	v3 =	vsel vm0, $0xFFF88000, v0  }
0x214: {  	vm15 =	vlt.u32 v2, $0x78000;
	v2 =	vadd.s32 v1, v3  }
0x215: {  	s1 =	simm.s32 $0x80;
	s2 =	simm.s32 $0x10;
	v1 =	vsel vm15, $0x40, v0;
	[tilespmem:s0+$0x0] =	vst v2  }
.LBB2_10:
0x216: {  	p0 =	sne.s32 s1, $0x340;
	v2 =	vld [tilespmem:s2+$0x0];
	[tilespmem:s0+$0x200] =	vst v1;
	s0 =	smov.u32 s2;
	_ =	sdelay $0x3  }
.Ltmp4:
0x217: {  	(pc) =	sbr.rel @p0 .LBB2_10-.Ltmp4, $4  }
0x218: {  	vm0 =	vgt.s32 v2, $0x77FFF;
	v1 =	vadd.s32 $0xFFF88000, v2  }
0x219: {  	v3 =	vsel vm0, $0xFFF88000, v0;
	vm0 =	vlt.u32 v1, $0x78000  }
0x21a: {  	v2 =	vadd.s32 v2, v3;
	v1 =	vsel vm0, $0x40, v0  }
0x21b: {  	s2 =	sshra.s32 s1, $0x2;
	s1 =	sadd.s32 $0x40, s1;
	[tilespmem:s0+$0x0] =	vst v2  }
0x21c: {  	v2 =	vld [tilespmem:s2+$0x0];
	_ =	sdelay $0x4  }
0x21d: {  	vm0 =	vgt.s32 v2, $0x77FFF  }
0x21e: {  	v3 =	vadd.s32 $0xFFF88000, v2;
	v4 =	vsel vm0, $0xFFF88000, v0  }
0x21f: {  	[tilespmem:s0+$0x200] =	vst v1;
	vm15 =	vlt.u32 v3, $0x78000;
	v1 =	vadd.s32 v2, v4  }
0x220: {  	v2 =	vsel vm15, $0x40, v0;
	[tilespmem:s2+$0x0] =	vst v1  }
0x221: {  	s22 =	simm.s32 $0x600;
	[tilespmem:s2+$0x200] =	vst v2  }
0x222: {  	[tilespmem:s22], [sflag:$0x1] =	stream.indirect.gather [hbm4b:s6+s16], $0x80, s29, s16, $0xb8;
	[tilespmem:$0x1C600] =	vst v63  }
0x223: {  	s28 =	simm.s32 $0xE600  }
0x224: {  	[tilespmem:s28], [sflag:$0x3] =	stream.indirect.gather [hbm4b:s7+s16], $0x80, s3, s16, $0xb8;
	[tilespmem:$0x1C600] =	vst v63  }
.LBB2_12:
0x225: {  	_ =	swait.ge [sflag:s25], $0x7000  }
0x226: {  	[sflag:s25] =	ssyncset.done $0x0  }
0x227: {  	[sflag:s25] =	ssyncadd.s32 $0xFFFF9000  }
0x228: {  	_ =	swait.ge [sflag:s26], $0x7000  }
0x229: {  	[sflag:s26] =	ssyncset.done $0x0  }
0x22a: {  	s0 =	simm.s32 $0x300;
	[sflag:s26] =	ssyncadd.s32 $0xFFFF9000  }
0x22b: {  	v1 =	vld [tilespmem:s0+$0x0];
	_ =	sdelay $0x4  }
0x22c: {  	(v2sf) =	vpush v1, $0x0;
	_ =	sdelay $0xe  }
0x22d: {  	s1 =	spop (v2sf)  }
0x22e: {  	(v2sf) =	vpush v1, $0x1;
	p0 =	seq.s32 s1, $0x0  }
0x22f: {  	s1 =	simm.s32 @!p0 $0x0  }
0x230: {  	v2 =	vld @!p0 [tilespmem:s1+$0x7670]  }
0x231: {  	v3 =	vld @!p0 [tilespmem:s1+$0x7640]  }
0x232: {  	v4 =	vld @!p0 [tilespmem:s1+$0x7660]  }
0x233: {  	v5 =	vld @!p0 [tilespmem:s1+$0x7650];
	_ =	sdelay $0x1  }
0x234: {  	[tilespmem:s1+$0x7630] =	vst @!p0 v2  }
0x235: {  	[tilespmem:s1+$0x7600] =	vst @!p0 v3  }
0x236: {  	[tilespmem:s1+$0x7620] =	vst @!p0 v4  }
0x237: {  	[tilespmem:s1+$0x7610] =	vst @!p0 v5;
	s1 =	simm.s32 $0x0  }
0x238: {  	v2 =	vld [tilespmem:s1+$0x15600]  }
0x239: {  	v3 =	vld [tilespmem:s1+$0x15610];
	_ =	sdelay $0x2  }
0x23a: {  	s2 =	spop (v2sf)  }
0x23b: {  	(v2sf) =	vpush v1, $0x2;
	p0 =	seq.s32 s2, $0x0;
	[tilespmem:s1+$0x7640] =	vst v2  }
0x23c: {  	s2 =	simm.s32 @!p0 $0x0;
	[tilespmem:s1+$0x7650] =	vst v3  }
0x23d: {  	v2 =	vld @!p0 [tilespmem:s2+$0x76D0]  }
0x23e: {  	v3 =	vld @!p0 [tilespmem:s2+$0x76C0]  }
0x23f: {  	v4 =	vld @!p0 [tilespmem:s2+$0x76E0]  }
0x240: {  	v5 =	vld @!p0 [tilespmem:s2+$0x76F0];
	_ =	sdelay $0x1  }
0x241: {  	[tilespmem:s2+$0x7690] =	vst @!p0 v2  }
0x242: {  	[tilespmem:s2+$0x7680] =	vst @!p0 v3  }
0x243: {  	[tilespmem:s2+$0x76A0] =	vst @!p0 v4  }
0x244: {  	[tilespmem:s2+$0x76B0] =	vst @!p0 v5  }
0x245: {  	v2 =	vld [tilespmem:s1+$0x15680]  }
0x246: {  	v3 =	vld [tilespmem:s1+$0x15690];
	_ =	sdelay $0x2  }
0x247: {  	s11 =	spop (v2sf)  }
0x248: {  	(v2sf) =	vpush v1, $0x3;
	p0 =	seq.s32 s11, $0x0;
	[tilespmem:s1+$0x76C0] =	vst v2  }
0x249: {  	s2 =	simm.s32 @!p0 $0x0;
	[tilespmem:s1+$0x76D0] =	vst v3  }
0x24a: {  	v2 =	vld @!p0 [tilespmem:s2+$0x7740]  }
0x24b: {  	v3 =	vld @!p0 [tilespmem:s2+$0x7750]  }
0x24c: {  	v4 =	vld @!p0 [tilespmem:s2+$0x7760]  }
0x24d: {  	v5 =	vld @!p0 [tilespmem:s2+$0x7770];
	_ =	sdelay $0x1  }
0x24e: {  	[tilespmem:s2+$0x7700] =	vst @!p0 v2  }
0x24f: {  	[tilespmem:s2+$0x7710] =	vst @!p0 v3  }
0x250: {  	[tilespmem:s2+$0x7720] =	vst @!p0 v4  }
0x251: {  	[tilespmem:s2+$0x7730] =	vst @!p0 v5  }
0x252: {  	v2 =	vld [tilespmem:s1+$0x15700]  }
0x253: {  	v3 =	vld [tilespmem:s1+$0x15710];
	_ =	sdelay $0x2  }
0x254: {  	s12 =	spop (v2sf)  }
0x255: {  	(v2sf) =	vpush v1, $0x4;
	p0 =	seq.s32 s12, $0x0;
	[tilespmem:s1+$0x7740] =	vst v2  }
0x256: {  	s2 =	simm.s32 @!p0 $0x0;
	[tilespmem:s1+$0x7750] =	vst v3  }
0x257: {  	v2 =	vld @!p0 [tilespmem:s2+$0x77F0]  }
0x258: {  	v3 =	vld @!p0 [tilespmem:s2+$0x77E0]  }
0x259: {  	v4 =	vld @!p0 [tilespmem:s2+$0x77C0]  }
0x25a: {  	v5 =	vld @!p0 [tilespmem:s2+$0x77D0];
	_ =	sdelay $0x1  }
0x25b: {  	[tilespmem:s2+$0x77B0] =	vst @!p0 v2  }
0x25c: {  	[tilespmem:s2+$0x77A0] =	vst @!p0 v3  }
0x25d: {  	[tilespmem:s2+$0x7780] =	vst @!p0 v4  }
0x25e: {  	[tilespmem:s2+$0x7790] =	vst @!p0 v5  }
0x25f: {  	v2 =	vld [tilespmem:s1+$0x15780]  }
0x260: {  	v3 =	vld [tilespmem:s1+$0x15790];
	_ =	sdelay $0x2  }
0x261: {  	s13 =	spop (v2sf)  }
0x262: {  	(v2sf) =	vpush v1, $0x5;
	p0 =	seq.s32 s13, $0x0;
	[tilespmem:s1+$0x77C0] =	vst v2  }
0x263: {  	s2 =	simm.s32 @!p0 $0x0;
	[tilespmem:s1+$0x77D0] =	vst v3  }
0x264: {  	v2 =	vld @!p0 [tilespmem:s2+$0x7860]  }
0x265: {  	v3 =	vld @!p0 [tilespmem:s2+$0x7840]  }
0x266: {  	v4 =	vld @!p0 [tilespmem:s2+$0x7870]  }
0x267: {  	v5 =	vld @!p0 [tilespmem:s2+$0x7850];
	_ =	sdelay $0x1  }
0x268: {  	[tilespmem:s2+$0x7820] =	vst @!p0 v2  }
0x269: {  	[tilespmem:s2+$0x7800] =	vst @!p0 v3  }
0x26a: {  	[tilespmem:s2+$0x7830] =	vst @!p0 v4  }
0x26b: {  	[tilespmem:s2+$0x7810] =	vst @!p0 v5  }
0x26c: {  	v2 =	vld [tilespmem:s1+$0x15800]  }
0x26d: {  	v3 =	vld [tilespmem:s1+$0x15810];
	_ =	sdelay $0x2  }
0x26e: {  	s15 =	spop (v2sf)  }
0x26f: {  	(v2sf) =	vpush v1, $0x6;
	p0 =	seq.s32 s15, $0x0;
	[tilespmem:s1+$0x7840] =	vst v2  }
0x270: {  	s2 =	simm.s32 @!p0 $0x0;
	[tilespmem:s1+$0x7850] =	vst v3  }
0x271: {  	v2 =	vld @!p0 [tilespmem:s2+$0x78F0]  }
0x272: {  	v3 =	vld @!p0 [tilespmem:s2+$0x78C0]  }
0x273: {  	v4 =	vld @!p0 [tilespmem:s2+$0x78D0]  }
0x274: {  	v5 =	vld @!p0 [tilespmem:s2+$0x78E0];
	_ =	sdelay $0x1  }
0x275: {  	[tilespmem:s2+$0x78B0] =	vst @!p0 v2  }
0x276: {  	[tilespmem:s2+$0x7880] =	vst @!p0 v3  }
0x277: {  	[tilespmem:s2+$0x7890] =	vst @!p0 v4  }
0x278: {  	[tilespmem:s2+$0x78A0] =	vst @!p0 v5  }
0x279: {  	v2 =	vld [tilespmem:s1+$0x15880]  }
0x27a: {  	v3 =	vld [tilespmem:s1+$0x15890];
	_ =	sdelay $0x2  }
0x27b: {  	s17 =	spop (v2sf)  }
0x27c: {  	(v2sf) =	vpush v1, $0x7;
	p0 =	seq.s32 s17, $0x0;
	[tilespmem:s1+$0x78C0] =	vst v2  }
0x27d: {  	s2 =	simm.s32 @!p0 $0x0;
	[tilespmem:s1+$0x78D0] =	vst v3  }
0x27e: {  	v2 =	vld @!p0 [tilespmem:s2+$0x7940]  }
0x27f: {  	v3 =	vld @!p0 [tilespmem:s2+$0x7950]  }
0x280: {  	v4 =	vld @!p0 [tilespmem:s2+$0x7960]  }
0x281: {  	v5 =	vld @!p0 [tilespmem:s2+$0x7970];
	_ =	sdelay $0x1  }
0x282: {  	[tilespmem:s2+$0x7900] =	vst @!p0 v2  }
0x283: {  	[tilespmem:s2+$0x7910] =	vst @!p0 v3  }
0x284: {  	[tilespmem:s2+$0x7920] =	vst @!p0 v4  }
0x285: {  	[tilespmem:s2+$0x7930] =	vst @!p0 v5  }
0x286: {  	v2 =	vld [tilespmem:s1+$0x15900]  }
0x287: {  	v3 =	vld [tilespmem:s1+$0x15910];
	_ =	sdelay $0x2  }
0x288: {  	s18 =	spop (v2sf)  }
0x289: {  	(v2sf) =	vpush v1, $0x8;
	p0 =	seq.s32 s18, $0x0;
	[tilespmem:s1+$0x7940] =	vst v2  }
0x28a: {  	s2 =	simm.s32 @!p0 $0x0;
	[tilespmem:s1+$0x7950] =	vst v3  }
0x28b: {  	v2 =	vld @!p0 [tilespmem:s2+$0x79F0]  }
0x28c: {  	v3 =	vld @!p0 [tilespmem:s2+$0x79E0]  }
0x28d: {  	v4 =	vld @!p0 [tilespmem:s2+$0x79C0]  }
0x28e: {  	v5 =	vld @!p0 [tilespmem:s2+$0x79D0];
	_ =	sdelay $0x1  }
0x28f: {  	[tilespmem:s2+$0x79B0] =	vst @!p0 v2  }
0x290: {  	[tilespmem:s2+$0x79A0] =	vst @!p0 v3  }
0x291: {  	[tilespmem:s2+$0x7980] =	vst @!p0 v4  }
0x292: {  	[tilespmem:s2+$0x7990] =	vst @!p0 v5  }
0x293: {  	v2 =	vld [tilespmem:s1+$0x15980]  }
0x294: {  	v3 =	vld [tilespmem:s1+$0x15990];
	_ =	sdelay $0x2  }
0x295: {  	s19 =	spop (v2sf)  }
0x296: {  	(v2sf) =	vpush v1, $0x9;
	p0 =	seq.s32 s19, $0x0;
	[tilespmem:s1+$0x79C0] =	vst v2  }
0x297: {  	s2 =	simm.s32 @!p0 $0x0;
	[tilespmem:s1+$0x79D0] =	vst v3  }
0x298: {  	v2 =	vld @!p0 [tilespmem:s2+$0x7A40]  }
0x299: {  	v3 =	vld @!p0 [tilespmem:s2+$0x7A70]  }
0x29a: {  	v4 =	vld @!p0 [tilespmem:s2+$0x7A50]  }
0x29b: {  	v5 =	vld @!p0 [tilespmem:s2+$0x7A60];
	_ =	sdelay $0x1  }
0x29c: {  	[tilespmem:s2+$0x7A00] =	vst @!p0 v2  }
0x29d: {  	[tilespmem:s2+$0x7A30] =	vst @!p0 v3  }
0x29e: {  	[tilespmem:s2+$0x7A10] =	vst @!p0 v4  }
0x29f: {  	[tilespmem:s2+$0x7A20] =	vst @!p0 v5  }
0x2a0: {  	v2 =	vld [tilespmem:s1+$0x15A00]  }
0x2a1: {  	v3 =	vld [tilespmem:s1+$0x15A10];
	_ =	sdelay $0x2  }
0x2a2: {  	s20 =	spop (v2sf)  }
0x2a3: {  	(v2sf) =	vpush v1, $0xA;
	p0 =	seq.s32 s20, $0x0;
	[tilespmem:s1+$0x7A40] =	vst v2  }
0x2a4: {  	s2 =	simm.s32 @!p0 $0x0;
	[tilespmem:s1+$0x7A50] =	vst v3  }
0x2a5: {  	v2 =	vld @!p0 [tilespmem:s2+$0x7AF0]  }
0x2a6: {  	v3 =	vld @!p0 [tilespmem:s2+$0x7AC0]  }
0x2a7: {  	v4 =	vld @!p0 [tilespmem:s2+$0x7AD0]  }
0x2a8: {  	v5 =	vld @!p0 [tilespmem:s2+$0x7AE0];
	_ =	sdelay $0x1  }
0x2a9: {  	[tilespmem:s2+$0x7AB0] =	vst @!p0 v2  }
0x2aa: {  	[tilespmem:s2+$0x7A80] =	vst @!p0 v3  }
0x2ab: {  	[tilespmem:s2+$0x7A90] =	vst @!p0 v4  }
0x2ac: {  	[tilespmem:s2+$0x7AA0] =	vst @!p0 v5  }
0x2ad: {  	v2 =	vld [tilespmem:s1+$0x15A80]  }
0x2ae: {  	v3 =	vld [tilespmem:s1+$0x15A90];
	_ =	sdelay $0x2  }
0x2af: {  	s21 =	spop (v2sf)  }
0x2b0: {  	(v2sf) =	vpush v1, $0xB;
	p0 =	seq.s32 s21, $0x0;
	[tilespmem:s1+$0x7AC0] =	vst v2  }
0x2b1: {  	s2 =	simm.s32 @!p0 $0x0;
	[tilespmem:s1+$0x7AD0] =	vst v3  }
0x2b2: {  	v2 =	vld @!p0 [tilespmem:s2+$0x7B70]  }
0x2b3: {  	v3 =	vld @!p0 [tilespmem:s2+$0x7B40]  }
0x2b4: {  	v4 =	vld @!p0 [tilespmem:s2+$0x7B50]  }
0x2b5: {  	v5 =	vld @!p0 [tilespmem:s2+$0x7B60];
	_ =	sdelay $0x1  }
0x2b6: {  	[tilespmem:s2+$0x7B30] =	vst @!p0 v2  }
0x2b7: {  	[tilespmem:s2+$0x7B00] =	vst @!p0 v3  }
0x2b8: {  	[tilespmem:s2+$0x7B10] =	vst @!p0 v4  }
0x2b9: {  	[tilespmem:s2+$0x7B20] =	vst @!p0 v5  }
0x2ba: {  	v2 =	vld [tilespmem:s1+$0x15B00]  }
0x2bb: {  	v3 =	vld [tilespmem:s1+$0x15B10];
	_ =	sdelay $0x1  }
0x2bc: {  	(v2sf) =	vpush v1, $0xC  }
0x2bd: {  	(v2sf) =	vpush v1, $0xD;
	s22 =	spop (v2sf)  }
0x2be: {  	(v2sf) =	vpush v1, $0xE;
	p0 =	seq.s32 s22, $0x0;
	[tilespmem:s1+$0x7B40] =	vst v2  }
0x2bf: {  	(v2sf) =	vpush v1, $0xF;
	s2 =	simm.s32 @!p0 $0x0;
	[tilespmem:s1+$0x7B50] =	vst v3  }
0x2c0: {  	v1 =	vld @!p0 [tilespmem:s2+$0x7BE0]  }
0x2c1: {  	v2 =	vld @!p0 [tilespmem:s2+$0x7BF0]  }
0x2c2: {  	v3 =	vld @!p0 [tilespmem:s2+$0x7BC0]  }
0x2c3: {  	v4 =	vld @!p0 [tilespmem:s2+$0x7BD0];
	_ =	sdelay $0x1  }
0x2c4: {  	[tilespmem:s2+$0x7BA0] =	vst @!p0 v1  }
0x2c5: {  	[tilespmem:s2+$0x7BB0] =	vst @!p0 v2  }
0x2c6: {  	[tilespmem:s2+$0x7B80] =	vst @!p0 v3  }
0x2c7: {  	[tilespmem:s2+$0x7B90] =	vst @!p0 v4  }
0x2c8: {  	v2 =	vld [tilespmem:s1+$0x15B80];
	_ =	sdelay $0x1  }
0x2c9: {  	s28 =	spop (v2sf);
	v1 =	vld [tilespmem:s1+$0x15B90]  }
0x2ca: {  	s12 =	spop (v2sf)  }
0x2cb: {  	s9 =	simm.s32 $0x0;
	s18 =	spop (v2sf)  }
0x2cc: {  	s10 =	simm.s32 $0x2000;
	p1 =	seq.s32 s28, $0x0;
	s13 =	spop (v2sf);
	[tilespmem:s1+$0x7BC0] =	vst v2  }
.LBB2_13:
0x2cd: {  	s3 =	sshra.s32 @!p1 s9, $0x2  }
0x2ce: {  	[tilespmem:s1+$0x7BD0] =	vst v1;
	s0 =	sadd.s32 $0x10, s0;
	s2 =	smov.u32 s10;
	s10 =	sadd.s32 $0x2000, s10  }
0x2cf: {  	p0 =	sne.s32 s10, $0x1C000;
	v1 =	vld @!p1 [tilespmem:s3+$0x7C50]  }
0x2d0: {  	v2 =	vld @!p1 [tilespmem:s3+$0x7C70]  }
0x2d1: {  	v3 =	vld @!p1 [tilespmem:s3+$0x7C60]  }
0x2d2: {  	v4 =	vld @!p1 [tilespmem:s3+$0x7C40];
	_ =	sdelay $0x1  }
0x2d3: {  	[tilespmem:s3+$0x7C10] =	vst @!p1 v1  }
0x2d4: {  	[tilespmem:s3+$0x7C30] =	vst @!p1 v2  }
0x2d5: {  	[tilespmem:s3+$0x7C20] =	vst @!p1 v3  }
0x2d6: {  	[tilespmem:s3+$0x7C00] =	vst @!p1 v4  }
0x2d7: {  	v1 =	vld [tilespmem:s1+$0x15C00]  }
0x2d8: {  	v2 =	vld [tilespmem:s1+$0x15C10];
	_ =	sdelay $0x3  }
0x2d9: {  	p1 =	seq.s32 s12, $0x0;
	[tilespmem:s1+$0x7C40] =	vst v1  }
0x2da: {  	s3 =	sshra.s32 @!p1 s9, $0x2;
	[tilespmem:s1+$0x7C50] =	vst v2  }
0x2db: {  	v1 =	vld @!p1 [tilespmem:s3+$0x7CD0]  }
0x2dc: {  	v2 =	vld @!p1 [tilespmem:s3+$0x7CC0]  }
0x2dd: {  	v3 =	vld @!p1 [tilespmem:s3+$0x7CF0];
	_ =	sdelay $0x2  }
0x2de: {  	[tilespmem:s3+$0x7C90] =	vst @!p1 v1  }
0x2df: {  	[tilespmem:s3+$0x7C80] =	vst @!p1 v2;
	v1 =	vld @!p1 [tilespmem:s3+$0x7CE0]  }
0x2e0: {  	[tilespmem:s3+$0x7CB0] =	vst @!p1 v3;
	_ =	sdelay $0x3  }
0x2e1: {  	[tilespmem:s3+$0x7CA0] =	vst @!p1 v1  }
0x2e2: {  	v1 =	vld [tilespmem:s1+$0x15C80]  }
0x2e3: {  	v2 =	vld [tilespmem:s1+$0x15C90];
	_ =	sdelay $0x3  }
0x2e4: {  	p1 =	seq.s32 s18, $0x0;
	[tilespmem:s1+$0x7CC0] =	vst v1  }
0x2e5: {  	s3 =	sshra.s32 @!p1 s9, $0x2;
	[tilespmem:s1+$0x7CD0] =	vst v2  }
0x2e6: {  	v1 =	vld @!p1 [tilespmem:s3+$0x7D70]  }
0x2e7: {  	v2 =	vld @!p1 [tilespmem:s3+$0x7D50]  }
0x2e8: {  	v3 =	vld @!p1 [tilespmem:s3+$0x7D40]  }
0x2e9: {  	v4 =	vld @!p1 [tilespmem:s3+$0x7D60];
	_ =	sdelay $0x1  }
0x2ea: {  	[tilespmem:s3+$0x7D30] =	vst @!p1 v1  }
0x2eb: {  	[tilespmem:s3+$0x7D10] =	vst @!p1 v2  }
0x2ec: {  	[tilespmem:s3+$0x7D00] =	vst @!p1 v3  }
0x2ed: {  	[tilespmem:s3+$0x7D20] =	vst @!p1 v4  }
0x2ee: {  	v1 =	vld [tilespmem:s1+$0x15D00]  }
0x2ef: {  	v2 =	vld [tilespmem:s1+$0x15D10];
	_ =	sdelay $0x3  }
0x2f0: {  	p1 =	seq.s32 s13, $0x0;
	[tilespmem:s1+$0x7D40] =	vst v1  }
0x2f1: {  	s3 =	sshra.s32 @!p1 s9, $0x2;
	s9 =	smov.u32 s2;
	[tilespmem:s1+$0x7D50] =	vst v2  }
0x2f2: {  	v1 =	vld @!p1 [tilespmem:s3+$0x7DC0]  }
0x2f3: {  	v2 =	vld @!p1 [tilespmem:s3+$0x7DE0]  }
0x2f4: {  	v3 =	vld @!p1 [tilespmem:s3+$0x7DF0]  }
0x2f5: {  	v4 =	vld @!p1 [tilespmem:s3+$0x7DD0];
	_ =	sdelay $0x1  }
0x2f6: {  	[tilespmem:s3+$0x7D80] =	vst @!p1 v1  }
0x2f7: {  	[tilespmem:s3+$0x7DA0] =	vst @!p1 v2  }
0x2f8: {  	[tilespmem:s3+$0x7DB0] =	vst @!p1 v3  }
0x2f9: {  	[tilespmem:s3+$0x7D90] =	vst @!p1 v4  }
0x2fa: {  	v1 =	vld [tilespmem:s1+$0x15D80]  }
0x2fb: {  	v2 =	vld [tilespmem:s1+$0x15D90];
	_ =	sdelay $0x3  }
0x2fc: {  	[tilespmem:s1+$0x7DC0] =	vst v1  }
0x2fd: {  	[tilespmem:s1+$0x7DD0] =	vst v2  }
0x2fe: {  	v1 =	vld [tilespmem:s0+$0x0];
	_ =	sdelay $0x4  }
0x2ff: {  	(v2sf) =	vpush v1, $0x0  }
0x300: {  	(v2sf) =	vpush v1, $0x1  }
0x301: {  	(v2sf) =	vpush v1, $0x2  }
0x302: {  	(v2sf) =	vpush v1, $0x3  }
0x303: {  	(v2sf) =	vpush v1, $0x4  }
0x304: {  	(v2sf) =	vpush v1, $0x5  }
0x305: {  	(v2sf) =	vpush v1, $0x6  }
0x306: {  	(v2sf) =	vpush v1, $0x7  }
0x307: {  	(v2sf) =	vpush v1, $0x8  }
0x308: {  	(v2sf) =	vpush v1, $0x9  }
0x309: {  	(v2sf) =	vpush v1, $0xA  }
0x30a: {  	(v2sf) =	vpush v1, $0xB  }
0x30b: {  	(v2sf) =	vpush v1, $0xC  }
0x30c: {  	(v2sf) =	vpush v1, $0xD  }
0x30d: {  	(v2sf) =	vpush v1, $0xE  }
0x30e: {  	s1 =	spop (v2sf);
	(v2sf) =	vpush v1, $0xF  }
0x30f: {  	p1 =	seq.s32 s1, $0x0;
	s5 =	spop (v2sf)  }
0x310: {  	s1 =	sshra.s32 @!p1 s9, $0x2;
	s3 =	spop (v2sf)  }
0x311: {  	v1 =	vld @!p1 [tilespmem:s1+$0x7670];
	s2 =	spop (v2sf)  }
0x312: {  	v2 =	vld @!p1 [tilespmem:s1+$0x7640];
	s28 =	spop (v2sf)  }
0x313: {  	v3 =	vld @!p1 [tilespmem:s1+$0x7660];
	s21 =	spop (v2sf)  }
0x314: {  	v4 =	vld @!p1 [tilespmem:s1+$0x7650];
	s20 =	spop (v2sf)  }
0x315: {  	s19 =	spop (v2sf)  }
0x316: {  	[tilespmem:s1+$0x7630] =	vst @!p1 v1;
	s11 =	spop (v2sf)  }
0x317: {  	[tilespmem:s1+$0x7600] =	vst @!p1 v2;
	s4 =	spop (v2sf)  }
0x318: {  	[tilespmem:s1+$0x7620] =	vst @!p1 v3;
	s17 =	spop (v2sf)  }
0x319: {  	[tilespmem:s1+$0x7610] =	vst @!p1 v4;
	s1 =	sshra.s32 s9, $0x2;
	s15 =	spop (v2sf)  }
0x31a: {  	v1 =	vld [tilespmem:s1+$0x15600];
	s22 =	spop (v2sf)  }
0x31b: {  	v2 =	vld [tilespmem:s1+$0x15610];
	s12 =	spop (v2sf)  }
0x31c: {  	s18 =	spop (v2sf)  }
0x31d: {  	s13 =	spop (v2sf);
	_ =	sdelay $0x1  }
0x31e: {  	p1 =	seq.s32 s5, $0x0;
	[tilespmem:s1+$0x7640] =	vst v1  }
0x31f: {  	s5 =	sshra.s32 @!p1 s9, $0x2;
	[tilespmem:s1+$0x7650] =	vst v2  }
0x320: {  	v1 =	vld @!p1 [tilespmem:s5+$0x76D0]  }
0x321: {  	v2 =	vld @!p1 [tilespmem:s5+$0x76C0]  }
0x322: {  	v3 =	vld @!p1 [tilespmem:s5+$0x76E0]  }
0x323: {  	v4 =	vld @!p1 [tilespmem:s5+$0x76F0];
	_ =	sdelay $0x1  }
0x324: {  	[tilespmem:s5+$0x7690] =	vst @!p1 v1  }
0x325: {  	[tilespmem:s5+$0x7680] =	vst @!p1 v2  }
0x326: {  	[tilespmem:s5+$0x76A0] =	vst @!p1 v3  }
0x327: {  	[tilespmem:s5+$0x76B0] =	vst @!p1 v4  }
0x328: {  	v1 =	vld [tilespmem:s1+$0x15680]  }
0x329: {  	v2 =	vld [tilespmem:s1+$0x15690];
	_ =	sdelay $0x3  }
0x32a: {  	p1 =	seq.s32 s3, $0x0;
	[tilespmem:s1+$0x76C0] =	vst v1  }
0x32b: {  	s3 =	sshra.s32 @!p1 s9, $0x2;
	[tilespmem:s1+$0x76D0] =	vst v2  }
0x32c: {  	v1 =	vld @!p1 [tilespmem:s3+$0x7740]  }
0x32d: {  	v2 =	vld @!p1 [tilespmem:s3+$0x7750]  }
0x32e: {  	v3 =	vld @!p1 [tilespmem:s3+$0x7760]  }
0x32f: {  	v4 =	vld @!p1 [tilespmem:s3+$0x7770];
	_ =	sdelay $0x1  }
0x330: {  	[tilespmem:s3+$0x7700] =	vst @!p1 v1  }
0x331: {  	[tilespmem:s3+$0x7710] =	vst @!p1 v2  }
0x332: {  	[tilespmem:s3+$0x7720] =	vst @!p1 v3  }
0x333: {  	[tilespmem:s3+$0x7730] =	vst @!p1 v4  }
0x334: {  	v1 =	vld [tilespmem:s1+$0x15700]  }
0x335: {  	v2 =	vld [tilespmem:s1+$0x15710];
	_ =	sdelay $0x3  }
0x336: {  	p1 =	seq.s32 s2, $0x0;
	[tilespmem:s1+$0x7740] =	vst v1  }
0x337: {  	s2 =	sshra.s32 @!p1 s9, $0x2;
	[tilespmem:s1+$0x7750] =	vst v2  }
0x338: {  	v1 =	vld @!p1 [tilespmem:s2+$0x77F0]  }
0x339: {  	v2 =	vld @!p1 [tilespmem:s2+$0x77E0]  }
0x33a: {  	v3 =	vld @!p1 [tilespmem:s2+$0x77C0]  }
0x33b: {  	v4 =	vld @!p1 [tilespmem:s2+$0x77D0];
	_ =	sdelay $0x1  }
0x33c: {  	[tilespmem:s2+$0x77B0] =	vst @!p1 v1  }
0x33d: {  	[tilespmem:s2+$0x77A0] =	vst @!p1 v2  }
0x33e: {  	[tilespmem:s2+$0x7780] =	vst @!p1 v3  }
0x33f: {  	[tilespmem:s2+$0x7790] =	vst @!p1 v4  }
0x340: {  	v1 =	vld [tilespmem:s1+$0x15780]  }
0x341: {  	v2 =	vld [tilespmem:s1+$0x15790];
	_ =	sdelay $0x3  }
0x342: {  	p1 =	seq.s32 s28, $0x0;
	[tilespmem:s1+$0x77C0] =	vst v1  }
0x343: {  	s2 =	sshra.s32 @!p1 s9, $0x2;
	[tilespmem:s1+$0x77D0] =	vst v2  }
0x344: {  	v1 =	vld @!p1 [tilespmem:s2+$0x7860]  }
0x345: {  	v2 =	vld @!p1 [tilespmem:s2+$0x7840]  }
0x346: {  	v3 =	vld @!p1 [tilespmem:s2+$0x7870]  }
0x347: {  	v4 =	vld @!p1 [tilespmem:s2+$0x7850];
	_ =	sdelay $0x1  }
0x348: {  	[tilespmem:s2+$0x7820] =	vst @!p1 v1  }
0x349: {  	[tilespmem:s2+$0x7800] =	vst @!p1 v2  }
0x34a: {  	[tilespmem:s2+$0x7830] =	vst @!p1 v3  }
0x34b: {  	[tilespmem:s2+$0x7810] =	vst @!p1 v4  }
0x34c: {  	v1 =	vld [tilespmem:s1+$0x15800]  }
0x34d: {  	v2 =	vld [tilespmem:s1+$0x15810];
	_ =	sdelay $0x3  }
0x34e: {  	p1 =	seq.s32 s21, $0x0;
	[tilespmem:s1+$0x7840] =	vst v1  }
0x34f: {  	s2 =	sshra.s32 @!p1 s9, $0x2;
	[tilespmem:s1+$0x7850] =	vst v2  }
0x350: {  	v1 =	vld @!p1 [tilespmem:s2+$0x78F0]  }
0x351: {  	v2 =	vld @!p1 [tilespmem:s2+$0x78C0]  }
0x352: {  	v3 =	vld @!p1 [tilespmem:s2+$0x78D0]  }
0x353: {  	v4 =	vld @!p1 [tilespmem:s2+$0x78E0];
	_ =	sdelay $0x1  }
0x354: {  	[tilespmem:s2+$0x78B0] =	vst @!p1 v1  }
0x355: {  	[tilespmem:s2+$0x7880] =	vst @!p1 v2  }
0x356: {  	[tilespmem:s2+$0x7890] =	vst @!p1 v3  }
0x357: {  	[tilespmem:s2+$0x78A0] =	vst @!p1 v4  }
0x358: {  	v1 =	vld [tilespmem:s1+$0x15880]  }
0x359: {  	v2 =	vld [tilespmem:s1+$0x15890];
	_ =	sdelay $0x3  }
0x35a: {  	p1 =	seq.s32 s20, $0x0;
	[tilespmem:s1+$0x78C0] =	vst v1  }
0x35b: {  	s2 =	sshra.s32 @!p1 s9, $0x2;
	[tilespmem:s1+$0x78D0] =	vst v2  }
0x35c: {  	v1 =	vld @!p1 [tilespmem:s2+$0x7940]  }
0x35d: {  	v2 =	vld @!p1 [tilespmem:s2+$0x7950]  }
0x35e: {  	v3 =	vld @!p1 [tilespmem:s2+$0x7960]  }
0x35f: {  	v4 =	vld @!p1 [tilespmem:s2+$0x7970];
	_ =	sdelay $0x1  }
0x360: {  	[tilespmem:s2+$0x7900] =	vst @!p1 v1  }
0x361: {  	[tilespmem:s2+$0x7910] =	vst @!p1 v2  }
0x362: {  	[tilespmem:s2+$0x7920] =	vst @!p1 v3  }
0x363: {  	[tilespmem:s2+$0x7930] =	vst @!p1 v4  }
0x364: {  	v1 =	vld [tilespmem:s1+$0x15900]  }
0x365: {  	v2 =	vld [tilespmem:s1+$0x15910];
	_ =	sdelay $0x3  }
0x366: {  	p1 =	seq.s32 s19, $0x0;
	[tilespmem:s1+$0x7940] =	vst v1  }
0x367: {  	s2 =	sshra.s32 @!p1 s9, $0x2;
	[tilespmem:s1+$0x7950] =	vst v2  }
0x368: {  	v1 =	vld @!p1 [tilespmem:s2+$0x79F0]  }
0x369: {  	v2 =	vld @!p1 [tilespmem:s2+$0x79E0]  }
0x36a: {  	v3 =	vld @!p1 [tilespmem:s2+$0x79C0]  }
0x36b: {  	v4 =	vld @!p1 [tilespmem:s2+$0x79D0];
	_ =	sdelay $0x1  }
0x36c: {  	[tilespmem:s2+$0x79B0] =	vst @!p1 v1  }
0x36d: {  	[tilespmem:s2+$0x79A0] =	vst @!p1 v2  }
0x36e: {  	[tilespmem:s2+$0x7980] =	vst @!p1 v3  }
0x36f: {  	[tilespmem:s2+$0x7990] =	vst @!p1 v4  }
0x370: {  	v1 =	vld [tilespmem:s1+$0x15980]  }
0x371: {  	v2 =	vld [tilespmem:s1+$0x15990];
	_ =	sdelay $0x3  }
0x372: {  	p1 =	seq.s32 s11, $0x0;
	[tilespmem:s1+$0x79C0] =	vst v1  }
0x373: {  	s2 =	sshra.s32 @!p1 s9, $0x2;
	[tilespmem:s1+$0x79D0] =	vst v2  }
0x374: {  	v1 =	vld @!p1 [tilespmem:s2+$0x7A40]  }
0x375: {  	v2 =	vld @!p1 [tilespmem:s2+$0x7A70]  }
0x376: {  	v3 =	vld @!p1 [tilespmem:s2+$0x7A50]  }
0x377: {  	v4 =	vld @!p1 [tilespmem:s2+$0x7A60];
	_ =	sdelay $0x1  }
0x378: {  	[tilespmem:s2+$0x7A00] =	vst @!p1 v1  }
0x379: {  	[tilespmem:s2+$0x7A30] =	vst @!p1 v2  }
0x37a: {  	[tilespmem:s2+$0x7A10] =	vst @!p1 v3  }
0x37b: {  	[tilespmem:s2+$0x7A20] =	vst @!p1 v4  }
0x37c: {  	v1 =	vld [tilespmem:s1+$0x15A00]  }
0x37d: {  	v2 =	vld [tilespmem:s1+$0x15A10];
	_ =	sdelay $0x3  }
0x37e: {  	p1 =	seq.s32 s4, $0x0;
	[tilespmem:s1+$0x7A40] =	vst v1  }
0x37f: {  	s2 =	sshra.s32 @!p1 s9, $0x2;
	[tilespmem:s1+$0x7A50] =	vst v2  }
0x380: {  	v1 =	vld @!p1 [tilespmem:s2+$0x7AF0]  }
0x381: {  	v2 =	vld @!p1 [tilespmem:s2+$0x7AC0]  }
0x382: {  	v3 =	vld @!p1 [tilespmem:s2+$0x7AD0]  }
0x383: {  	v4 =	vld @!p1 [tilespmem:s2+$0x7AE0];
	_ =	sdelay $0x1  }
0x384: {  	[tilespmem:s2+$0x7AB0] =	vst @!p1 v1  }
0x385: {  	[tilespmem:s2+$0x7A80] =	vst @!p1 v2  }
0x386: {  	[tilespmem:s2+$0x7A90] =	vst @!p1 v3  }
0x387: {  	[tilespmem:s2+$0x7AA0] =	vst @!p1 v4  }
0x388: {  	v1 =	vld [tilespmem:s1+$0x15A80]  }
0x389: {  	v2 =	vld [tilespmem:s1+$0x15A90];
	_ =	sdelay $0x3  }
0x38a: {  	p1 =	seq.s32 s17, $0x0;
	[tilespmem:s1+$0x7AC0] =	vst v1  }
0x38b: {  	s2 =	sshra.s32 @!p1 s9, $0x2;
	[tilespmem:s1+$0x7AD0] =	vst v2  }
0x38c: {  	v1 =	vld @!p1 [tilespmem:s2+$0x7B70]  }
0x38d: {  	v2 =	vld @!p1 [tilespmem:s2+$0x7B40]  }
0x38e: {  	v3 =	vld @!p1 [tilespmem:s2+$0x7B50]  }
0x38f: {  	v4 =	vld @!p1 [tilespmem:s2+$0x7B60];
	_ =	sdelay $0x1  }
0x390: {  	[tilespmem:s2+$0x7B30] =	vst @!p1 v1  }
0x391: {  	[tilespmem:s2+$0x7B00] =	vst @!p1 v2  }
0x392: {  	[tilespmem:s2+$0x7B10] =	vst @!p1 v3  }
0x393: {  	[tilespmem:s2+$0x7B20] =	vst @!p1 v4  }
0x394: {  	v1 =	vld [tilespmem:s1+$0x15B00]  }
0x395: {  	v2 =	vld [tilespmem:s1+$0x15B10];
	_ =	sdelay $0x3  }
0x396: {  	p1 =	seq.s32 s15, $0x0;
	[tilespmem:s1+$0x7B40] =	vst v1  }
0x397: {  	s2 =	sshra.s32 @!p1 s9, $0x2;
	[tilespmem:s1+$0x7B50] =	vst v2  }
0x398: {  	v1 =	vld @!p1 [tilespmem:s2+$0x7BE0]  }
0x399: {  	v2 =	vld @!p1 [tilespmem:s2+$0x7BF0]  }
0x39a: {  	v3 =	vld @!p1 [tilespmem:s2+$0x7BC0]  }
0x39b: {  	v4 =	vld @!p1 [tilespmem:s2+$0x7BD0];
	_ =	sdelay $0x1  }
0x39c: {  	[tilespmem:s2+$0x7BA0] =	vst @!p1 v1  }
0x39d: {  	[tilespmem:s2+$0x7BB0] =	vst @!p1 v2  }
0x39e: {  	[tilespmem:s2+$0x7B80] =	vst @!p1 v3  }
0x39f: {  	[tilespmem:s2+$0x7B90] =	vst @!p1 v4  }
0x3a0: {  	v2 =	vld [tilespmem:s1+$0x15B80]  }
.Ltmp5:
0x3a1: {  	v1 =	vld [tilespmem:s1+$0x15B90];
	(pc) =	sbr.rel @p0 .LBB2_13-.Ltmp5, $2  }
0x3a2: {  	_ =	sdelay $0x2  }
0x3a3: {  	p1 =	seq.s32 s22, $0x0;
	[tilespmem:s1+$0x7BC0] =	vst v2  }
0x3a4: {  	[tilespmem:s1+$0x7BD0] =	vst v1;
	s0 =	sshra.s32 @!p1 s9, $0x2  }
0x3a5: {  	v1 =	vld @!p1 [tilespmem:s0+$0x7C50]  }
0x3a6: {  	v2 =	vld @!p1 [tilespmem:s0+$0x7C70]  }
0x3a7: {  	v3 =	vld @!p1 [tilespmem:s0+$0x7C60]  }
0x3a8: {  	v4 =	vld @!p1 [tilespmem:s0+$0x7C40];
	_ =	sdelay $0x1  }
0x3a9: {  	[tilespmem:s0+$0x7C10] =	vst @!p1 v1  }
0x3aa: {  	[tilespmem:s0+$0x7C30] =	vst @!p1 v2  }
0x3ab: {  	[tilespmem:s0+$0x7C20] =	vst @!p1 v3  }
0x3ac: {  	[tilespmem:s0+$0x7C00] =	vst @!p1 v4  }
0x3ad: {  	v1 =	vld [tilespmem:s1+$0x15C00]  }
0x3ae: {  	v2 =	vld [tilespmem:s1+$0x15C10];
	_ =	sdelay $0x3  }
0x3af: {  	p0 =	seq.s32 s12, $0x0;
	[tilespmem:s1+$0x7C40] =	vst v1  }
0x3b0: {  	s0 =	sshra.s32 @!p0 s9, $0x2;
	[tilespmem:s1+$0x7C50] =	vst v2  }
0x3b1: {  	v1 =	vld @!p0 [tilespmem:s0+$0x7CD0]  }
0x3b2: {  	v2 =	vld @!p0 [tilespmem:s0+$0x7CC0]  }
0x3b3: {  	v3 =	vld @!p0 [tilespmem:s0+$0x7CF0]  }
0x3b4: {  	v4 =	vld @!p0 [tilespmem:s0+$0x7CE0];
	_ =	sdelay $0x1  }
0x3b5: {  	[tilespmem:s0+$0x7C90] =	vst @!p0 v1  }
0x3b6: {  	[tilespmem:s0+$0x7C80] =	vst @!p0 v2  }
0x3b7: {  	[tilespmem:s0+$0x7CB0] =	vst @!p0 v3  }
0x3b8: {  	[tilespmem:s0+$0x7CA0] =	vst @!p0 v4  }
0x3b9: {  	v1 =	vld [tilespmem:s1+$0x15C80]  }
0x3ba: {  	v2 =	vld [tilespmem:s1+$0x15C90];
	_ =	sdelay $0x3  }
0x3bb: {  	p0 =	seq.s32 s18, $0x0;
	[tilespmem:s1+$0x7CC0] =	vst v1  }
0x3bc: {  	s0 =	sshra.s32 @!p0 s9, $0x2;
	[tilespmem:s1+$0x7CD0] =	vst v2  }
0x3bd: {  	v1 =	vld @!p0 [tilespmem:s0+$0x7D70]  }
0x3be: {  	v2 =	vld @!p0 [tilespmem:s0+$0x7D50]  }
0x3bf: {  	v3 =	vld @!p0 [tilespmem:s0+$0x7D40]  }
0x3c0: {  	v4 =	vld @!p0 [tilespmem:s0+$0x7D60];
	_ =	sdelay $0x1  }
0x3c1: {  	[tilespmem:s0+$0x7D30] =	vst @!p0 v1  }
0x3c2: {  	[tilespmem:s0+$0x7D10] =	vst @!p0 v2  }
0x3c3: {  	[tilespmem:s0+$0x7D00] =	vst @!p0 v3  }
0x3c4: {  	[tilespmem:s0+$0x7D20] =	vst @!p0 v4  }
0x3c5: {  	v1 =	vld [tilespmem:s1+$0x15D00]  }
0x3c6: {  	v2 =	vld [tilespmem:s1+$0x15D10];
	_ =	sdelay $0x3  }
0x3c7: {  	p0 =	seq.s32 s13, $0x0;
	[tilespmem:s1+$0x7D40] =	vst v1  }
0x3c8: {  	s0 =	sshra.s32 @!p0 s9, $0x2;
	[tilespmem:s1+$0x7D50] =	vst v2  }
0x3c9: {  	v1 =	vld @!p0 [tilespmem:s0+$0x7DC0]  }
0x3ca: {  	v2 =	vld @!p0 [tilespmem:s0+$0x7DE0]  }
0x3cb: {  	v3 =	vld @!p0 [tilespmem:s0+$0x7DF0]  }
0x3cc: {  	v4 =	vld @!p0 [tilespmem:s0+$0x7DD0];
	_ =	sdelay $0x1  }
0x3cd: {  	[tilespmem:s0+$0x7D80] =	vst @!p0 v1  }
0x3ce: {  	[tilespmem:s0+$0x7DA0] =	vst @!p0 v2  }
0x3cf: {  	[tilespmem:s0+$0x7DB0] =	vst @!p0 v3  }
0x3d0: {  	[tilespmem:s0+$0x7D90] =	vst @!p0 v4  }
0x3d1: {  	v1 =	vld [tilespmem:s1+$0x15D80]  }
0x3d2: {  	v2 =	vld [tilespmem:s1+$0x15D90];
	_ =	sdelay $0x2  }
0x3d3: {  	s30 =	sadd.s32 $0x1, s30  }
0x3d4: {  	s31 =	sshll.u32 s31, $0x4;
	p0 =	sne.s32 s30, $0x7;
	[tilespmem:s1+$0x7DC0] =	vst v1  }
.Ltmp6:
0x3d5: {  	s9 =	simm.s32 $0x7600;
	s0 =	sadd.s32 s8, s31;
	[tilespmem:s1+$0x7DD0] =	vst v2;
	(pc) =	sbr.rel @p0 .LBB2_4-.Ltmp6, $4  }
0x3d6: {  	[hbm4b:s0+s29] =	stream.linear.scatter [tilespmem:s9], [sflag:$0x5], $0x7000, $0x38;
	[tilespmem:$0x1C600] =	vst v63  }
0x3d7: {  	_ =	swait.ge [sflag:s14], $0x7000  }
0x3d8: {  	[sflag:s14] =	ssyncset.done $0x0  }
0x3d9: {  	s4 =	simm.s32 $0x100;
	s5 =	simm.s32 $0x500;
	[sflag:s14] =	ssyncadd.s32 $0xFFFF9000  }
0x3da: {  	s1 =	rddreg [dreg:$0x8]  }
0x3db: {  	s0 =	rddreg [dreg:$0x7];
	s1 =	sadd.s32 $0x1, s1  }
0x3dc: {  	p0 =	sne.s32 s1, s0  }
.Ltmp7:
0x3dd: {  	_ = 	snop;
	(pc) =	sbr.rel @p0 .LBB2_1-.Ltmp7, $2  }
0x3de: {  	_ =	sdelay $0x2  }
0x3df: {  	s3 =	simm.s32 $0x400  }
0x3e0: {  	_ =	sfence.sel $0x180000  }
0x3e1: {  	[bflag:$0x0] =	sbarrier.arrive $0xFFFF  }
0x3e2: {  	_ =	strace $0x9000004A  }
0x3e3: {  	s0 =	stileid.u32;
	[bflag:$0x2] =	sbarrier.arrive $0xFFFF  }
0x3e4: {  	p0 =	sne.s32 s0, $0x0;
	s0 =	rddreg [dreg:$0x1]  }
0x3e5: {  	s0 =	sadd.s32 @!p0 $0x100000, s0  }
0x3e6: {  	[sflag:s0] =	ssyncadd.tile.s32 @!p0 $0x1;
	_ =	shalt  }
.Lfunc_end2:
_tile_overlayer_lowered:
.L_overlay_start_2:
0x3e7: {  	(tag) =	ssettag $0x2  }
0x3e8: {  	s0 =	rddreg [dreg:$0x0];
	s2 =	stileid.u32  }
0x3e9: {  	s1 =	rddreg [dreg:$0x1];
	p0 =	sne.s32 s2, $0x0  }
0x3ea: {  	s3 =	rddreg [dreg:$0x2];
	[bflag:$0x3] =	sbarrier.arrive $0xFFFF;
	s2 =	simm.s32 @!p0 $0x1C05  }
0x3eb: {  	[timem:s3], [sflag:s2] =	dma.local @!p0 [hbm:s0], s1  }
0x3ec: {  	s0 =	simm.s32 @!p0 $0x5  }
0x3ed: {  	_ =	swait.ge @!p0 [sflag:s0], s1  }
0x3ee: {  	s1 =	ssub.s32 @!p0 $0x0, s1;
	[sflag:s0] =	ssyncset.done @!p0 $0x0  }
0x3ef: {  	[sflag:s0] =	ssyncadd.s32 @!p0 s1  }
0x3f0: {  	[bflag:$0x3] =	sbarrier.arrive $0xFFFF  }
0x3f1: {  	_ =	shalt  }

</sc_bundles>
